<compile_context>
chip_gen: v7x
topology: tpu7x:2x2x1
jax: 0.10.2.dev20260603
libtpu: 0.0.44.dev20260713+nightly
codegen_flags: <defaults>
</compile_context>

<pallas_src>
import jax
import jax.numpy as jnp
from jax import lax
from jax.experimental import pallas as pl
from jax.experimental.pallas import tpu as pltpu
from jax.experimental.pallas import tpu_sc as plsc

HIDDEN = 2048
NUM_EXPERTS = 64
TOPK = 8
CPU_K = 24
LANES = 16
NUM_WORKERS = 32



def _matmul_body(x_ref, w_ref, o_ref):
    o_ref[...] = lax.dot_general(
        x_ref[...], w_ref[...], (((1,), (1,)), ((), ())),
        precision=lax.Precision.DEFAULT,
        preferred_element_type=jnp.float32)


def _router_logits(hs2, wg, row_offset=0, crows=None):
    m = hs2.shape[0] if crows is None else crows
    bm = 1024
    nb = m // bm
    off = row_offset // bm
    return pl.pallas_call(
        _matmul_body,
        grid=(nb,),
        in_specs=[pl.BlockSpec((bm, HIDDEN), lambda i, o=off: (i + o, 0)),
                  pl.BlockSpec((NUM_EXPERTS, HIDDEN), lambda i: (0, 0))],
        out_specs=pl.BlockSpec((bm, NUM_EXPERTS), lambda i: (i, 0)),
        out_shape=jax.ShapeDtypeStruct((m, NUM_EXPERTS), jnp.float32),
    )(hs2, wg)



def _beats(ka, ia, kb, ib):
    del ia, ib
    return ka > kb


def _sc_body(rows_per_worker, chunk_rows, logits_hbm, w_hbm, idx_hbm, lv, wv, iv):
    wid = lax.axis_index("s") * 2 + lax.axis_index("c")
    base = wid * rows_per_worker

    iota = lax.iota(jnp.int32, LANES)
    mask8 = iota < TOPK

    def row(r, carry):
        ks, js = [], []
        for c in range(4):
            v = lv[r, pl.ds(c * LANES, LANES)]
            k_, j_ = plsc.sort_key_val(v, iota + (LANES * c), descending=True)
            ks.append(k_)
            js.append(j_)

        def merge2(k0, i0, k1, i1):
            brk = lax.rev(k1, (0,))
            bri = lax.rev(i1, (0,))
            win = _beats(k0, i0, brk, bri)
            wk = jnp.where(win, k0, brk)
            wi = jnp.where(win, i0, bri)
            lk = jnp.where(win, brk, k0)
            li = jnp.where(win, bri, i0)
            wk, wi = plsc.sort_key_val(wk, wi, descending=True)
            lk, li = plsc.sort_key_val(lk, li, descending=True)
            return wk, wi, lk, li

        a0k, a0i, a1k, a1i = merge2(ks[0], js[0], ks[1], js[1])
        b0k, b0i, b1k, b1i = merge2(ks[2], js[2], ks[3], js[3])

        br0k = lax.rev(b1k, (0,))
        br0i = lax.rev(b1i, (0,))
        br1k = lax.rev(b0k, (0,))
        br1i = lax.rev(b0i, (0,))
        w0 = _beats(a0k, a0i, br0k, br0i)
        h0k = jnp.where(w0, a0k, br0k)
        h0i = jnp.where(w0, a0i, br0i)
        w1 = _beats(a1k, a1i, br1k, br1i)
        h1k = jnp.where(w1, a1k, br1k)
        h1i = jnp.where(w1, a1i, br1i)
        wd = _beats(h0k, h0i, h1k, h1i)
        t0k = jnp.where(wd, h0k, h1k)
        t0i = jnp.where(wd, h0i, h1i)
        t1i = jnp.where(wd, h1i, h0i)
        t1k = jnp.where(wd, h1k, h0k)
        t0k, t0i = plsc.sort_key_val(t0k, t0i, descending=True)
        t1k, t1i = plsc.sort_key_val(t1k, t1i, descending=True)

        m = jnp.max(t0k)
        e = jnp.exp(t0k - m)
        e8 = jnp.where(mask8, e, 0.0)
        s = jnp.sum(e8)
        wv[r, pl.ds(0, LANES)] = e8 / s
        iv[r, pl.ds(0, LANES)] = t0i
        iv[r, pl.ds(LANES, LANES)] = t1i
        return carry

    def row_pair(i, carry):
        row(2 * i, carry)
        row(2 * i + 1, carry)
        return carry

    for chunk in range(rows_per_worker // chunk_rows):
        cbase = base + chunk * chunk_rows
        pltpu.sync_copy(logits_hbm.at[pl.ds(cbase, chunk_rows)], lv)
        lax.fori_loop(0, chunk_rows // 2, row_pair, 0)
        pltpu.sync_copy(wv, w_hbm.at[pl.ds(cbase, chunk_rows)])
        pltpu.sync_copy(iv, idx_hbm.at[pl.ds(cbase, chunk_rows)])


def _sc_topk(logits):
    rows = logits.shape[0]
    rpw = rows // NUM_WORKERS
    cr = min(256, rpw)
    while rpw % cr or cr % 2:
        cr -= 1
    mesh = plsc.VectorSubcoreMesh(core_axis_name="c", subcore_axis_name="s")
    f = pl.kernel(
        lambda *args: _sc_body(rpw, cr, *args),
        out_type=(jax.ShapeDtypeStruct((rows, LANES), jnp.float32),
                  jax.ShapeDtypeStruct((rows, 2 * LANES), jnp.int32)),
        mesh=mesh,
        scratch_types=[pltpu.VMEM((cr, NUM_EXPERTS), jnp.float32),
                       pltpu.VMEM((cr, LANES), jnp.float32),
                       pltpu.VMEM((cr, 2 * LANES), jnp.int32)],
        compiler_params=pltpu.CompilerParams(needs_layout_passes=False),
    )
    return f(logits)


def kernel(hidden_states, wg_weight):
    b, s, h = hidden_states.shape
    hs2 = hidden_states.reshape(b * s, h)
    chunk_rows = (11264, 5120)
    w_parts, idx_parts = [], []
    off = 0
    for crows in chunk_rows:
        logits_c = _router_logits(hs2, wg_weight, row_offset=off, crows=crows)
        off += crows
        w_c, idx_c = _sc_topk(logits_c)
        w_parts.append(w_c)
        idx_parts.append(idx_c)
    w_p = jnp.concatenate(w_parts, axis=0)
    idx_p = jnp.concatenate(idx_parts, axis=0)
    expert_weight = w_p[:, :TOPK]
    expert_index = idx_p[:, :TOPK]
    cpu_expert_index = idx_p[:, TOPK:TOPK + CPU_K]
    return expert_weight, expert_index, cpu_expert_index, expert_index

# --- scband reference (transcript-rebuilt; emitter-appended) ---
"""Pipeline reference for scband-hunyuan-top-kgate-78469052498380 (READ-ONLY COPY).

The authoritative reference and input builder live on the scoring server;
editing this copy changes nothing except your own understanding.
"""

import jax, jax.numpy as jnp
import numpy as np

HIDDEN_SIZE = 2048
NUM_EXPERTS = 64
MOE_TOPK = 8
ADDITIONAL_LAYERS_IN_GPU = 0
CPU_MOE_RATIO = 0.5


def setup_inputs(seed: int = 0) -> dict:
    key = jax.random.key(seed)
    k1, k2 = jax.random.split(key)
    hidden_states = jax.random.normal(k1, (4, 4096, HIDDEN_SIZE), dtype=jnp.float32)
    # nn.Linear(hidden_size, num_experts, bias=False) weight: [num_experts, hidden_size]
    bound = 1.0 / np.sqrt(HIDDEN_SIZE)
    wg_weight = jax.random.uniform(k2, (NUM_EXPERTS, HIDDEN_SIZE), dtype=jnp.float32, minval=-bound, maxval=bound)
    return {"hidden_states": hidden_states, "wg_weight": wg_weight}


def reference(hidden_states, wg_weight):
    bsz, seq_len, hidden_size = hidden_states.shape
    hs = hidden_states.reshape(-1, hidden_size).astype(jnp.float32)
    logits = hs @ wg_weight.T
    gates = jax.nn.softmax(logits, axis=1)
    extra = ADDITIONAL_LAYERS_IN_GPU
    values_all, indices_all = jax.lax.top_k(gates, MOE_TOPK + extra)
    expert_weight = values_all[:, :MOE_TOPK]
    expert_index = indices_all[:, :MOE_TOPK]
    _, cpu_idx_full = jax.lax.top_k(gates, int(CPU_MOE_RATIO * 64))
    cpu_expert_index = cpu_idx_full[:, 8 + ADDITIONAL_LAYERS_IN_GPU:]
    # norm_topk_prob=True, topk>1
    eps = jnp.finfo(jnp.float32).eps
    denom = jnp.maximum(expert_weight.sum(axis=1, keepdims=True), eps)
    expert_weight = expert_weight / denom
    return (expert_weight, expert_index, cpu_expert_index, indices_all)

if __name__ == "__main__":
    import jax
    _d = setup_inputs()
    print(jax.jit(kernel)(*tuple(_d.values())))

</pallas_src>

<mosaic_0001>
#map = affine_map<(d0, d1) -> (0, 0)>
module attributes {stable_mosaic.version = 14 : i64} {
  func.func @_lambda_(%arg0: i32, %arg1: i32, %arg2: memref<11264x64xf32, #tpu.memory_space<hbm>>, %arg3: memref<11264x16xf32, #tpu.memory_space<hbm>>, %arg4: memref<11264x32xi32, #tpu.memory_space<hbm>>, %arg5: memref<176x64xf32, #tpu.memory_space<vmem>>, %arg6: memref<176x16xf32, #tpu.memory_space<vmem>>, %arg7: memref<176x32xi32, #tpu.memory_space<vmem>>) attributes {dimension_semantics = [#tpu.dimension_semantics<core_parallel>, #tpu.dimension_semantics<subcore_parallel>], iteration_bounds = array<i64: 2, 16>, scalar_prefetch = 0 : i64, scratch_operands = 3 : i64, tpu.core_type = #tpu.core_type<sc_vector_subcore>, window_params = [{transform_indices = #map}, {transform_indices = #map}, {transform_indices = #map}]} {
    %mul3A = arith.constant 2 : i32
    %mul3A_0 = arith.muli %arg1, %mul3A : i32
    %add3A = arith.addi %mul3A_0, %arg0 : i32
    %mul3A_1 = arith.constant 352 : i32
    %mul3A_2 = arith.muli %add3A, %mul3A_1 : i32
    %iota3A = tpu.iota {dimensions = array<i32: 0>} : vector<16xi32>
    %lt3A = arith.constant 8 : i32
    %lt3A_3 = vector.broadcast %lt3A : i32 to vector<16xi32>
    %lt3A_4 = arith.cmpi slt, %iota3A, %lt3A_3 : vector<16xi32>
    %add3A_5 = arith.constant 0 : i32
    %add3A_6 = arith.addi %mul3A_2, %add3A_5 : i32
    "tpu.region"() ({
      %run_scoped3A = tpu.sem_alloc : memref<!tpu.dma_semaphore, #tpu.memory_space<semaphore_mem>>
      %dma_start3A = arith.constant 0 : i32
      %dma_start3A_20 = tpu.memref_slice %arg2[%add3A_6, %dma_start3A] : memref<11264x64xf32, #tpu.memory_space<hbm>> -> memref<176x64xf32, #tpu.memory_space<hbm>>
      %dma_start3A_21 = arith.constant 0 : i32
      %dma_start3A_22 = tpu.memref_slice %arg2[%add3A_6, %dma_start3A_21] : memref<11264x64xf32, #tpu.memory_space<hbm>> -> memref<176x64xf32, #tpu.memory_space<hbm>>
      tpu.enqueue_dma source(%dma_start3A_22 : memref<176x64xf32, #tpu.memory_space<hbm>>) target(%arg5 : memref<176x64xf32, #tpu.memory_space<vmem>>) target_semaphore(%run_scoped3A : memref<!tpu.dma_semaphore, #tpu.memory_space<semaphore_mem>>)
      %dma_wait3A = arith.constant 0 : i32
      %dma_wait3A_23 = tpu.memref_slice %arg2[%add3A_6, %dma_wait3A] : memref<11264x64xf32, #tpu.memory_space<hbm>> -> memref<176x64xf32, #tpu.memory_space<hbm>>
      %dma_wait3A_24 = arith.constant 0 : i32
      %dma_wait3A_25 = tpu.memref_slice %arg2[%add3A_6, %dma_wait3A_24] : memref<11264x64xf32, #tpu.memory_space<hbm>> -> memref<176x64xf32, #tpu.memory_space<hbm>>
      tpu.wait_dma2 semaphore(%run_scoped3A : memref<!tpu.dma_semaphore, #tpu.memory_space<semaphore_mem>>) src(%dma_wait3A_25 : memref<176x64xf32, #tpu.memory_space<hbm>>) dst(%arg5 : memref<176x64xf32, #tpu.memory_space<vmem>>)
      tpu.yield
    }) : () -> ()
    %scan3A = arith.constant 0 : i32
    %scan3A_7 = arith.constant 0 : i32
    %scan3A_8 = arith.constant 88 : i32
    %scan3A_9 = arith.addi %scan3A_7, %scan3A_8 : i32
    %scan3A_10 = arith.constant 1 : i32
    scf.for %scan3A_20 = %scan3A_7 to %scan3A_9 step %scan3A_10  : i32 {
      %mul3A_21 = arith.constant 2 : i32
      %mul3A_22 = arith.muli %mul3A_21, %scan3A_20 : i32
      %get3A = arith.index_cast %mul3A_22 : i32 to index
      %get3A_23 = arith.constant 0 : index
      %get3A_24 = tpu.vector_load %arg5[%get3A, %get3A_23] {strides = array<i32>} : memref<176x64xf32, #tpu.memory_space<vmem>>, vector<16xf32>,
      %add3A_25 = arith.constant 0 : i32
      %add3A_26 = vector.broadcast %add3A_25 : i32 to vector<16xi32>
      %add3A_27 = arith.addi %iota3A, %add3A_26 : vector<16xi32>
      %masked_sort3A = arith.constant dense<true> : vector<16xi1>
      %masked_sort3A_28, %masked_sort3A_29, %masked_sort3A_30 = tpu.sort %get3A_24, %add3A_27 masked %masked_sort3A {descending = true} : (vector<16xf32>, vector<16xi32>, vector<16xi1>) -> (vector<16xi1>, vector<16xf32>, vector<16xi32>)
      %get3A_31 = arith.index_cast %mul3A_22 : i32 to index
      %get3A_32 = arith.constant 16 : index
      %get3A_33 = tpu.vector_load %arg5[%get3A_31, %get3A_32] {strides = array<i32>} : memref<176x64xf32, #tpu.memory_space<vmem>>, vector<16xf32>,
      %add3A_34 = arith.constant 16 : i32
      %add3A_35 = vector.broadcast %add3A_34 : i32 to vector<16xi32>
      %add3A_36 = arith.addi %iota3A, %add3A_35 : vector<16xi32>
      %masked_sort3A_37 = arith.constant dense<true> : vector<16xi1>
      %masked_sort3A_38, %masked_sort3A_39, %masked_sort3A_40 = tpu.sort %get3A_33, %add3A_36 masked %masked_sort3A_37 {descending = true} : (vector<16xf32>, vector<16xi32>, vector<16xi1>) -> (vector<16xi1>, vector<16xf32>, vector<16xi32>)
      %get3A_41 = arith.index_cast %mul3A_22 : i32 to index
      %get3A_42 = arith.constant 32 : index
      %get3A_43 = tpu.vector_load %arg5[%get3A_41, %get3A_42] {strides = array<i32>} : memref<176x64xf32, #tpu.memory_space<vmem>>, vector<16xf32>,
      %add3A_44 = arith.constant 32 : i32
      %add3A_45 = vector.broadcast %add3A_44 : i32 to vector<16xi32>
      %add3A_46 = arith.addi %iota3A, %add3A_45 : vector<16xi32>
      %masked_sort3A_47 = arith.constant dense<true> : vector<16xi1>
      %masked_sort3A_48, %masked_sort3A_49, %masked_sort3A_50 = tpu.sort %get3A_43, %add3A_46 masked %masked_sort3A_47 {descending = true} : (vector<16xf32>, vector<16xi32>, vector<16xi1>) -> (vector<16xi1>, vector<16xf32>, vector<16xi32>)
      %get3A_51 = arith.index_cast %mul3A_22 : i32 to index
      %get3A_52 = arith.constant 48 : index
      %get3A_53 = tpu.vector_load %arg5[%get3A_51, %get3A_52] {strides = array<i32>} : memref<176x64xf32, #tpu.memory_space<vmem>>, vector<16xf32>,
      %add3A_54 = arith.constant 48 : i32
      %add3A_55 = vector.broadcast %add3A_54 : i32 to vector<16xi32>
      %add3A_56 = arith.addi %iota3A, %add3A_55 : vector<16xi32>
      %masked_sort3A_57 = arith.constant dense<true> : vector<16xi1>
      %masked_sort3A_58, %masked_sort3A_59, %masked_sort3A_60 = tpu.sort %get3A_53, %add3A_56 masked %masked_sort3A_57 {descending = true} : (vector<16xf32>, vector<16xi32>, vector<16xi1>) -> (vector<16xi1>, vector<16xf32>, vector<16xi32>)
      %rev3A = arith.constant 15 : i32
      %rev3A_61 = vector.broadcast %rev3A : i32 to vector<16xi32>
      %rev3A_62 = tpu.iota {dimensions = array<i32: 0>} : vector<16xi32>
      %rev3A_63 = arith.subi %rev3A_61, %rev3A_62 : vector<16xi32>
      %rev3A_64 = tpu.dynamic_gather %masked_sort3A_39[%rev3A_63] in [0] : vector<16xf32>, vector<16xi32> -> vector<16xf32>
      %rev3A_65 = arith.constant 15 : i32
      %rev3A_66 = vector.broadcast %rev3A_65 : i32 to vector<16xi32>
      %rev3A_67 = tpu.iota {dimensions = array<i32: 0>} : vector<16xi32>
      %rev3A_68 = arith.subi %rev3A_66, %rev3A_67 : vector<16xi32>
      %rev3A_69 = tpu.dynamic_gather %masked_sort3A_40[%rev3A_68] in [0] : vector<16xi32>, vector<16xi32> -> vector<16xi32>
      %gt3A = arith.cmpf ogt, %masked_sort3A_29, %rev3A_64 : vector<16xf32>
      %select_n3A = arith.select %gt3A, %masked_sort3A_29, %rev3A_64 : vector<16xi1>, vector<16xf32>
      %select_n3A_70 = arith.select %gt3A, %masked_sort3A_30, %rev3A_69 : vector<16xi1>, vector<16xi32>
      %select_n3A_71 = arith.select %gt3A, %rev3A_64, %masked_sort3A_29 : vector<16xi1>, vector<16xf32>
      %select_n3A_72 = arith.select %gt3A, %rev3A_69, %masked_sort3A_30 : vector<16xi1>, vector<16xi32>
      %masked_sort3A_73 = arith.constant dense<true> : vector<16xi1>
      %masked_sort3A_74, %masked_sort3A_75, %masked_sort3A_76 = tpu.sort %select_n3A, %select_n3A_70 masked %masked_sort3A_73 {descending = true} : (vector<16xf32>, vector<16xi32>, vector<16xi1>) -> (vector<16xi1>, vector<16xf32>, vector<16xi32>)
      %masked_sort3A_77 = arith.constant dense<true> : vector<16xi1>
      %masked_sort3A_78, %masked_sort3A_79, %masked_sort3A_80 = tpu.sort %select_n3A_71, %select_n3A_72 masked %masked_sort3A_77 {descending = true} : (vector<16xf32>, vector<16xi32>, vector<16xi1>) -> (vector<16xi1>, vector<16xf32>, vector<16xi32>)
      %rev3A_81 = arith.constant 15 : i32
      %rev3A_82 = vector.broadcast %rev3A_81 : i32 to vector<16xi32>
      %rev3A_83 = tpu.iota {dimensions = array<i32: 0>} : vector<16xi32>
      %rev3A_84 = arith.subi %rev3A_82, %rev3A_83 : vector<16xi32>
      %rev3A_85 = tpu.dynamic_gather %masked_sort3A_59[%rev3A_84] in [0] : vector<16xf32>, vector<16xi32> -> vector<16xf32>
      %rev3A_86 = arith.constant 15 : i32
      %rev3A_87 = vector.broadcast %rev3A_86 : i32 to vector<16xi32>
      %rev3A_88 = tpu.iota {dimensions = array<i32: 0>} : vector<16xi32>
      %rev3A_89 = arith.subi %rev3A_87, %rev3A_88 : vector<16xi32>
      %rev3A_90 = tpu.dynamic_gather %masked_sort3A_60[%rev3A_89] in [0] : vector<16xi32>, vector<16xi32> -> vector<16xi32>
      %gt3A_91 = arith.cmpf ogt, %masked_sort3A_49, %rev3A_85 : vector<16xf32>
      %select_n3A_92 = arith.select %gt3A_91, %masked_sort3A_49, %rev3A_85 : vector<16xi1>, vector<16xf32>
      %select_n3A_93 = arith.select %gt3A_91, %masked_sort3A_50, %rev3A_90 : vector<16xi1>, vector<16xi32>
      %select_n3A_94 = arith.select %gt3A_91, %rev3A_85, %masked_sort3A_49 : vector<16xi1>, vector<16xf32>
      %select_n3A_95 = arith.select %gt3A_91, %rev3A_90, %masked_sort3A_50 : vector<16xi1>, vector<16xi32>
      %masked_sort3A_96 = arith.constant dense<true> : vector<16xi1>
      %masked_sort3A_97, %masked_sort3A_98, %masked_sort3A_99 = tpu.sort %select_n3A_92, %select_n3A_93 masked %masked_sort3A_96 {descending = true} : (vector<16xf32>, vector<16xi32>, vector<16xi1>) -> (vector<16xi1>, vector<16xf32>, vector<16xi32>)
      %masked_sort3A_100 = arith.constant dense<true> : vector<16xi1>
      %masked_sort3A_101, %masked_sort3A_102, %masked_sort3A_103 = tpu.sort %select_n3A_94, %select_n3A_95 masked %masked_sort3A_100 {descending = true} : (vector<16xf32>, vector<16xi32>, vector<16xi1>) -> (vector<16xi1>, vector<16xf32>, vector<16xi32>)
      %rev3A_104 = arith.constant 15 : i32
      %rev3A_105 = vector.broadcast %rev3A_104 : i32 to vector<16xi32>
      %rev3A_106 = tpu.iota {dimensions = array<i32: 0>} : vector<16xi32>
      %rev3A_107 = arith.subi %rev3A_105, %rev3A_106 : vector<16xi32>
      %rev3A_108 = tpu.dynamic_gather %masked_sort3A_102[%rev3A_107] in [0] : vector<16xf32>, vector<16xi32> -> vector<16xf32>
      %rev3A_109 = arith.constant 15 : i32
      %rev3A_110 = vector.broadcast %rev3A_109 : i32 to vector<16xi32>
      %rev3A_111 = tpu.iota {dimensions = array<i32: 0>} : vector<16xi32>
      %rev3A_112 = arith.subi %rev3A_110, %rev3A_111 : vector<16xi32>
      %rev3A_113 = tpu.dynamic_gather %masked_sort3A_103[%rev3A_112] in [0] : vector<16xi32>, vector<16xi32> -> vector<16xi32>
      %rev3A_114 = arith.constant 15 : i32
      %rev3A_115 = vector.broadcast %rev3A_114 : i32 to vector<16xi32>
      %rev3A_116 = tpu.iota {dimensions = array<i32: 0>} : vector<16xi32>
      %rev3A_117 = arith.subi %rev3A_115, %rev3A_116 : vector<16xi32>
      %rev3A_118 = tpu.dynamic_gather %masked_sort3A_98[%rev3A_117] in [0] : vector<16xf32>, vector<16xi32> -> vector<16xf32>
      %rev3A_119 = arith.constant 15 : i32
      %rev3A_120 = vector.broadcast %rev3A_119 : i32 to vector<16xi32>
      %rev3A_121 = tpu.iota {dimensions = array<i32: 0>} : vector<16xi32>
      %rev3A_122 = arith.subi %rev3A_120, %rev3A_121 : vector<16xi32>
      %rev3A_123 = tpu.dynamic_gather %masked_sort3A_99[%rev3A_122] in [0] : vector<16xi32>, vector<16xi32> -> vector<16xi32>
      %gt3A_124 = arith.cmpf ogt, %masked_sort3A_75, %rev3A_108 : vector<16xf32>
      %select_n3A_125 = arith.select %gt3A_124, %masked_sort3A_75, %rev3A_108 : vector<16xi1>, vector<16xf32>
      %select_n3A_126 = arith.select %gt3A_124, %masked_sort3A_76, %rev3A_113 : vector<16xi1>, vector<16xi32>
      %gt3A_127 = arith.cmpf ogt, %masked_sort3A_79, %rev3A_118 : vector<16xf32>
      %select_n3A_128 = arith.select %gt3A_127, %masked_sort3A_79, %rev3A_118 : vector<16xi1>, vector<16xf32>
      %select_n3A_129 = arith.select %gt3A_127, %masked_sort3A_80, %rev3A_123 : vector<16xi1>, vector<16xi32>
      %gt3A_130 = arith.cmpf ogt, %select_n3A_125, %select_n3A_128 : vector<16xf32>
      %select_n3A_131 = arith.select %gt3A_130, %select_n3A_125, %select_n3A_128 : vector<16xi1>, vector<16xf32>
      %select_n3A_132 = arith.select %gt3A_130, %select_n3A_126, %select_n3A_129 : vector<16xi1>, vector<16xi32>
      %select_n3A_133 = arith.select %gt3A_130, %select_n3A_129, %select_n3A_126 : vector<16xi1>, vector<16xi32>
      %select_n3A_134 = arith.select %gt3A_130, %select_n3A_128, %select_n3A_125 : vector<16xi1>, vector<16xf32>
      %masked_sort3A_135 = arith.constant dense<true> : vector<16xi1>
      %masked_sort3A_136, %masked_sort3A_137, %masked_sort3A_138 = tpu.sort %select_n3A_131, %select_n3A_132 masked %masked_sort3A_135 {descending = true} : (vector<16xf32>, vector<16xi32>, vector<16xi1>) -> (vector<16xi1>, vector<16xf32>, vector<16xi32>)
      %masked_sort3A_139 = arith.constant dense<true> : vector<16xi1>
      %masked_sort3A_140, %masked_sort3A_141, %masked_sort3A_142 = tpu.sort %select_n3A_134, %select_n3A_133 masked %masked_sort3A_139 {descending = true} : (vector<16xf32>, vector<16xi32>, vector<16xi1>) -> (vector<16xi1>, vector<16xf32>, vector<16xi32>)
      %reduce_max3A = arith.constant true
      %reduce_max3A_143 = vector.broadcast %reduce_max3A : i1 to vector<16xi1>
      %reduce_max3A_144 = tpu.scan <max>, %masked_sort3A_137 masked %reduce_max3A_143 : vector<16xf32>, vector<16xi1> -> vector<16xf32>
      %reduce_max3A_145 = vector.extract %reduce_max3A_144[15] : f32 from vector<16xf32>
      %sub3A = vector.broadcast %reduce_max3A_145 : f32 to vector<16xf32>
      %sub3A_146 = arith.subf %masked_sort3A_137, %sub3A : vector<16xf32>
      %exp3A = math.exp %sub3A_146 : vector<16xf32>
      %jit3A = arith.constant 0.000000e+00 : f32
      %broadcast_in_dim3A = vector.broadcast %jit3A : f32 to vector<16xf32>
      %select_n3A_147 = arith.select %lt3A_4, %exp3A, %broadcast_in_dim3A : vector<16xi1>, vector<16xf32>
      %reduce_sum3A = arith.constant true
      %reduce_sum3A_148 = vector.broadcast %reduce_sum3A : i1 to vector<16xi1>
      %reduce_sum3A_149 = tpu.scan <sum>, %select_n3A_147 masked %reduce_sum3A_148 : vector<16xf32>, vector<16xi1> -> vector<16xf32>
      %reduce_sum3A_150 = vector.extract %reduce_sum3A_149[15] : f32 from vector<16xf32>
      %div3A = vector.broadcast %reduce_sum3A_150 : f32 to vector<16xf32>
      %div3A_151 = arith.divf %select_n3A_147, %div3A : vector<16xf32>
      %swap3A = arith.index_cast %mul3A_22 : i32 to index
      %swap3A_152 = arith.constant 0 : index
      %swap3A_153 = tpu.vector_load %arg6[%swap3A, %swap3A_152] {strides = array<i32>} : memref<176x16xf32, #tpu.memory_space<vmem>>, vector<16xf32>,
      tpu.vector_store %arg6[%swap3A, %swap3A_152], %div3A_151 {strides = array<i32>} : memref<176x16xf32, #tpu.memory_space<vmem>>, vector<16xf32>,
      %swap3A_154 = arith.index_cast %mul3A_22 : i32 to index
      %swap3A_155 = arith.constant 0 : index
      %swap3A_156 = tpu.vector_load %arg7[%swap3A_154, %swap3A_155] {strides = array<i32>} : memref<176x32xi32, #tpu.memory_space<vmem>>, vector<16xi32>,
      tpu.vector_store %arg7[%swap3A_154, %swap3A_155], %masked_sort3A_138 {strides = array<i32>} : memref<176x32xi32, #tpu.memory_space<vmem>>, vector<16xi32>,
      %swap3A_157 = arith.index_cast %mul3A_22 : i32 to index
      %swap3A_158 = arith.constant 16 : index
      %swap3A_159 = tpu.vector_load %arg7[%swap3A_157, %swap3A_158] {strides = array<i32>} : memref<176x32xi32, #tpu.memory_space<vmem>>, vector<16xi32>,
      tpu.vector_store %arg7[%swap3A_157, %swap3A_158], %masked_sort3A_142 {strides = array<i32>} : memref<176x32xi32, #tpu.memory_space<vmem>>, vector<16xi32>,
      %mul3A_160 = arith.constant 2 : i32
      %mul3A_161 = arith.muli %mul3A_160, %scan3A_20 : i32
      %add3A_162 = arith.constant 1 : i32
      %add3A_163 = arith.addi %mul3A_161, %add3A_162 : i32
      %get3A_164 = arith.index_cast %add3A_163 : i32 to index
      %get3A_165 = arith.constant 0 : index
      %get3A_166 = tpu.vector_load %arg5[%get3A_164, %get3A_165] {strides = array<i32>} : memref<176x64xf32, #tpu.memory_space<vmem>>, vector<16xf32>,
      %add3A_167 = arith.constant 0 : i32
      %add3A_168 = vector.broadcast %add3A_167 : i32 to vector<16xi32>
      %add3A_169 = arith.addi %iota3A, %add3A_168 : vector<16xi32>
      %masked_sort3A_170 = arith.constant dense<true> : vector<16xi1>
      %masked_sort3A_171, %masked_sort3A_172, %masked_sort3A_173 = tpu.sort %get3A_166, %add3A_169 masked %masked_sort3A_170 {descending = true} : (vector<16xf32>, vector<16xi32>, vector<16xi1>) -> (vector<16xi1>, vector<16xf32>, vector<16xi32>)
      %get3A_174 = arith.index_cast %add3A_163 : i32 to index
      %get3A_175 = arith.constant 16 : index
      %get3A_176 = tpu.vector_load %arg5[%get3A_174, %get3A_175] {strides = array<i32>} : memref<176x64xf32, #tpu.memory_space<vmem>>, vector<16xf32>,
      %add3A_177 = arith.constant 16 : i32
      %add3A_178 = vector.broadcast %add3A_177 : i32 to vector<16xi32>
      %add3A_179 = arith.addi %iota3A, %add3A_178 : vector<16xi32>
      %masked_sort3A_180 = arith.constant dense<true> : vector<16xi1>
      %masked_sort3A_181, %masked_sort3A_182, %masked_sort3A_183 = tpu.sort %get3A_176, %add3A_179 masked %masked_sort3A_180 {descending = true} : (vector<16xf32>, vector<16xi32>, vector<16xi1>) -> (vector<16xi1>, vector<16xf32>, vector<16xi32>)
      %get3A_184 = arith.index_cast %add3A_163 : i32 to index
      %get3A_185 = arith.constant 32 : index
      %get3A_186 = tpu.vector_load %arg5[%get3A_184, %get3A_185] {strides = array<i32>} : memref<176x64xf32, #tpu.memory_space<vmem>>, vector<16xf32>,
      %add3A_187 = arith.constant 32 : i32
      %add3A_188 = vector.broadcast %add3A_187 : i32 to vector<16xi32>
      %add3A_189 = arith.addi %iota3A, %add3A_188 : vector<16xi32>
      %masked_sort3A_190 = arith.constant dense<true> : vector<16xi1>
      %masked_sort3A_191, %masked_sort3A_192, %masked_sort3A_193 = tpu.sort %get3A_186, %add3A_189 masked %masked_sort3A_190 {descending = true} : (vector<16xf32>, vector<16xi32>, vector<16xi1>) -> (vector<16xi1>, vector<16xf32>, vector<16xi32>)
      %get3A_194 = arith.index_cast %add3A_163 : i32 to index
      %get3A_195 = arith.constant 48 : index
      %get3A_196 = tpu.vector_load %arg5[%get3A_194, %get3A_195] {strides = array<i32>} : memref<176x64xf32, #tpu.memory_space<vmem>>, vector<16xf32>,
      %add3A_197 = arith.constant 48 : i32
      %add3A_198 = vector.broadcast %add3A_197 : i32 to vector<16xi32>
      %add3A_199 = arith.addi %iota3A, %add3A_198 : vector<16xi32>
      %masked_sort3A_200 = arith.constant dense<true> : vector<16xi1>
      %masked_sort3A_201, %masked_sort3A_202, %masked_sort3A_203 = tpu.sort %get3A_196, %add3A_199 masked %masked_sort3A_200 {descending = true} : (vector<16xf32>, vector<16xi32>, vector<16xi1>) -> (vector<16xi1>, vector<16xf32>, vector<16xi32>)
      %rev3A_204 = arith.constant 15 : i32
      %rev3A_205 = vector.broadcast %rev3A_204 : i32 to vector<16xi32>
      %rev3A_206 = tpu.iota {dimensions = array<i32: 0>} : vector<16xi32>
      %rev3A_207 = arith.subi %rev3A_205, %rev3A_206 : vector<16xi32>
      %rev3A_208 = tpu.dynamic_gather %masked_sort3A_182[%rev3A_207] in [0] : vector<16xf32>, vector<16xi32> -> vector<16xf32>
      %rev3A_209 = arith.constant 15 : i32
      %rev3A_210 = vector.broadcast %rev3A_209 : i32 to vector<16xi32>
      %rev3A_211 = tpu.iota {dimensions = array<i32: 0>} : vector<16xi32>
      %rev3A_212 = arith.subi %rev3A_210, %rev3A_211 : vector<16xi32>
      %rev3A_213 = tpu.dynamic_gather %masked_sort3A_183[%rev3A_212] in [0] : vector<16xi32>, vector<16xi32> -> vector<16xi32>
      %gt3A_214 = arith.cmpf ogt, %masked_sort3A_172, %rev3A_208 : vector<16xf32>
      %select_n3A_215 = arith.select %gt3A_214, %masked_sort3A_172, %rev3A_208 : vector<16xi1>, vector<16xf32>
      %select_n3A_216 = arith.select %gt3A_214, %masked_sort3A_173, %rev3A_213 : vector<16xi1>, vector<16xi32>
      %select_n3A_217 = arith.select %gt3A_214, %rev3A_208, %masked_sort3A_172 : vector<16xi1>, vector<16xf32>
      %select_n3A_218 = arith.select %gt3A_214, %rev3A_213, %masked_sort3A_173 : vector<16xi1>, vector<16xi32>
      %masked_sort3A_219 = arith.constant dense<true> : vector<16xi1>
      %masked_sort3A_220, %masked_sort3A_221, %masked_sort3A_222 = tpu.sort %select_n3A_215, %select_n3A_216 masked %masked_sort3A_219 {descending = true} : (vector<16xf32>, vector<16xi32>, vector<16xi1>) -> (vector<16xi1>, vector<16xf32>, vector<16xi32>)
      %masked_sort3A_223 = arith.constant dense<true> : vector<16xi1>
      %masked_sort3A_224, %masked_sort3A_225, %masked_sort3A_226 = tpu.sort %select_n3A_217, %select_n3A_218 masked %masked_sort3A_223 {descending = true} : (vector<16xf32>, vector<16xi32>, vector<16xi1>) -> (vector<16xi1>, vector<16xf32>, vector<16xi32>)
      %rev3A_227 = arith.constant 15 : i32
      %rev3A_228 = vector.broadcast %rev3A_227 : i32 to vector<16xi32>
      %rev3A_229 = tpu.iota {dimensions = array<i32: 0>} : vector<16xi32>
      %rev3A_230 = arith.subi %rev3A_228, %rev3A_229 : vector<16xi32>
      %rev3A_231 = tpu.dynamic_gather %masked_sort3A_202[%rev3A_230] in [0] : vector<16xf32>, vector<16xi32> -> vector<16xf32>
      %rev3A_232 = arith.constant 15 : i32
      %rev3A_233 = vector.broadcast %rev3A_232 : i32 to vector<16xi32>
      %rev3A_234 = tpu.iota {dimensions = array<i32: 0>} : vector<16xi32>
      %rev3A_235 = arith.subi %rev3A_233, %rev3A_234 : vector<16xi32>
      %rev3A_236 = tpu.dynamic_gather %masked_sort3A_203[%rev3A_235] in [0] : vector<16xi32>, vector<16xi32> -> vector<16xi32>
      %gt3A_237 = arith.cmpf ogt, %masked_sort3A_192, %rev3A_231 : vector<16xf32>
      %select_n3A_238 = arith.select %gt3A_237, %masked_sort3A_192, %rev3A_231 : vector<16xi1>, vector<16xf32>
      %select_n3A_239 = arith.select %gt3A_237, %masked_sort3A_193, %rev3A_236 : vector<16xi1>, vector<16xi32>
      %select_n3A_240 = arith.select %gt3A_237, %rev3A_231, %masked_sort3A_192 : vector<16xi1>, vector<16xf32>
      %select_n3A_241 = arith.select %gt3A_237, %rev3A_236, %masked_sort3A_193 : vector<16xi1>, vector<16xi32>
      %masked_sort3A_242 = arith.constant dense<true> : vector<16xi1>
      %masked_sort3A_243, %masked_sort3A_244, %masked_sort3A_245 = tpu.sort %select_n3A_238, %select_n3A_239 masked %masked_sort3A_242 {descending = true} : (vector<16xf32>, vector<16xi32>, vector<16xi1>) -> (vector<16xi1>, vector<16xf32>, vector<16xi32>)
      %masked_sort3A_246 = arith.constant dense<true> : vector<16xi1>
      %masked_sort3A_247, %masked_sort3A_248, %masked_sort3A_249 = tpu.sort %select_n3A_240, %select_n3A_241 masked %masked_sort3A_246 {descending = true} : (vector<16xf32>, vector<16xi32>, vector<16xi1>) -> (vector<16xi1>, vector<16xf32>, vector<16xi32>)
      %rev3A_250 = arith.constant 15 : i32
      %rev3A_251 = vector.broadcast %rev3A_250 : i32 to vector<16xi32>
      %rev3A_252 = tpu.iota {dimensions = array<i32: 0>} : vector<16xi32>
      %rev3A_253 = arith.subi %rev3A_251, %rev3A_252 : vector<16xi32>
      %rev3A_254 = tpu.dynamic_gather %masked_sort3A_248[%rev3A_253] in [0] : vector<16xf32>, vector<16xi32> -> vector<16xf32>
      %rev3A_255 = arith.constant 15 : i32
      %rev3A_256 = vector.broadcast %rev3A_255 : i32 to vector<16xi32>
      %rev3A_257 = tpu.iota {dimensions = array<i32: 0>} : vector<16xi32>
      %rev3A_258 = arith.subi %rev3A_256, %rev3A_257 : vector<16xi32>
      %rev3A_259 = tpu.dynamic_gather %masked_sort3A_249[%rev3A_258] in [0] : vector<16xi32>, vector<16xi32> -> vector<16xi32>
      %rev3A_260 = arith.constant 15 : i32
      %rev3A_261 = vector.broadcast %rev3A_260 : i32 to vector<16xi32>
      %rev3A_262 = tpu.iota {dimensions = array<i32: 0>} : vector<16xi32>
      %rev3A_263 = arith.subi %rev3A_261, %rev3A_262 : vector<16xi32>
      %rev3A_264 = tpu.dynamic_gather %masked_sort3A_244[%rev3A_263] in [0] : vector<16xf32>, vector<16xi32> -> vector<16xf32>
      %rev3A_265 = arith.constant 15 : i32
      %rev3A_266 = vector.broadcast %rev3A_265 : i32 to vector<16xi32>
      %rev3A_267 = tpu.iota {dimensions = array<i32: 0>} : vector<16xi32>
      %rev3A_268 = arith.subi %rev3A_266, %rev3A_267 : vector<16xi32>
      %rev3A_269 = tpu.dynamic_gather %masked_sort3A_245[%rev3A_268] in [0] : vector<16xi32>, vector<16xi32> -> vector<16xi32>
      %gt3A_270 = arith.cmpf ogt, %masked_sort3A_221, %rev3A_254 : vector<16xf32>
      %select_n3A_271 = arith.select %gt3A_270, %masked_sort3A_221, %rev3A_254 : vector<16xi1>, vector<16xf32>
      %select_n3A_272 = arith.select %gt3A_270, %masked_sort3A_222, %rev3A_259 : vector<16xi1>, vector<16xi32>
      %gt3A_273 = arith.cmpf ogt, %masked_sort3A_225, %rev3A_264 : vector<16xf32>
      %select_n3A_274 = arith.select %gt3A_273, %masked_sort3A_225, %rev3A_264 : vector<16xi1>, vector<16xf32>
      %select_n3A_275 = arith.select %gt3A_273, %masked_sort3A_226, %rev3A_269 : vector<16xi1>, vector<16xi32>
      %gt3A_276 = arith.cmpf ogt, %select_n3A_271, %select_n3A_274 : vector<16xf32>
      %select_n3A_277 = arith.select %gt3A_276, %select_n3A_271, %select_n3A_274 : vector<16xi1>, vector<16xf32>
      %select_n3A_278 = arith.select %gt3A_276, %select_n3A_272, %select_n3A_275 : vector<16xi1>, vector<16xi32>
      %select_n3A_279 = arith.select %gt3A_276, %select_n3A_275, %select_n3A_272 : vector<16xi1>, vector<16xi32>
      %select_n3A_280 = arith.select %gt3A_276, %select_n3A_274, %select_n3A_271 : vector<16xi1>, vector<16xf32>
      %masked_sort3A_281 = arith.constant dense<true> : vector<16xi1>
      %masked_sort3A_282, %masked_sort3A_283, %masked_sort3A_284 = tpu.sort %select_n3A_277, %select_n3A_278 masked %masked_sort3A_281 {descending = true} : (vector<16xf32>, vector<16xi32>, vector<16xi1>) -> (vector<16xi1>, vector<16xf32>, vector<16xi32>)
      %masked_sort3A_285 = arith.constant dense<true> : vector<16xi1>
      %masked_sort3A_286, %masked_sort3A_287, %masked_sort3A_288 = tpu.sort %select_n3A_280, %select_n3A_279 masked %masked_sort3A_285 {descending = true} : (vector<16xf32>, vector<16xi32>, vector<16xi1>) -> (vector<16xi1>, vector<16xf32>, vector<16xi32>)
      %reduce_max3A_289 = arith.constant true
      %reduce_max3A_290 = vector.broadcast %reduce_max3A_289 : i1 to vector<16xi1>
      %reduce_max3A_291 = tpu.scan <max>, %masked_sort3A_283 masked %reduce_max3A_290 : vector<16xf32>, vector<16xi1> -> vector<16xf32>
      %reduce_max3A_292 = vector.extract %reduce_max3A_291[15] : f32 from vector<16xf32>
      %sub3A_293 = vector.broadcast %reduce_max3A_292 : f32 to vector<16xf32>
      %sub3A_294 = arith.subf %masked_sort3A_283, %sub3A_293 : vector<16xf32>
      %exp3A_295 = math.exp %sub3A_294 : vector<16xf32>
      %jit3A_296 = arith.constant 0.000000e+00 : f32
      %broadcast_in_dim3A_297 = vector.broadcast %jit3A_296 : f32 to vector<16xf32>
      %select_n3A_298 = arith.select %lt3A_4, %exp3A_295, %broadcast_in_dim3A_297 : vector<16xi1>, vector<16xf32>
      %reduce_sum3A_299 = arith.constant true
      %reduce_sum3A_300 = vector.broadcast %reduce_sum3A_299 : i1 to vector<16xi1>
      %reduce_sum3A_301 = tpu.scan <sum>, %select_n3A_298 masked %reduce_sum3A_300 : vector<16xf32>, vector<16xi1> -> vector<16xf32>
      %reduce_sum3A_302 = vector.extract %reduce_sum3A_301[15] : f32 from vector<16xf32>
      %div3A_303 = vector.broadcast %reduce_sum3A_302 : f32 to vector<16xf32>
      %div3A_304 = arith.divf %select_n3A_298, %div3A_303 : vector<16xf32>
      %swap3A_305 = arith.index_cast %add3A_163 : i32 to index
      %swap3A_306 = arith.constant 0 : index
      %swap3A_307 = tpu.vector_load %arg6[%swap3A_305, %swap3A_306] {strides = array<i32>} : memref<176x16xf32, #tpu.memory_space<vmem>>, vector<16xf32>,
      tpu.vector_store %arg6[%swap3A_305, %swap3A_306], %div3A_304 {strides = array<i32>} : memref<176x16xf32, #tpu.memory_space<vmem>>, vector<16xf32>,
      %swap3A_308 = arith.index_cast %add3A_163 : i32 to index
      %swap3A_309 = arith.constant 0 : index
      %swap3A_310 = tpu.vector_load %arg7[%swap3A_308, %swap3A_309] {strides = array<i32>} : memref<176x32xi32, #tpu.memory_space<vmem>>, vector<16xi32>,
      tpu.vector_store %arg7[%swap3A_308, %swap3A_309], %masked_sort3A_284 {strides = array<i32>} : memref<176x32xi32, #tpu.memory_space<vmem>>, vector<16xi32>,
      %swap3A_311 = arith.index_cast %add3A_163 : i32 to index
      %swap3A_312 = arith.constant 16 : index
      %swap3A_313 = tpu.vector_load %arg7[%swap3A_311, %swap3A_312] {strides = array<i32>} : memref<176x32xi32, #tpu.memory_space<vmem>>, vector<16xi32>,
      tpu.vector_store %arg7[%swap3A_311, %swap3A_312], %masked_sort3A_288 {strides = array<i32>} : memref<176x32xi32, #tpu.memory_space<vmem>>, vector<16xi32>,
    }
    %scan3A_11 = arith.constant 88 : i32
    "tpu.region"() ({
      %run_scoped3A = tpu.sem_alloc : memref<!tpu.dma_semaphore, #tpu.memory_space<semaphore_mem>>
      %dma_start3A = arith.constant 0 : i32
      %dma_start3A_20 = tpu.memref_slice %arg3[%add3A_6, %dma_start3A] : memref<11264x16xf32, #tpu.memory_space<hbm>> -> memref<176x16xf32, #tpu.memory_space<hbm>>
      %dma_start3A_21 = arith.constant 0 : i32
      %dma_start3A_22 = tpu.memref_slice %arg3[%add3A_6, %dma_start3A_21] : memref<11264x16xf32, #tpu.memory_space<hbm>> -> memref<176x16xf32, #tpu.memory_space<hbm>>
      tpu.enqueue_dma source(%arg6 : memref<176x16xf32, #tpu.memory_space<vmem>>) target(%dma_start3A_22 : memref<176x16xf32, #tpu.memory_space<hbm>>) target_semaphore(%run_scoped3A : memref<!tpu.dma_semaphore, #tpu.memory_space<semaphore_mem>>)
      %dma_wait3A = arith.constant 0 : i32
      %dma_wait3A_23 = tpu.memref_slice %arg3[%add3A_6, %dma_wait3A] : memref<11264x16xf32, #tpu.memory_space<hbm>> -> memref<176x16xf32, #tpu.memory_space<hbm>>
      %dma_wait3A_24 = arith.constant 0 : i32
      %dma_wait3A_25 = tpu.memref_slice %arg3[%add3A_6, %dma_wait3A_24] : memref<11264x16xf32, #tpu.memory_space<hbm>> -> memref<176x16xf32, #tpu.memory_space<hbm>>
      tpu.wait_dma2 semaphore(%run_scoped3A : memref<!tpu.dma_semaphore, #tpu.memory_space<semaphore_mem>>) src(%arg6 : memref<176x16xf32, #tpu.memory_space<vmem>>) dst(%dma_wait3A_25 : memref<176x16xf32, #tpu.memory_space<hbm>>)
      tpu.yield
    }) : () -> ()
    "tpu.region"() ({
      %run_scoped3A = tpu.sem_alloc : memref<!tpu.dma_semaphore, #tpu.memory_space<semaphore_mem>>
      %dma_start3A = arith.constant 0 : i32
      %dma_start3A_20 = tpu.memref_slice %arg4[%add3A_6, %dma_start3A] : memref<11264x32xi32, #tpu.memory_space<hbm>> -> memref<176x32xi32, #tpu.memory_space<hbm>>
      %dma_start3A_21 = arith.constant 0 : i32
      %dma_start3A_22 = tpu.memref_slice %arg4[%add3A_6, %dma_start3A_21] : memref<11264x32xi32, #tpu.memory_space<hbm>> -> memref<176x32xi32, #tpu.memory_space<hbm>>
      tpu.enqueue_dma source(%arg7 : memref<176x32xi32, #tpu.memory_space<vmem>>) target(%dma_start3A_22 : memref<176x32xi32, #tpu.memory_space<hbm>>) target_semaphore(%run_scoped3A : memref<!tpu.dma_semaphore, #tpu.memory_space<semaphore_mem>>)
      %dma_wait3A = arith.constant 0 : i32
      %dma_wait3A_23 = tpu.memref_slice %arg4[%add3A_6, %dma_wait3A] : memref<11264x32xi32, #tpu.memory_space<hbm>> -> memref<176x32xi32, #tpu.memory_space<hbm>>
      %dma_wait3A_24 = arith.constant 0 : i32
      %dma_wait3A_25 = tpu.memref_slice %arg4[%add3A_6, %dma_wait3A_24] : memref<11264x32xi32, #tpu.memory_space<hbm>> -> memref<176x32xi32, #tpu.memory_space<hbm>>
      tpu.wait_dma2 semaphore(%run_scoped3A : memref<!tpu.dma_semaphore, #tpu.memory_space<semaphore_mem>>) src(%arg7 : memref<176x32xi32, #tpu.memory_space<vmem>>) dst(%dma_wait3A_25 : memref<176x32xi32, #tpu.memory_space<hbm>>)
      tpu.yield
    }) : () -> ()
    %add3A_12 = arith.constant 176 : i32
    %add3A_13 = arith.addi %mul3A_2, %add3A_12 : i32
    "tpu.region"() ({
      %run_scoped3A = tpu.sem_alloc : memref<!tpu.dma_semaphore, #tpu.memory_space<semaphore_mem>>
      %dma_start3A = arith.constant 0 : i32
      %dma_start3A_20 = tpu.memref_slice %arg2[%add3A_13, %dma_start3A] : memref<11264x64xf32, #tpu.memory_space<hbm>> -> memref<176x64xf32, #tpu.memory_space<hbm>>
      %dma_start3A_21 = arith.constant 0 : i32
      %dma_start3A_22 = tpu.memref_slice %arg2[%add3A_13, %dma_start3A_21] : memref<11264x64xf32, #tpu.memory_space<hbm>> -> memref<176x64xf32, #tpu.memory_space<hbm>>
      tpu.enqueue_dma source(%dma_start3A_22 : memref<176x64xf32, #tpu.memory_space<hbm>>) target(%arg5 : memref<176x64xf32, #tpu.memory_space<vmem>>) target_semaphore(%run_scoped3A : memref<!tpu.dma_semaphore, #tpu.memory_space<semaphore_mem>>)
      %dma_wait3A = arith.constant 0 : i32
      %dma_wait3A_23 = tpu.memref_slice %arg2[%add3A_13, %dma_wait3A] : memref<11264x64xf32, #tpu.memory_space<hbm>> -> memref<176x64xf32, #tpu.memory_space<hbm>>
      %dma_wait3A_24 = arith.constant 0 : i32
      %dma_wait3A_25 = tpu.memref_slice %arg2[%add3A_13, %dma_wait3A_24] : memref<11264x64xf32, #tpu.memory_space<hbm>> -> memref<176x64xf32, #tpu.memory_space<hbm>>
      tpu.wait_dma2 semaphore(%run_scoped3A : memref<!tpu.dma_semaphore, #tpu.memory_space<semaphore_mem>>) src(%dma_wait3A_25 : memref<176x64xf32, #tpu.memory_space<hbm>>) dst(%arg5 : memref<176x64xf32, #tpu.memory_space<vmem>>)
      tpu.yield
    }) : () -> ()
    %scan3A_14 = arith.constant 0 : i32
    %scan3A_15 = arith.constant 0 : i32
    %scan3A_16 = arith.constant 88 : i32
    %scan3A_17 = arith.addi %scan3A_15, %scan3A_16 : i32
    %scan3A_18 = arith.constant 1 : i32
    scf.for %scan3A_20 = %scan3A_15 to %scan3A_17 step %scan3A_18  : i32 {
      %mul3A_21 = arith.constant 2 : i32
      %mul3A_22 = arith.muli %mul3A_21, %scan3A_20 : i32
      %get3A = arith.index_cast %mul3A_22 : i32 to index
      %get3A_23 = arith.constant 0 : index
      %get3A_24 = tpu.vector_load %arg5[%get3A, %get3A_23] {strides = array<i32>} : memref<176x64xf32, #tpu.memory_space<vmem>>, vector<16xf32>,
      %add3A_25 = arith.constant 0 : i32
      %add3A_26 = vector.broadcast %add3A_25 : i32 to vector<16xi32>
      %add3A_27 = arith.addi %iota3A, %add3A_26 : vector<16xi32>
      %masked_sort3A = arith.constant dense<true> : vector<16xi1>
      %masked_sort3A_28, %masked_sort3A_29, %masked_sort3A_30 = tpu.sort %get3A_24, %add3A_27 masked %masked_sort3A {descending = true} : (vector<16xf32>, vector<16xi32>, vector<16xi1>) -> (vector<16xi1>, vector<16xf32>, vector<16xi32>)
      %get3A_31 = arith.index_cast %mul3A_22 : i32 to index
      %get3A_32 = arith.constant 16 : index
      %get3A_33 = tpu.vector_load %arg5[%get3A_31, %get3A_32] {strides = array<i32>} : memref<176x64xf32, #tpu.memory_space<vmem>>, vector<16xf32>,
      %add3A_34 = arith.constant 16 : i32
      %add3A_35 = vector.broadcast %add3A_34 : i32 to vector<16xi32>
      %add3A_36 = arith.addi %iota3A, %add3A_35 : vector<16xi32>
      %masked_sort3A_37 = arith.constant dense<true> : vector<16xi1>
      %masked_sort3A_38, %masked_sort3A_39, %masked_sort3A_40 = tpu.sort %get3A_33, %add3A_36 masked %masked_sort3A_37 {descending = true} : (vector<16xf32>, vector<16xi32>, vector<16xi1>) -> (vector<16xi1>, vector<16xf32>, vector<16xi32>)
      %get3A_41 = arith.index_cast %mul3A_22 : i32 to index
      %get3A_42 = arith.constant 32 : index
      %get3A_43 = tpu.vector_load %arg5[%get3A_41, %get3A_42] {strides = array<i32>} : memref<176x64xf32, #tpu.memory_space<vmem>>, vector<16xf32>,
      %add3A_44 = arith.constant 32 : i32
      %add3A_45 = vector.broadcast %add3A_44 : i32 to vector<16xi32>
      %add3A_46 = arith.addi %iota3A, %add3A_45 : vector<16xi32>
      %masked_sort3A_47 = arith.constant dense<true> : vector<16xi1>
      %masked_sort3A_48, %masked_sort3A_49, %masked_sort3A_50 = tpu.sort %get3A_43, %add3A_46 masked %masked_sort3A_47 {descending = true} : (vector<16xf32>, vector<16xi32>, vector<16xi1>) -> (vector<16xi1>, vector<16xf32>, vector<16xi32>)
      %get3A_51 = arith.index_cast %mul3A_22 : i32 to index
      %get3A_52 = arith.constant 48 : index
      %get3A_53 = tpu.vector_load %arg5[%get3A_51, %get3A_52] {strides = array<i32>} : memref<176x64xf32, #tpu.memory_space<vmem>>, vector<16xf32>,
      %add3A_54 = arith.constant 48 : i32
      %add3A_55 = vector.broadcast %add3A_54 : i32 to vector<16xi32>
      %add3A_56 = arith.addi %iota3A, %add3A_55 : vector<16xi32>
      %masked_sort3A_57 = arith.constant dense<true> : vector<16xi1>
      %masked_sort3A_58, %masked_sort3A_59, %masked_sort3A_60 = tpu.sort %get3A_53, %add3A_56 masked %masked_sort3A_57 {descending = true} : (vector<16xf32>, vector<16xi32>, vector<16xi1>) -> (vector<16xi1>, vector<16xf32>, vector<16xi32>)
      %rev3A = arith.constant 15 : i32
      %rev3A_61 = vector.broadcast %rev3A : i32 to vector<16xi32>
      %rev3A_62 = tpu.iota {dimensions = array<i32: 0>} : vector<16xi32>
      %rev3A_63 = arith.subi %rev3A_61, %rev3A_62 : vector<16xi32>
      %rev3A_64 = tpu.dynamic_gather %masked_sort3A_39[%rev3A_63] in [0] : vector<16xf32>, vector<16xi32> -> vector<16xf32>
      %rev3A_65 = arith.constant 15 : i32
      %rev3A_66 = vector.broadcast %rev3A_65 : i32 to vector<16xi32>
      %rev3A_67 = tpu.iota {dimensions = array<i32: 0>} : vector<16xi32>
      %rev3A_68 = arith.subi %rev3A_66, %rev3A_67 : vector<16xi32>
      %rev3A_69 = tpu.dynamic_gather %masked_sort3A_40[%rev3A_68] in [0] : vector<16xi32>, vector<16xi32> -> vector<16xi32>
      %gt3A = arith.cmpf ogt, %masked_sort3A_29, %rev3A_64 : vector<16xf32>
      %select_n3A = arith.select %gt3A, %masked_sort3A_29, %rev3A_64 : vector<16xi1>, vector<16xf32>
      %select_n3A_70 = arith.select %gt3A, %masked_sort3A_30, %rev3A_69 : vector<16xi1>, vector<16xi32>
      %select_n3A_71 = arith.select %gt3A, %rev3A_64, %masked_sort3A_29 : vector<16xi1>, vector<16xf32>
      %select_n3A_72 = arith.select %gt3A, %rev3A_69, %masked_sort3A_30 : vector<16xi1>, vector<16xi32>
      %masked_sort3A_73 = arith.constant dense<true> : vector<16xi1>
      %masked_sort3A_74, %masked_sort3A_75, %masked_sort3A_76 = tpu.sort %select_n3A, %select_n3A_70 masked %masked_sort3A_73 {descending = true} : (vector<16xf32>, vector<16xi32>, vector<16xi1>) -> (vector<16xi1>, vector<16xf32>, vector<16xi32>)
      %masked_sort3A_77 = arith.constant dense<true> : vector<16xi1>
      %masked_sort3A_78, %masked_sort3A_79, %masked_sort3A_80 = tpu.sort %select_n3A_71, %select_n3A_72 masked %masked_sort3A_77 {descending = true} : (vector<16xf32>, vector<16xi32>, vector<16xi1>) -> (vector<16xi1>, vector<16xf32>, vector<16xi32>)
      %rev3A_81 = arith.constant 15 : i32
      %rev3A_82 = vector.broadcast %rev3A_81 : i32 to vector<16xi32>
      %rev3A_83 = tpu.iota {dimensions = array<i32: 0>} : vector<16xi32>
      %rev3A_84 = arith.subi %rev3A_82, %rev3A_83 : vector<16xi32>
      %rev3A_85 = tpu.dynamic_gather %masked_sort3A_59[%rev3A_84] in [0] : vector<16xf32>, vector<16xi32> -> vector<16xf32>
      %rev3A_86 = arith.constant 15 : i32
      %rev3A_87 = vector.broadcast %rev3A_86 : i32 to vector<16xi32>
      %rev3A_88 = tpu.iota {dimensions = array<i32: 0>} : vector<16xi32>
      %rev3A_89 = arith.subi %rev3A_87, %rev3A_88 : vector<16xi32>
      %rev3A_90 = tpu.dynamic_gather %masked_sort3A_60[%rev3A_89] in [0] : vector<16xi32>, vector<16xi32> -> vector<16xi32>
      %gt3A_91 = arith.cmpf ogt, %masked_sort3A_49, %rev3A_85 : vector<16xf32>
      %select_n3A_92 = arith.select %gt3A_91, %masked_sort3A_49, %rev3A_85 : vector<16xi1>, vector<16xf32>
      %select_n3A_93 = arith.select %gt3A_91, %masked_sort3A_50, %rev3A_90 : vector<16xi1>, vector<16xi32>
      %select_n3A_94 = arith.select %gt3A_91, %rev3A_85, %masked_sort3A_49 : vector<16xi1>, vector<16xf32>
      %select_n3A_95 = arith.select %gt3A_91, %rev3A_90, %masked_sort3A_50 : vector<16xi1>, vector<16xi32>
      %masked_sort3A_96 = arith.constant dense<true> : vector<16xi1>
      %masked_sort3A_97, %masked_sort3A_98, %masked_sort3A_99 = tpu.sort %select_n3A_92, %select_n3A_93 masked %masked_sort3A_96 {descending = true} : (vector<16xf32>, vector<16xi32>, vector<16xi1>) -> (vector<16xi1>, vector<16xf32>, vector<16xi32>)
      %masked_sort3A_100 = arith.constant dense<true> : vector<16xi1>
      %masked_sort3A_101, %masked_sort3A_102, %masked_sort3A_103 = tpu.sort %select_n3A_94, %select_n3A_95 masked %masked_sort3A_100 {descending = true} : (vector<16xf32>, vector<16xi32>, vector<16xi1>) -> (vector<16xi1>, vector<16xf32>, vector<16xi32>)
      %rev3A_104 = arith.constant 15 : i32
      %rev3A_105 = vector.broadcast %rev3A_104 : i32 to vector<16xi32>
      %rev3A_106 = tpu.iota {dimensions = array<i32: 0>} : vector<16xi32>
      %rev3A_107 = arith.subi %rev3A_105, %rev3A_106 : vector<16xi32>
      %rev3A_108 = tpu.dynamic_gather %masked_sort3A_102[%rev3A_107] in [0] : vector<16xf32>, vector<16xi32> -> vector<16xf32>
      %rev3A_109 = arith.constant 15 : i32
      %rev3A_110 = vector.broadcast %rev3A_109 : i32 to vector<16xi32>
      %rev3A_111 = tpu.iota {dimensions = array<i32: 0>} : vector<16xi32>
      %rev3A_112 = arith.subi %rev3A_110, %rev3A_111 : vector<16xi32>
      %rev3A_113 = tpu.dynamic_gather %masked_sort3A_103[%rev3A_112] in [0] : vector<16xi32>, vector<16xi32> -> vector<16xi32>
      %rev3A_114 = arith.constant 15 : i32
      %rev3A_115 = vector.broadcast %rev3A_114 : i32 to vector<16xi32>
      %rev3A_116 = tpu.iota {dimensions = array<i32: 0>} : vector<16xi32>
      %rev3A_117 = arith.subi %rev3A_115, %rev3A_116 : vector<16xi32>
      %rev3A_118 = tpu.dynamic_gather %masked_sort3A_98[%rev3A_117] in [0] : vector<16xf32>, vector<16xi32> -> vector<16xf32>
      %rev3A_119 = arith.constant 15 : i32
      %rev3A_120 = vector.broadcast %rev3A_119 : i32 to vector<16xi32>
      %rev3A_121 = tpu.iota {dimensions = array<i32: 0>} : vector<16xi32>
      %rev3A_122 = arith.subi %rev3A_120, %rev3A_121 : vector<16xi32>
      %rev3A_123 = tpu.dynamic_gather %masked_sort3A_99[%rev3A_122] in [0] : vector<16xi32>, vector<16xi32> -> vector<16xi32>
      %gt3A_124 = arith.cmpf ogt, %masked_sort3A_75, %rev3A_108 : vector<16xf32>
      %select_n3A_125 = arith.select %gt3A_124, %masked_sort3A_75, %rev3A_108 : vector<16xi1>, vector<16xf32>
      %select_n3A_126 = arith.select %gt3A_124, %masked_sort3A_76, %rev3A_113 : vector<16xi1>, vector<16xi32>
      %gt3A_127 = arith.cmpf ogt, %masked_sort3A_79, %rev3A_118 : vector<16xf32>
      %select_n3A_128 = arith.select %gt3A_127, %masked_sort3A_79, %rev3A_118 : vector<16xi1>, vector<16xf32>
      %select_n3A_129 = arith.select %gt3A_127, %masked_sort3A_80, %rev3A_123 : vector<16xi1>, vector<16xi32>
      %gt3A_130 = arith.cmpf ogt, %select_n3A_125, %select_n3A_128 : vector<16xf32>
      %select_n3A_131 = arith.select %gt3A_130, %select_n3A_125, %select_n3A_128 : vector<16xi1>, vector<16xf32>
      %select_n3A_132 = arith.select %gt3A_130, %select_n3A_126, %select_n3A_129 : vector<16xi1>, vector<16xi32>
      %select_n3A_133 = arith.select %gt3A_130, %select_n3A_129, %select_n3A_126 : vector<16xi1>, vector<16xi32>
      %select_n3A_134 = arith.select %gt3A_130, %select_n3A_128, %select_n3A_125 : vector<16xi1>, vector<16xf32>
      %masked_sort3A_135 = arith.constant dense<true> : vector<16xi1>
      %masked_sort3A_136, %masked_sort3A_137, %masked_sort3A_138 = tpu.sort %select_n3A_131, %select_n3A_132 masked %masked_sort3A_135 {descending = true} : (vector<16xf32>, vector<16xi32>, vector<16xi1>) -> (vector<16xi1>, vector<16xf32>, vector<16xi32>)
      %masked_sort3A_139 = arith.constant dense<true> : vector<16xi1>
      %masked_sort3A_140, %masked_sort3A_141, %masked_sort3A_142 = tpu.sort %select_n3A_134, %select_n3A_133 masked %masked_sort3A_139 {descending = true} : (vector<16xf32>, vector<16xi32>, vector<16xi1>) -> (vector<16xi1>, vector<16xf32>, vector<16xi32>)
      %reduce_max3A = arith.constant true
      %reduce_max3A_143 = vector.broadcast %reduce_max3A : i1 to vector<16xi1>
      %reduce_max3A_144 = tpu.scan <max>, %masked_sort3A_137 masked %reduce_max3A_143 : vector<16xf32>, vector<16xi1> -> vector<16xf32>
      %reduce_max3A_145 = vector.extract %reduce_max3A_144[15] : f32 from vector<16xf32>
      %sub3A = vector.broadcast %reduce_max3A_145 : f32 to vector<16xf32>
      %sub3A_146 = arith.subf %masked_sort3A_137, %sub3A : vector<16xf32>
      %exp3A = math.exp %sub3A_146 : vector<16xf32>
      %jit3A = arith.constant 0.000000e+00 : f32
      %broadcast_in_dim3A = vector.broadcast %jit3A : f32 to vector<16xf32>
      %select_n3A_147 = arith.select %lt3A_4, %exp3A, %broadcast_in_dim3A : vector<16xi1>, vector<16xf32>
      %reduce_sum3A = arith.constant true
      %reduce_sum3A_148 = vector.broadcast %reduce_sum3A : i1 to vector<16xi1>
      %reduce_sum3A_149 = tpu.scan <sum>, %select_n3A_147 masked %reduce_sum3A_148 : vector<16xf32>, vector<16xi1> -> vector<16xf32>
      %reduce_sum3A_150 = vector.extract %reduce_sum3A_149[15] : f32 from vector<16xf32>
      %div3A = vector.broadcast %reduce_sum3A_150 : f32 to vector<16xf32>
      %div3A_151 = arith.divf %select_n3A_147, %div3A : vector<16xf32>
      %swap3A = arith.index_cast %mul3A_22 : i32 to index
      %swap3A_152 = arith.constant 0 : index
      %swap3A_153 = tpu.vector_load %arg6[%swap3A, %swap3A_152] {strides = array<i32>} : memref<176x16xf32, #tpu.memory_space<vmem>>, vector<16xf32>,
      tpu.vector_store %arg6[%swap3A, %swap3A_152], %div3A_151 {strides = array<i32>} : memref<176x16xf32, #tpu.memory_space<vmem>>, vector<16xf32>,
      %swap3A_154 = arith.index_cast %mul3A_22 : i32 to index
      %swap3A_155 = arith.constant 0 : index
      %swap3A_156 = tpu.vector_load %arg7[%swap3A_154, %swap3A_155] {strides = array<i32>} : memref<176x32xi32, #tpu.memory_space<vmem>>, vector<16xi32>,
      tpu.vector_store %arg7[%swap3A_154, %swap3A_155], %masked_sort3A_138 {strides = array<i32>} : memref<176x32xi32, #tpu.memory_space<vmem>>, vector<16xi32>,
      %swap3A_157 = arith.index_cast %mul3A_22 : i32 to index
      %swap3A_158 = arith.constant 16 : index
      %swap3A_159 = tpu.vector_load %arg7[%swap3A_157, %swap3A_158] {strides = array<i32>} : memref<176x32xi32, #tpu.memory_space<vmem>>, vector<16xi32>,
      tpu.vector_store %arg7[%swap3A_157, %swap3A_158], %masked_sort3A_142 {strides = array<i32>} : memref<176x32xi32, #tpu.memory_space<vmem>>, vector<16xi32>,
      %mul3A_160 = arith.constant 2 : i32
      %mul3A_161 = arith.muli %mul3A_160, %scan3A_20 : i32
      %add3A_162 = arith.constant 1 : i32
      %add3A_163 = arith.addi %mul3A_161, %add3A_162 : i32
      %get3A_164 = arith.index_cast %add3A_163 : i32 to index
      %get3A_165 = arith.constant 0 : index
      %get3A_166 = tpu.vector_load %arg5[%get3A_164, %get3A_165] {strides = array<i32>} : memref<176x64xf32, #tpu.memory_space<vmem>>, vector<16xf32>,
      %add3A_167 = arith.constant 0 : i32
      %add3A_168 = vector.broadcast %add3A_167 : i32 to vector<16xi32>
      %add3A_169 = arith.addi %iota3A, %add3A_168 : vector<16xi32>
      %masked_sort3A_170 = arith.constant dense<true> : vector<16xi1>
      %masked_sort3A_171, %masked_sort3A_172, %masked_sort3A_173 = tpu.sort %get3A_166, %add3A_169 masked %masked_sort3A_170 {descending = true} : (vector<16xf32>, vector<16xi32>, vector<16xi1>) -> (vector<16xi1>, vector<16xf32>, vector<16xi32>)
      %get3A_174 = arith.index_cast %add3A_163 : i32 to index
      %get3A_175 = arith.constant 16 : index
      %get3A_176 = tpu.vector_load %arg5[%get3A_174, %get3A_175] {strides = array<i32>} : memref<176x64xf32, #tpu.memory_space<vmem>>, vector<16xf32>,
      %add3A_177 = arith.constant 16 : i32
      %add3A_178 = vector.broadcast %add3A_177 : i32 to vector<16xi32>
      %add3A_179 = arith.addi %iota3A, %add3A_178 : vector<16xi32>
      %masked_sort3A_180 = arith.constant dense<true> : vector<16xi1>
      %masked_sort3A_181, %masked_sort3A_182, %masked_sort3A_183 = tpu.sort %get3A_176, %add3A_179 masked %masked_sort3A_180 {descending = true} : (vector<16xf32>, vector<16xi32>, vector<16xi1>) -> (vector<16xi1>, vector<16xf32>, vector<16xi32>)
      %get3A_184 = arith.index_cast %add3A_163 : i32 to index
      %get3A_185 = arith.constant 32 : index
      %get3A_186 = tpu.vector_load %arg5[%get3A_184, %get3A_185] {strides = array<i32>} : memref<176x64xf32, #tpu.memory_space<vmem>>, vector<16xf32>,
      %add3A_187 = arith.constant 32 : i32
      %add3A_188 = vector.broadcast %add3A_187 : i32 to vector<16xi32>
      %add3A_189 = arith.addi %iota3A, %add3A_188 : vector<16xi32>
      %masked_sort3A_190 = arith.constant dense<true> : vector<16xi1>
      %masked_sort3A_191, %masked_sort3A_192, %masked_sort3A_193 = tpu.sort %get3A_186, %add3A_189 masked %masked_sort3A_190 {descending = true} : (vector<16xf32>, vector<16xi32>, vector<16xi1>) -> (vector<16xi1>, vector<16xf32>, vector<16xi32>)
      %get3A_194 = arith.index_cast %add3A_163 : i32 to index
      %get3A_195 = arith.constant 48 : index
      %get3A_196 = tpu.vector_load %arg5[%get3A_194, %get3A_195] {strides = array<i32>} : memref<176x64xf32, #tpu.memory_space<vmem>>, vector<16xf32>,
      %add3A_197 = arith.constant 48 : i32
      %add3A_198 = vector.broadcast %add3A_197 : i32 to vector<16xi32>
      %add3A_199 = arith.addi %iota3A, %add3A_198 : vector<16xi32>
      %masked_sort3A_200 = arith.constant dense<true> : vector<16xi1>
      %masked_sort3A_201, %masked_sort3A_202, %masked_sort3A_203 = tpu.sort %get3A_196, %add3A_199 masked %masked_sort3A_200 {descending = true} : (vector<16xf32>, vector<16xi32>, vector<16xi1>) -> (vector<16xi1>, vector<16xf32>, vector<16xi32>)
      %rev3A_204 = arith.constant 15 : i32
      %rev3A_205 = vector.broadcast %rev3A_204 : i32 to vector<16xi32>
      %rev3A_206 = tpu.iota {dimensions = array<i32: 0>} : vector<16xi32>
      %rev3A_207 = arith.subi %rev3A_205, %rev3A_206 : vector<16xi32>
      %rev3A_208 = tpu.dynamic_gather %masked_sort3A_182[%rev3A_207] in [0] : vector<16xf32>, vector<16xi32> -> vector<16xf32>
      %rev3A_209 = arith.constant 15 : i32
      %rev3A_210 = vector.broadcast %rev3A_209 : i32 to vector<16xi32>
      %rev3A_211 = tpu.iota {dimensions = array<i32: 0>} : vector<16xi32>
      %rev3A_212 = arith.subi %rev3A_210, %rev3A_211 : vector<16xi32>
      %rev3A_213 = tpu.dynamic_gather %masked_sort3A_183[%rev3A_212] in [0] : vector<16xi32>, vector<16xi32> -> vector<16xi32>
      %gt3A_214 = arith.cmpf ogt, %masked_sort3A_172, %rev3A_208 : vector<16xf32>
      %select_n3A_215 = arith.select %gt3A_214, %masked_sort3A_172, %rev3A_208 : vector<16xi1>, vector<16xf32>
      %select_n3A_216 = arith.select %gt3A_214, %masked_sort3A_173, %rev3A_213 : vector<16xi1>, vector<16xi32>
      %select_n3A_217 = arith.select %gt3A_214, %rev3A_208, %masked_sort3A_172 : vector<16xi1>, vector<16xf32>
      %select_n3A_218 = arith.select %gt3A_214, %rev3A_213, %masked_sort3A_173 : vector<16xi1>, vector<16xi32>
      %masked_sort3A_219 = arith.constant dense<true> : vector<16xi1>
      %masked_sort3A_220, %masked_sort3A_221, %masked_sort3A_222 = tpu.sort %select_n3A_215, %select_n3A_216 masked %masked_sort3A_219 {descending = true} : (vector<16xf32>, vector<16xi32>, vector<16xi1>) -> (vector<16xi1>, vector<16xf32>, vector<16xi32>)
      %masked_sort3A_223 = arith.constant dense<true> : vector<16xi1>
      %masked_sort3A_224, %masked_sort3A_225, %masked_sort3A_226 = tpu.sort %select_n3A_217, %select_n3A_218 masked %masked_sort3A_223 {descending = true} : (vector<16xf32>, vector<16xi32>, vector<16xi1>) -> (vector<16xi1>, vector<16xf32>, vector<16xi32>)
      %rev3A_227 = arith.constant 15 : i32
      %rev3A_228 = vector.broadcast %rev3A_227 : i32 to vector<16xi32>
      %rev3A_229 = tpu.iota {dimensions = array<i32: 0>} : vector<16xi32>
      %rev3A_230 = arith.subi %rev3A_228, %rev3A_229 : vector<16xi32>
      %rev3A_231 = tpu.dynamic_gather %masked_sort3A_202[%rev3A_230] in [0] : vector<16xf32>, vector<16xi32> -> vector<16xf32>
      %rev3A_232 = arith.constant 15 : i32
      %rev3A_233 = vector.broadcast %rev3A_232 : i32 to vector<16xi32>
      %rev3A_234 = tpu.iota {dimensions = array<i32: 0>} : vector<16xi32>
      %rev3A_235 = arith.subi %rev3A_233, %rev3A_234 : vector<16xi32>
      %rev3A_236 = tpu.dynamic_gather %masked_sort3A_203[%rev3A_235] in [0] : vector<16xi32>, vector<16xi32> -> vector<16xi32>
      %gt3A_237 = arith.cmpf ogt, %masked_sort3A_192, %rev3A_231 : vector<16xf32>
      %select_n3A_238 = arith.select %gt3A_237, %masked_sort3A_192, %rev3A_231 : vector<16xi1>, vector<16xf32>
      %select_n3A_239 = arith.select %gt3A_237, %masked_sort3A_193, %rev3A_236 : vector<16xi1>, vector<16xi32>
      %select_n3A_240 = arith.select %gt3A_237, %rev3A_231, %masked_sort3A_192 : vector<16xi1>, vector<16xf32>
      %select_n3A_241 = arith.select %gt3A_237, %rev3A_236, %masked_sort3A_193 : vector<16xi1>, vector<16xi32>
      %masked_sort3A_242 = arith.constant dense<true> : vector<16xi1>
      %masked_sort3A_243, %masked_sort3A_244, %masked_sort3A_245 = tpu.sort %select_n3A_238, %select_n3A_239 masked %masked_sort3A_242 {descending = true} : (vector<16xf32>, vector<16xi32>, vector<16xi1>) -> (vector<16xi1>, vector<16xf32>, vector<16xi32>)
      %masked_sort3A_246 = arith.constant dense<true> : vector<16xi1>
      %masked_sort3A_247, %masked_sort3A_248, %masked_sort3A_249 = tpu.sort %select_n3A_240, %select_n3A_241 masked %masked_sort3A_246 {descending = true} : (vector<16xf32>, vector<16xi32>, vector<16xi1>) -> (vector<16xi1>, vector<16xf32>, vector<16xi32>)
      %rev3A_250 = arith.constant 15 : i32
      %rev3A_251 = vector.broadcast %rev3A_250 : i32 to vector<16xi32>
      %rev3A_252 = tpu.iota {dimensions = array<i32: 0>} : vector<16xi32>
      %rev3A_253 = arith.subi %rev3A_251, %rev3A_252 : vector<16xi32>
      %rev3A_254 = tpu.dynamic_gather %masked_sort3A_248[%rev3A_253] in [0] : vector<16xf32>, vector<16xi32> -> vector<16xf32>
      %rev3A_255 = arith.constant 15 : i32
      %rev3A_256 = vector.broadcast %rev3A_255 : i32 to vector<16xi32>
      %rev3A_257 = tpu.iota {dimensions = array<i32: 0>} : vector<16xi32>
      %rev3A_258 = arith.subi %rev3A_256, %rev3A_257 : vector<16xi32>
      %rev3A_259 = tpu.dynamic_gather %masked_sort3A_249[%rev3A_258] in [0] : vector<16xi32>, vector<16xi32> -> vector<16xi32>
      %rev3A_260 = arith.constant 15 : i32
      %rev3A_261 = vector.broadcast %rev3A_260 : i32 to vector<16xi32>
      %rev3A_262 = tpu.iota {dimensions = array<i32: 0>} : vector<16xi32>
      %rev3A_263 = arith.subi %rev3A_261, %rev3A_262 : vector<16xi32>
      %rev3A_264 = tpu.dynamic_gather %masked_sort3A_244[%rev3A_263] in [0] : vector<16xf32>, vector<16xi32> -> vector<16xf32>
      %rev3A_265 = arith.constant 15 : i32
      %rev3A_266 = vector.broadcast %rev3A_265 : i32 to vector<16xi32>
      %rev3A_267 = tpu.iota {dimensions = array<i32: 0>} : vector<16xi32>
      %rev3A_268 = arith.subi %rev3A_266, %rev3A_267 : vector<16xi32>
      %rev3A_269 = tpu.dynamic_gather %masked_sort3A_245[%rev3A_268] in [0] : vector<16xi32>, vector<16xi32> -> vector<16xi32>
      %gt3A_270 = arith.cmpf ogt, %masked_sort3A_221, %rev3A_254 : vector<16xf32>
      %select_n3A_271 = arith.select %gt3A_270, %masked_sort3A_221, %rev3A_254 : vector<16xi1>, vector<16xf32>
      %select_n3A_272 = arith.select %gt3A_270, %masked_sort3A_222, %rev3A_259 : vector<16xi1>, vector<16xi32>
      %gt3A_273 = arith.cmpf ogt, %masked_sort3A_225, %rev3A_264 : vector<16xf32>
      %select_n3A_274 = arith.select %gt3A_273, %masked_sort3A_225, %rev3A_264 : vector<16xi1>, vector<16xf32>
      %select_n3A_275 = arith.select %gt3A_273, %masked_sort3A_226, %rev3A_269 : vector<16xi1>, vector<16xi32>
      %gt3A_276 = arith.cmpf ogt, %select_n3A_271, %select_n3A_274 : vector<16xf32>
      %select_n3A_277 = arith.select %gt3A_276, %select_n3A_271, %select_n3A_274 : vector<16xi1>, vector<16xf32>
      %select_n3A_278 = arith.select %gt3A_276, %select_n3A_272, %select_n3A_275 : vector<16xi1>, vector<16xi32>
      %select_n3A_279 = arith.select %gt3A_276, %select_n3A_275, %select_n3A_272 : vector<16xi1>, vector<16xi32>
      %select_n3A_280 = arith.select %gt3A_276, %select_n3A_274, %select_n3A_271 : vector<16xi1>, vector<16xf32>
      %masked_sort3A_281 = arith.constant dense<true> : vector<16xi1>
      %masked_sort3A_282, %masked_sort3A_283, %masked_sort3A_284 = tpu.sort %select_n3A_277, %select_n3A_278 masked %masked_sort3A_281 {descending = true} : (vector<16xf32>, vector<16xi32>, vector<16xi1>) -> (vector<16xi1>, vector<16xf32>, vector<16xi32>)
      %masked_sort3A_285 = arith.constant dense<true> : vector<16xi1>
      %masked_sort3A_286, %masked_sort3A_287, %masked_sort3A_288 = tpu.sort %select_n3A_280, %select_n3A_279 masked %masked_sort3A_285 {descending = true} : (vector<16xf32>, vector<16xi32>, vector<16xi1>) -> (vector<16xi1>, vector<16xf32>, vector<16xi32>)
      %reduce_max3A_289 = arith.constant true
      %reduce_max3A_290 = vector.broadcast %reduce_max3A_289 : i1 to vector<16xi1>
      %reduce_max3A_291 = tpu.scan <max>, %masked_sort3A_283 masked %reduce_max3A_290 : vector<16xf32>, vector<16xi1> -> vector<16xf32>
      %reduce_max3A_292 = vector.extract %reduce_max3A_291[15] : f32 from vector<16xf32>
      %sub3A_293 = vector.broadcast %reduce_max3A_292 : f32 to vector<16xf32>
      %sub3A_294 = arith.subf %masked_sort3A_283, %sub3A_293 : vector<16xf32>
      %exp3A_295 = math.exp %sub3A_294 : vector<16xf32>
      %jit3A_296 = arith.constant 0.000000e+00 : f32
      %broadcast_in_dim3A_297 = vector.broadcast %jit3A_296 : f32 to vector<16xf32>
      %select_n3A_298 = arith.select %lt3A_4, %exp3A_295, %broadcast_in_dim3A_297 : vector<16xi1>, vector<16xf32>
      %reduce_sum3A_299 = arith.constant true
      %reduce_sum3A_300 = vector.broadcast %reduce_sum3A_299 : i1 to vector<16xi1>
      %reduce_sum3A_301 = tpu.scan <sum>, %select_n3A_298 masked %reduce_sum3A_300 : vector<16xf32>, vector<16xi1> -> vector<16xf32>
      %reduce_sum3A_302 = vector.extract %reduce_sum3A_301[15] : f32 from vector<16xf32>
      %div3A_303 = vector.broadcast %reduce_sum3A_302 : f32 to vector<16xf32>
      %div3A_304 = arith.divf %select_n3A_298, %div3A_303 : vector<16xf32>
      %swap3A_305 = arith.index_cast %add3A_163 : i32 to index
      %swap3A_306 = arith.constant 0 : index
      %swap3A_307 = tpu.vector_load %arg6[%swap3A_305, %swap3A_306] {strides = array<i32>} : memref<176x16xf32, #tpu.memory_space<vmem>>, vector<16xf32>,
      tpu.vector_store %arg6[%swap3A_305, %swap3A_306], %div3A_304 {strides = array<i32>} : memref<176x16xf32, #tpu.memory_space<vmem>>, vector<16xf32>,
      %swap3A_308 = arith.index_cast %add3A_163 : i32 to index
      %swap3A_309 = arith.constant 0 : index
      %swap3A_310 = tpu.vector_load %arg7[%swap3A_308, %swap3A_309] {strides = array<i32>} : memref<176x32xi32, #tpu.memory_space<vmem>>, vector<16xi32>,
      tpu.vector_store %arg7[%swap3A_308, %swap3A_309], %masked_sort3A_284 {strides = array<i32>} : memref<176x32xi32, #tpu.memory_space<vmem>>, vector<16xi32>,
      %swap3A_311 = arith.index_cast %add3A_163 : i32 to index
      %swap3A_312 = arith.constant 16 : index
      %swap3A_313 = tpu.vector_load %arg7[%swap3A_311, %swap3A_312] {strides = array<i32>} : memref<176x32xi32, #tpu.memory_space<vmem>>, vector<16xi32>,
      tpu.vector_store %arg7[%swap3A_311, %swap3A_312], %masked_sort3A_288 {strides = array<i32>} : memref<176x32xi32, #tpu.memory_space<vmem>>, vector<16xi32>,
    }
    %scan3A_19 = arith.constant 88 : i32
    "tpu.region"() ({
      %run_scoped3A = tpu.sem_alloc : memref<!tpu.dma_semaphore, #tpu.memory_space<semaphore_mem>>
      %dma_start3A = arith.constant 0 : i32
      %dma_start3A_20 = tpu.memref_slice %arg3[%add3A_13, %dma_start3A] : memref<11264x16xf32, #tpu.memory_space<hbm>> -> memref<176x16xf32, #tpu.memory_space<hbm>>
      %dma_start3A_21 = arith.constant 0 : i32
      %dma_start3A_22 = tpu.memref_slice %arg3[%add3A_13, %dma_start3A_21] : memref<11264x16xf32, #tpu.memory_space<hbm>> -> memref<176x16xf32, #tpu.memory_space<hbm>>
      tpu.enqueue_dma source(%arg6 : memref<176x16xf32, #tpu.memory_space<vmem>>) target(%dma_start3A_22 : memref<176x16xf32, #tpu.memory_space<hbm>>) target_semaphore(%run_scoped3A : memref<!tpu.dma_semaphore, #tpu.memory_space<semaphore_mem>>)
      %dma_wait3A = arith.constant 0 : i32
      %dma_wait3A_23 = tpu.memref_slice %arg3[%add3A_13, %dma_wait3A] : memref<11264x16xf32, #tpu.memory_space<hbm>> -> memref<176x16xf32, #tpu.memory_space<hbm>>
      %dma_wait3A_24 = arith.constant 0 : i32
      %dma_wait3A_25 = tpu.memref_slice %arg3[%add3A_13, %dma_wait3A_24] : memref<11264x16xf32, #tpu.memory_space<hbm>> -> memref<176x16xf32, #tpu.memory_space<hbm>>
      tpu.wait_dma2 semaphore(%run_scoped3A : memref<!tpu.dma_semaphore, #tpu.memory_space<semaphore_mem>>) src(%arg6 : memref<176x16xf32, #tpu.memory_space<vmem>>) dst(%dma_wait3A_25 : memref<176x16xf32, #tpu.memory_space<hbm>>)
      tpu.yield
    }) : () -> ()
    "tpu.region"() ({
      %run_scoped3A = tpu.sem_alloc : memref<!tpu.dma_semaphore, #tpu.memory_space<semaphore_mem>>
      %dma_start3A = arith.constant 0 : i32
      %dma_start3A_20 = tpu.memref_slice %arg4[%add3A_13, %dma_start3A] : memref<11264x32xi32, #tpu.memory_space<hbm>> -> memref<176x32xi32, #tpu.memory_space<hbm>>
      %dma_start3A_21 = arith.constant 0 : i32
      %dma_start3A_22 = tpu.memref_slice %arg4[%add3A_13, %dma_start3A_21] : memref<11264x32xi32, #tpu.memory_space<hbm>> -> memref<176x32xi32, #tpu.memory_space<hbm>>
      tpu.enqueue_dma source(%arg7 : memref<176x32xi32, #tpu.memory_space<vmem>>) target(%dma_start3A_22 : memref<176x32xi32, #tpu.memory_space<hbm>>) target_semaphore(%run_scoped3A : memref<!tpu.dma_semaphore, #tpu.memory_space<semaphore_mem>>)
      %dma_wait3A = arith.constant 0 : i32
      %dma_wait3A_23 = tpu.memref_slice %arg4[%add3A_13, %dma_wait3A] : memref<11264x32xi32, #tpu.memory_space<hbm>> -> memref<176x32xi32, #tpu.memory_space<hbm>>
      %dma_wait3A_24 = arith.constant 0 : i32
      %dma_wait3A_25 = tpu.memref_slice %arg4[%add3A_13, %dma_wait3A_24] : memref<11264x32xi32, #tpu.memory_space<hbm>> -> memref<176x32xi32, #tpu.memory_space<hbm>>
      tpu.wait_dma2 semaphore(%run_scoped3A : memref<!tpu.dma_semaphore, #tpu.memory_space<semaphore_mem>>) src(%arg7 : memref<176x32xi32, #tpu.memory_space<vmem>>) dst(%dma_wait3A_25 : memref<176x32xi32, #tpu.memory_space<hbm>>)
      tpu.yield
    }) : () -> ()
    return
  }
}

#map = affine_map<(d0, d1) -> (0, 0)>
module attributes {stable_mosaic.version = 14 : i64} {
  func.func @_lambda_(%arg0: i32, %arg1: i32, %arg2: memref<5120x64xf32, #tpu.memory_space<hbm>>, %arg3: memref<5120x16xf32, #tpu.memory_space<hbm>>, %arg4: memref<5120x32xi32, #tpu.memory_space<hbm>>, %arg5: memref<160x64xf32, #tpu.memory_space<vmem>>, %arg6: memref<160x16xf32, #tpu.memory_space<vmem>>, %arg7: memref<160x32xi32, #tpu.memory_space<vmem>>) attributes {dimension_semantics = [#tpu.dimension_semantics<core_parallel>, #tpu.dimension_semantics<subcore_parallel>], iteration_bounds = array<i64: 2, 16>, scalar_prefetch = 0 : i64, scratch_operands = 3 : i64, tpu.core_type = #tpu.core_type<sc_vector_subcore>, window_params = [{transform_indices = #map}, {transform_indices = #map}, {transform_indices = #map}]} {
    %mul3A = arith.constant 2 : i32
    %mul3A_0 = arith.muli %arg1, %mul3A : i32
    %add3A = arith.addi %mul3A_0, %arg0 : i32
    %mul3A_1 = arith.constant 160 : i32
    %mul3A_2 = arith.muli %add3A, %mul3A_1 : i32
    %iota3A = tpu.iota {dimensions = array<i32: 0>} : vector<16xi32>
    %lt3A = arith.constant 8 : i32
    %lt3A_3 = vector.broadcast %lt3A : i32 to vector<16xi32>
    %lt3A_4 = arith.cmpi slt, %iota3A, %lt3A_3 : vector<16xi32>
    %add3A_5 = arith.constant 0 : i32
    %add3A_6 = arith.addi %mul3A_2, %add3A_5 : i32
    "tpu.region"() ({
      %run_scoped3A = tpu.sem_alloc : memref<!tpu.dma_semaphore, #tpu.memory_space<semaphore_mem>>
      %dma_start3A = arith.constant 0 : i32
      %dma_start3A_12 = tpu.memref_slice %arg2[%add3A_6, %dma_start3A] : memref<5120x64xf32, #tpu.memory_space<hbm>> -> memref<160x64xf32, #tpu.memory_space<hbm>>
      %dma_start3A_13 = arith.constant 0 : i32
      %dma_start3A_14 = tpu.memref_slice %arg2[%add3A_6, %dma_start3A_13] : memref<5120x64xf32, #tpu.memory_space<hbm>> -> memref<160x64xf32, #tpu.memory_space<hbm>>
      tpu.enqueue_dma source(%dma_start3A_14 : memref<160x64xf32, #tpu.memory_space<hbm>>) target(%arg5 : memref<160x64xf32, #tpu.memory_space<vmem>>) target_semaphore(%run_scoped3A : memref<!tpu.dma_semaphore, #tpu.memory_space<semaphore_mem>>)
      %dma_wait3A = arith.constant 0 : i32
      %dma_wait3A_15 = tpu.memref_slice %arg2[%add3A_6, %dma_wait3A] : memref<5120x64xf32, #tpu.memory_space<hbm>> -> memref<160x64xf32, #tpu.memory_space<hbm>>
      %dma_wait3A_16 = arith.constant 0 : i32
      %dma_wait3A_17 = tpu.memref_slice %arg2[%add3A_6, %dma_wait3A_16] : memref<5120x64xf32, #tpu.memory_space<hbm>> -> memref<160x64xf32, #tpu.memory_space<hbm>>
      tpu.wait_dma2 semaphore(%run_scoped3A : memref<!tpu.dma_semaphore, #tpu.memory_space<semaphore_mem>>) src(%dma_wait3A_17 : memref<160x64xf32, #tpu.memory_space<hbm>>) dst(%arg5 : memref<160x64xf32, #tpu.memory_space<vmem>>)
      tpu.yield
    }) : () -> ()
    %scan3A = arith.constant 0 : i32
    %scan3A_7 = arith.constant 0 : i32
    %scan3A_8 = arith.constant 80 : i32
    %scan3A_9 = arith.addi %scan3A_7, %scan3A_8 : i32
    %scan3A_10 = arith.constant 1 : i32
    scf.for %scan3A_12 = %scan3A_7 to %scan3A_9 step %scan3A_10  : i32 {
      %mul3A_13 = arith.constant 2 : i32
      %mul3A_14 = arith.muli %mul3A_13, %scan3A_12 : i32
      %get3A = arith.index_cast %mul3A_14 : i32 to index
      %get3A_15 = arith.constant 0 : index
      %get3A_16 = tpu.vector_load %arg5[%get3A, %get3A_15] {strides = array<i32>} : memref<160x64xf32, #tpu.memory_space<vmem>>, vector<16xf32>,
      %add3A_17 = arith.constant 0 : i32
      %add3A_18 = vector.broadcast %add3A_17 : i32 to vector<16xi32>
      %add3A_19 = arith.addi %iota3A, %add3A_18 : vector<16xi32>
      %masked_sort3A = arith.constant dense<true> : vector<16xi1>
      %masked_sort3A_20, %masked_sort3A_21, %masked_sort3A_22 = tpu.sort %get3A_16, %add3A_19 masked %masked_sort3A {descending = true} : (vector<16xf32>, vector<16xi32>, vector<16xi1>) -> (vector<16xi1>, vector<16xf32>, vector<16xi32>)
      %get3A_23 = arith.index_cast %mul3A_14 : i32 to index
      %get3A_24 = arith.constant 16 : index
      %get3A_25 = tpu.vector_load %arg5[%get3A_23, %get3A_24] {strides = array<i32>} : memref<160x64xf32, #tpu.memory_space<vmem>>, vector<16xf32>,
      %add3A_26 = arith.constant 16 : i32
      %add3A_27 = vector.broadcast %add3A_26 : i32 to vector<16xi32>
      %add3A_28 = arith.addi %iota3A, %add3A_27 : vector<16xi32>
      %masked_sort3A_29 = arith.constant dense<true> : vector<16xi1>
      %masked_sort3A_30, %masked_sort3A_31, %masked_sort3A_32 = tpu.sort %get3A_25, %add3A_28 masked %masked_sort3A_29 {descending = true} : (vector<16xf32>, vector<16xi32>, vector<16xi1>) -> (vector<16xi1>, vector<16xf32>, vector<16xi32>)
      %get3A_33 = arith.index_cast %mul3A_14 : i32 to index
      %get3A_34 = arith.constant 32 : index
      %get3A_35 = tpu.vector_load %arg5[%get3A_33, %get3A_34] {strides = array<i32>} : memref<160x64xf32, #tpu.memory_space<vmem>>, vector<16xf32>,
      %add3A_36 = arith.constant 32 : i32
      %add3A_37 = vector.broadcast %add3A_36 : i32 to vector<16xi32>
      %add3A_38 = arith.addi %iota3A, %add3A_37 : vector<16xi32>
      %masked_sort3A_39 = arith.constant dense<true> : vector<16xi1>
      %masked_sort3A_40, %masked_sort3A_41, %masked_sort3A_42 = tpu.sort %get3A_35, %add3A_38 masked %masked_sort3A_39 {descending = true} : (vector<16xf32>, vector<16xi32>, vector<16xi1>) -> (vector<16xi1>, vector<16xf32>, vector<16xi32>)
      %get3A_43 = arith.index_cast %mul3A_14 : i32 to index
      %get3A_44 = arith.constant 48 : index
      %get3A_45 = tpu.vector_load %arg5[%get3A_43, %get3A_44] {strides = array<i32>} : memref<160x64xf32, #tpu.memory_space<vmem>>, vector<16xf32>,
      %add3A_46 = arith.constant 48 : i32
      %add3A_47 = vector.broadcast %add3A_46 : i32 to vector<16xi32>
      %add3A_48 = arith.addi %iota3A, %add3A_47 : vector<16xi32>
      %masked_sort3A_49 = arith.constant dense<true> : vector<16xi1>
      %masked_sort3A_50, %masked_sort3A_51, %masked_sort3A_52 = tpu.sort %get3A_45, %add3A_48 masked %masked_sort3A_49 {descending = true} : (vector<16xf32>, vector<16xi32>, vector<16xi1>) -> (vector<16xi1>, vector<16xf32>, vector<16xi32>)
      %rev3A = arith.constant 15 : i32
      %rev3A_53 = vector.broadcast %rev3A : i32 to vector<16xi32>
      %rev3A_54 = tpu.iota {dimensions = array<i32: 0>} : vector<16xi32>
      %rev3A_55 = arith.subi %rev3A_53, %rev3A_54 : vector<16xi32>
      %rev3A_56 = tpu.dynamic_gather %masked_sort3A_31[%rev3A_55] in [0] : vector<16xf32>, vector<16xi32> -> vector<16xf32>
      %rev3A_57 = arith.constant 15 : i32
      %rev3A_58 = vector.broadcast %rev3A_57 : i32 to vector<16xi32>
      %rev3A_59 = tpu.iota {dimensions = array<i32: 0>} : vector<16xi32>
      %rev3A_60 = arith.subi %rev3A_58, %rev3A_59 : vector<16xi32>
      %rev3A_61 = tpu.dynamic_gather %masked_sort3A_32[%rev3A_60] in [0] : vector<16xi32>, vector<16xi32> -> vector<16xi32>
      %gt3A = arith.cmpf ogt, %masked_sort3A_21, %rev3A_56 : vector<16xf32>
      %select_n3A = arith.select %gt3A, %masked_sort3A_21, %rev3A_56 : vector<16xi1>, vector<16xf32>
      %select_n3A_62 = arith.select %gt3A, %masked_sort3A_22, %rev3A_61 : vector<16xi1>, vector<16xi32>
      %select_n3A_63 = arith.select %gt3A, %rev3A_56, %masked_sort3A_21 : vector<16xi1>, vector<16xf32>
      %select_n3A_64 = arith.select %gt3A, %rev3A_61, %masked_sort3A_22 : vector<16xi1>, vector<16xi32>
      %masked_sort3A_65 = arith.constant dense<true> : vector<16xi1>
      %masked_sort3A_66, %masked_sort3A_67, %masked_sort3A_68 = tpu.sort %select_n3A, %select_n3A_62 masked %masked_sort3A_65 {descending = true} : (vector<16xf32>, vector<16xi32>, vector<16xi1>) -> (vector<16xi1>, vector<16xf32>, vector<16xi32>)
      %masked_sort3A_69 = arith.constant dense<true> : vector<16xi1>
      %masked_sort3A_70, %masked_sort3A_71, %masked_sort3A_72 = tpu.sort %select_n3A_63, %select_n3A_64 masked %masked_sort3A_69 {descending = true} : (vector<16xf32>, vector<16xi32>, vector<16xi1>) -> (vector<16xi1>, vector<16xf32>, vector<16xi32>)
      %rev3A_73 = arith.constant 15 : i32
      %rev3A_74 = vector.broadcast %rev3A_73 : i32 to vector<16xi32>
      %rev3A_75 = tpu.iota {dimensions = array<i32: 0>} : vector<16xi32>
      %rev3A_76 = arith.subi %rev3A_74, %rev3A_75 : vector<16xi32>
      %rev3A_77 = tpu.dynamic_gather %masked_sort3A_51[%rev3A_76] in [0] : vector<16xf32>, vector<16xi32> -> vector<16xf32>
      %rev3A_78 = arith.constant 15 : i32
      %rev3A_79 = vector.broadcast %rev3A_78 : i32 to vector<16xi32>
      %rev3A_80 = tpu.iota {dimensions = array<i32: 0>} : vector<16xi32>
      %rev3A_81 = arith.subi %rev3A_79, %rev3A_80 : vector<16xi32>
      %rev3A_82 = tpu.dynamic_gather %masked_sort3A_52[%rev3A_81] in [0] : vector<16xi32>, vector<16xi32> -> vector<16xi32>
      %gt3A_83 = arith.cmpf ogt, %masked_sort3A_41, %rev3A_77 : vector<16xf32>
      %select_n3A_84 = arith.select %gt3A_83, %masked_sort3A_41, %rev3A_77 : vector<16xi1>, vector<16xf32>
      %select_n3A_85 = arith.select %gt3A_83, %masked_sort3A_42, %rev3A_82 : vector<16xi1>, vector<16xi32>
      %select_n3A_86 = arith.select %gt3A_83, %rev3A_77, %masked_sort3A_41 : vector<16xi1>, vector<16xf32>
      %select_n3A_87 = arith.select %gt3A_83, %rev3A_82, %masked_sort3A_42 : vector<16xi1>, vector<16xi32>
      %masked_sort3A_88 = arith.constant dense<true> : vector<16xi1>
      %masked_sort3A_89, %masked_sort3A_90, %masked_sort3A_91 = tpu.sort %select_n3A_84, %select_n3A_85 masked %masked_sort3A_88 {descending = true} : (vector<16xf32>, vector<16xi32>, vector<16xi1>) -> (vector<16xi1>, vector<16xf32>, vector<16xi32>)
      %masked_sort3A_92 = arith.constant dense<true> : vector<16xi1>
      %masked_sort3A_93, %masked_sort3A_94, %masked_sort3A_95 = tpu.sort %select_n3A_86, %select_n3A_87 masked %masked_sort3A_92 {descending = true} : (vector<16xf32>, vector<16xi32>, vector<16xi1>) -> (vector<16xi1>, vector<16xf32>, vector<16xi32>)
      %rev3A_96 = arith.constant 15 : i32
      %rev3A_97 = vector.broadcast %rev3A_96 : i32 to vector<16xi32>
      %rev3A_98 = tpu.iota {dimensions = array<i32: 0>} : vector<16xi32>
      %rev3A_99 = arith.subi %rev3A_97, %rev3A_98 : vector<16xi32>
      %rev3A_100 = tpu.dynamic_gather %masked_sort3A_94[%rev3A_99] in [0] : vector<16xf32>, vector<16xi32> -> vector<16xf32>
      %rev3A_101 = arith.constant 15 : i32
      %rev3A_102 = vector.broadcast %rev3A_101 : i32 to vector<16xi32>
      %rev3A_103 = tpu.iota {dimensions = array<i32: 0>} : vector<16xi32>
      %rev3A_104 = arith.subi %rev3A_102, %rev3A_103 : vector<16xi32>
      %rev3A_105 = tpu.dynamic_gather %masked_sort3A_95[%rev3A_104] in [0] : vector<16xi32>, vector<16xi32> -> vector<16xi32>
      %rev3A_106 = arith.constant 15 : i32
      %rev3A_107 = vector.broadcast %rev3A_106 : i32 to vector<16xi32>
      %rev3A_108 = tpu.iota {dimensions = array<i32: 0>} : vector<16xi32>
      %rev3A_109 = arith.subi %rev3A_107, %rev3A_108 : vector<16xi32>
      %rev3A_110 = tpu.dynamic_gather %masked_sort3A_90[%rev3A_109] in [0] : vector<16xf32>, vector<16xi32> -> vector<16xf32>
      %rev3A_111 = arith.constant 15 : i32
      %rev3A_112 = vector.broadcast %rev3A_111 : i32 to vector<16xi32>
      %rev3A_113 = tpu.iota {dimensions = array<i32: 0>} : vector<16xi32>
      %rev3A_114 = arith.subi %rev3A_112, %rev3A_113 : vector<16xi32>
      %rev3A_115 = tpu.dynamic_gather %masked_sort3A_91[%rev3A_114] in [0] : vector<16xi32>, vector<16xi32> -> vector<16xi32>
      %gt3A_116 = arith.cmpf ogt, %masked_sort3A_67, %rev3A_100 : vector<16xf32>
      %select_n3A_117 = arith.select %gt3A_116, %masked_sort3A_67, %rev3A_100 : vector<16xi1>, vector<16xf32>
      %select_n3A_118 = arith.select %gt3A_116, %masked_sort3A_68, %rev3A_105 : vector<16xi1>, vector<16xi32>
      %gt3A_119 = arith.cmpf ogt, %masked_sort3A_71, %rev3A_110 : vector<16xf32>
      %select_n3A_120 = arith.select %gt3A_119, %masked_sort3A_71, %rev3A_110 : vector<16xi1>, vector<16xf32>
      %select_n3A_121 = arith.select %gt3A_119, %masked_sort3A_72, %rev3A_115 : vector<16xi1>, vector<16xi32>
      %gt3A_122 = arith.cmpf ogt, %select_n3A_117, %select_n3A_120 : vector<16xf32>
      %select_n3A_123 = arith.select %gt3A_122, %select_n3A_117, %select_n3A_120 : vector<16xi1>, vector<16xf32>
      %select_n3A_124 = arith.select %gt3A_122, %select_n3A_118, %select_n3A_121 : vector<16xi1>, vector<16xi32>
      %select_n3A_125 = arith.select %gt3A_122, %select_n3A_121, %select_n3A_118 : vector<16xi1>, vector<16xi32>
      %select_n3A_126 = arith.select %gt3A_122, %select_n3A_120, %select_n3A_117 : vector<16xi1>, vector<16xf32>
      %masked_sort3A_127 = arith.constant dense<true> : vector<16xi1>
      %masked_sort3A_128, %masked_sort3A_129, %masked_sort3A_130 = tpu.sort %select_n3A_123, %select_n3A_124 masked %masked_sort3A_127 {descending = true} : (vector<16xf32>, vector<16xi32>, vector<16xi1>) -> (vector<16xi1>, vector<16xf32>, vector<16xi32>)
      %masked_sort3A_131 = arith.constant dense<true> : vector<16xi1>
      %masked_sort3A_132, %masked_sort3A_133, %masked_sort3A_134 = tpu.sort %select_n3A_126, %select_n3A_125 masked %masked_sort3A_131 {descending = true} : (vector<16xf32>, vector<16xi32>, vector<16xi1>) -> (vector<16xi1>, vector<16xf32>, vector<16xi32>)
      %reduce_max3A = arith.constant true
      %reduce_max3A_135 = vector.broadcast %reduce_max3A : i1 to vector<16xi1>
      %reduce_max3A_136 = tpu.scan <max>, %masked_sort3A_129 masked %reduce_max3A_135 : vector<16xf32>, vector<16xi1> -> vector<16xf32>
      %reduce_max3A_137 = vector.extract %reduce_max3A_136[15] : f32 from vector<16xf32>
      %sub3A = vector.broadcast %reduce_max3A_137 : f32 to vector<16xf32>
      %sub3A_138 = arith.subf %masked_sort3A_129, %sub3A : vector<16xf32>
      %exp3A = math.exp %sub3A_138 : vector<16xf32>
      %jit3A = arith.constant 0.000000e+00 : f32
      %broadcast_in_dim3A = vector.broadcast %jit3A : f32 to vector<16xf32>
      %select_n3A_139 = arith.select %lt3A_4, %exp3A, %broadcast_in_dim3A : vector<16xi1>, vector<16xf32>
      %reduce_sum3A = arith.constant true
      %reduce_sum3A_140 = vector.broadcast %reduce_sum3A : i1 to vector<16xi1>
      %reduce_sum3A_141 = tpu.scan <sum>, %select_n3A_139 masked %reduce_sum3A_140 : vector<16xf32>, vector<16xi1> -> vector<16xf32>
      %reduce_sum3A_142 = vector.extract %reduce_sum3A_141[15] : f32 from vector<16xf32>
      %div3A = vector.broadcast %reduce_sum3A_142 : f32 to vector<16xf32>
      %div3A_143 = arith.divf %select_n3A_139, %div3A : vector<16xf32>
      %swap3A = arith.index_cast %mul3A_14 : i32 to index
      %swap3A_144 = arith.constant 0 : index
      %swap3A_145 = tpu.vector_load %arg6[%swap3A, %swap3A_144] {strides = array<i32>} : memref<160x16xf32, #tpu.memory_space<vmem>>, vector<16xf32>,
      tpu.vector_store %arg6[%swap3A, %swap3A_144], %div3A_143 {strides = array<i32>} : memref<160x16xf32, #tpu.memory_space<vmem>>, vector<16xf32>,
      %swap3A_146 = arith.index_cast %mul3A_14 : i32 to index
      %swap3A_147 = arith.constant 0 : index
      %swap3A_148 = tpu.vector_load %arg7[%swap3A_146, %swap3A_147] {strides = array<i32>} : memref<160x32xi32, #tpu.memory_space<vmem>>, vector<16xi32>,
      tpu.vector_store %arg7[%swap3A_146, %swap3A_147], %masked_sort3A_130 {strides = array<i32>} : memref<160x32xi32, #tpu.memory_space<vmem>>, vector<16xi32>,
      %swap3A_149 = arith.index_cast %mul3A_14 : i32 to index
      %swap3A_150 = arith.constant 16 : index
      %swap3A_151 = tpu.vector_load %arg7[%swap3A_149, %swap3A_150] {strides = array<i32>} : memref<160x32xi32, #tpu.memory_space<vmem>>, vector<16xi32>,
      tpu.vector_store %arg7[%swap3A_149, %swap3A_150], %masked_sort3A_134 {strides = array<i32>} : memref<160x32xi32, #tpu.memory_space<vmem>>, vector<16xi32>,
      %mul3A_152 = arith.constant 2 : i32
      %mul3A_153 = arith.muli %mul3A_152, %scan3A_12 : i32
      %add3A_154 = arith.constant 1 : i32
      %add3A_155 = arith.addi %mul3A_153, %add3A_154 : i32
      %get3A_156 = arith.index_cast %add3A_155 : i32 to index
      %get3A_157 = arith.constant 0 : index
      %get3A_158 = tpu.vector_load %arg5[%get3A_156, %get3A_157] {strides = array<i32>} : memref<160x64xf32, #tpu.memory_space<vmem>>, vector<16xf32>,
      %add3A_159 = arith.constant 0 : i32
      %add3A_160 = vector.broadcast %add3A_159 : i32 to vector<16xi32>
      %add3A_161 = arith.addi %iota3A, %add3A_160 : vector<16xi32>
      %masked_sort3A_162 = arith.constant dense<true> : vector<16xi1>
      %masked_sort3A_163, %masked_sort3A_164, %masked_sort3A_165 = tpu.sort %get3A_158, %add3A_161 masked %masked_sort3A_162 {descending = true} : (vector<16xf32>, vector<16xi32>, vector<16xi1>) -> (vector<16xi1>, vector<16xf32>, vector<16xi32>)
      %get3A_166 = arith.index_cast %add3A_155 : i32 to index
      %get3A_167 = arith.constant 16 : index
      %get3A_168 = tpu.vector_load %arg5[%get3A_166, %get3A_167] {strides = array<i32>} : memref<160x64xf32, #tpu.memory_space<vmem>>, vector<16xf32>,
      %add3A_169 = arith.constant 16 : i32
      %add3A_170 = vector.broadcast %add3A_169 : i32 to vector<16xi32>
      %add3A_171 = arith.addi %iota3A, %add3A_170 : vector<16xi32>
      %masked_sort3A_172 = arith.constant dense<true> : vector<16xi1>
      %masked_sort3A_173, %masked_sort3A_174, %masked_sort3A_175 = tpu.sort %get3A_168, %add3A_171 masked %masked_sort3A_172 {descending = true} : (vector<16xf32>, vector<16xi32>, vector<16xi1>) -> (vector<16xi1>, vector<16xf32>, vector<16xi32>)
      %get3A_176 = arith.index_cast %add3A_155 : i32 to index
      %get3A_177 = arith.constant 32 : index
      %get3A_178 = tpu.vector_load %arg5[%get3A_176, %get3A_177] {strides = array<i32>} : memref<160x64xf32, #tpu.memory_space<vmem>>, vector<16xf32>,
      %add3A_179 = arith.constant 32 : i32
      %add3A_180 = vector.broadcast %add3A_179 : i32 to vector<16xi32>
      %add3A_181 = arith.addi %iota3A, %add3A_180 : vector<16xi32>
      %masked_sort3A_182 = arith.constant dense<true> : vector<16xi1>
      %masked_sort3A_183, %masked_sort3A_184, %masked_sort3A_185 = tpu.sort %get3A_178, %add3A_181 masked %masked_sort3A_182 {descending = true} : (vector<16xf32>, vector<16xi32>, vector<16xi1>) -> (vector<16xi1>, vector<16xf32>, vector<16xi32>)
      %get3A_186 = arith.index_cast %add3A_155 : i32 to index
      %get3A_187 = arith.constant 48 : index
      %get3A_188 = tpu.vector_load %arg5[%get3A_186, %get3A_187] {strides = array<i32>} : memref<160x64xf32, #tpu.memory_space<vmem>>, vector<16xf32>,
      %add3A_189 = arith.constant 48 : i32
      %add3A_190 = vector.broadcast %add3A_189 : i32 to vector<16xi32>
      %add3A_191 = arith.addi %iota3A, %add3A_190 : vector<16xi32>
      %masked_sort3A_192 = arith.constant dense<true> : vector<16xi1>
      %masked_sort3A_193, %masked_sort3A_194, %masked_sort3A_195 = tpu.sort %get3A_188, %add3A_191 masked %masked_sort3A_192 {descending = true} : (vector<16xf32>, vector<16xi32>, vector<16xi1>) -> (vector<16xi1>, vector<16xf32>, vector<16xi32>)
      %rev3A_196 = arith.constant 15 : i32
      %rev3A_197 = vector.broadcast %rev3A_196 : i32 to vector<16xi32>
      %rev3A_198 = tpu.iota {dimensions = array<i32: 0>} : vector<16xi32>
      %rev3A_199 = arith.subi %rev3A_197, %rev3A_198 : vector<16xi32>
      %rev3A_200 = tpu.dynamic_gather %masked_sort3A_174[%rev3A_199] in [0] : vector<16xf32>, vector<16xi32> -> vector<16xf32>
      %rev3A_201 = arith.constant 15 : i32
      %rev3A_202 = vector.broadcast %rev3A_201 : i32 to vector<16xi32>
      %rev3A_203 = tpu.iota {dimensions = array<i32: 0>} : vector<16xi32>
      %rev3A_204 = arith.subi %rev3A_202, %rev3A_203 : vector<16xi32>
      %rev3A_205 = tpu.dynamic_gather %masked_sort3A_175[%rev3A_204] in [0] : vector<16xi32>, vector<16xi32> -> vector<16xi32>
      %gt3A_206 = arith.cmpf ogt, %masked_sort3A_164, %rev3A_200 : vector<16xf32>
      %select_n3A_207 = arith.select %gt3A_206, %masked_sort3A_164, %rev3A_200 : vector<16xi1>, vector<16xf32>
      %select_n3A_208 = arith.select %gt3A_206, %masked_sort3A_165, %rev3A_205 : vector<16xi1>, vector<16xi32>
      %select_n3A_209 = arith.select %gt3A_206, %rev3A_200, %masked_sort3A_164 : vector<16xi1>, vector<16xf32>
      %select_n3A_210 = arith.select %gt3A_206, %rev3A_205, %masked_sort3A_165 : vector<16xi1>, vector<16xi32>
      %masked_sort3A_211 = arith.constant dense<true> : vector<16xi1>
      %masked_sort3A_212, %masked_sort3A_213, %masked_sort3A_214 = tpu.sort %select_n3A_207, %select_n3A_208 masked %masked_sort3A_211 {descending = true} : (vector<16xf32>, vector<16xi32>, vector<16xi1>) -> (vector<16xi1>, vector<16xf32>, vector<16xi32>)
      %masked_sort3A_215 = arith.constant dense<true> : vector<16xi1>
      %masked_sort3A_216, %masked_sort3A_217, %masked_sort3A_218 = tpu.sort %select_n3A_209, %select_n3A_210 masked %masked_sort3A_215 {descending = true} : (vector<16xf32>, vector<16xi32>, vector<16xi1>) -> (vector<16xi1>, vector<16xf32>, vector<16xi32>)
      %rev3A_219 = arith.constant 15 : i32
      %rev3A_220 = vector.broadcast %rev3A_219 : i32 to vector<16xi32>
      %rev3A_221 = tpu.iota {dimensions = array<i32: 0>} : vector<16xi32>
      %rev3A_222 = arith.subi %rev3A_220, %rev3A_221 : vector<16xi32>
      %rev3A_223 = tpu.dynamic_gather %masked_sort3A_194[%rev3A_222] in [0] : vector<16xf32>, vector<16xi32> -> vector<16xf32>
      %rev3A_224 = arith.constant 15 : i32
      %rev3A_225 = vector.broadcast %rev3A_224 : i32 to vector<16xi32>
      %rev3A_226 = tpu.iota {dimensions = array<i32: 0>} : vector<16xi32>
      %rev3A_227 = arith.subi %rev3A_225, %rev3A_226 : vector<16xi32>
      %rev3A_228 = tpu.dynamic_gather %masked_sort3A_195[%rev3A_227] in [0] : vector<16xi32>, vector<16xi32> -> vector<16xi32>
      %gt3A_229 = arith.cmpf ogt, %masked_sort3A_184, %rev3A_223 : vector<16xf32>
      %select_n3A_230 = arith.select %gt3A_229, %masked_sort3A_184, %rev3A_223 : vector<16xi1>, vector<16xf32>
      %select_n3A_231 = arith.select %gt3A_229, %masked_sort3A_185, %rev3A_228 : vector<16xi1>, vector<16xi32>
      %select_n3A_232 = arith.select %gt3A_229, %rev3A_223, %masked_sort3A_184 : vector<16xi1>, vector<16xf32>
      %select_n3A_233 = arith.select %gt3A_229, %rev3A_228, %masked_sort3A_185 : vector<16xi1>, vector<16xi32>
      %masked_sort3A_234 = arith.constant dense<true> : vector<16xi1>
      %masked_sort3A_235, %masked_sort3A_236, %masked_sort3A_237 = tpu.sort %select_n3A_230, %select_n3A_231 masked %masked_sort3A_234 {descending = true} : (vector<16xf32>, vector<16xi32>, vector<16xi1>) -> (vector<16xi1>, vector<16xf32>, vector<16xi32>)
      %masked_sort3A_238 = arith.constant dense<true> : vector<16xi1>
      %masked_sort3A_239, %masked_sort3A_240, %masked_sort3A_241 = tpu.sort %select_n3A_232, %select_n3A_233 masked %masked_sort3A_238 {descending = true} : (vector<16xf32>, vector<16xi32>, vector<16xi1>) -> (vector<16xi1>, vector<16xf32>, vector<16xi32>)
      %rev3A_242 = arith.constant 15 : i32
      %rev3A_243 = vector.broadcast %rev3A_242 : i32 to vector<16xi32>
      %rev3A_244 = tpu.iota {dimensions = array<i32: 0>} : vector<16xi32>
      %rev3A_245 = arith.subi %rev3A_243, %rev3A_244 : vector<16xi32>
      %rev3A_246 = tpu.dynamic_gather %masked_sort3A_240[%rev3A_245] in [0] : vector<16xf32>, vector<16xi32> -> vector<16xf32>
      %rev3A_247 = arith.constant 15 : i32
      %rev3A_248 = vector.broadcast %rev3A_247 : i32 to vector<16xi32>
      %rev3A_249 = tpu.iota {dimensions = array<i32: 0>} : vector<16xi32>
      %rev3A_250 = arith.subi %rev3A_248, %rev3A_249 : vector<16xi32>
      %rev3A_251 = tpu.dynamic_gather %masked_sort3A_241[%rev3A_250] in [0] : vector<16xi32>, vector<16xi32> -> vector<16xi32>
      %rev3A_252 = arith.constant 15 : i32
      %rev3A_253 = vector.broadcast %rev3A_252 : i32 to vector<16xi32>
      %rev3A_254 = tpu.iota {dimensions = array<i32: 0>} : vector<16xi32>
      %rev3A_255 = arith.subi %rev3A_253, %rev3A_254 : vector<16xi32>
      %rev3A_256 = tpu.dynamic_gather %masked_sort3A_236[%rev3A_255] in [0] : vector<16xf32>, vector<16xi32> -> vector<16xf32>
      %rev3A_257 = arith.constant 15 : i32
      %rev3A_258 = vector.broadcast %rev3A_257 : i32 to vector<16xi32>
      %rev3A_259 = tpu.iota {dimensions = array<i32: 0>} : vector<16xi32>
      %rev3A_260 = arith.subi %rev3A_258, %rev3A_259 : vector<16xi32>
      %rev3A_261 = tpu.dynamic_gather %masked_sort3A_237[%rev3A_260] in [0] : vector<16xi32>, vector<16xi32> -> vector<16xi32>
      %gt3A_262 = arith.cmpf ogt, %masked_sort3A_213, %rev3A_246 : vector<16xf32>
      %select_n3A_263 = arith.select %gt3A_262, %masked_sort3A_213, %rev3A_246 : vector<16xi1>, vector<16xf32>
      %select_n3A_264 = arith.select %gt3A_262, %masked_sort3A_214, %rev3A_251 : vector<16xi1>, vector<16xi32>
      %gt3A_265 = arith.cmpf ogt, %masked_sort3A_217, %rev3A_256 : vector<16xf32>
      %select_n3A_266 = arith.select %gt3A_265, %masked_sort3A_217, %rev3A_256 : vector<16xi1>, vector<16xf32>
      %select_n3A_267 = arith.select %gt3A_265, %masked_sort3A_218, %rev3A_261 : vector<16xi1>, vector<16xi32>
      %gt3A_268 = arith.cmpf ogt, %select_n3A_263, %select_n3A_266 : vector<16xf32>
      %select_n3A_269 = arith.select %gt3A_268, %select_n3A_263, %select_n3A_266 : vector<16xi1>, vector<16xf32>
      %select_n3A_270 = arith.select %gt3A_268, %select_n3A_264, %select_n3A_267 : vector<16xi1>, vector<16xi32>
      %select_n3A_271 = arith.select %gt3A_268, %select_n3A_267, %select_n3A_264 : vector<16xi1>, vector<16xi32>
      %select_n3A_272 = arith.select %gt3A_268, %select_n3A_266, %select_n3A_263 : vector<16xi1>, vector<16xf32>
      %masked_sort3A_273 = arith.constant dense<true> : vector<16xi1>
      %masked_sort3A_274, %masked_sort3A_275, %masked_sort3A_276 = tpu.sort %select_n3A_269, %select_n3A_270 masked %masked_sort3A_273 {descending = true} : (vector<16xf32>, vector<16xi32>, vector<16xi1>) -> (vector<16xi1>, vector<16xf32>, vector<16xi32>)
      %masked_sort3A_277 = arith.constant dense<true> : vector<16xi1>
      %masked_sort3A_278, %masked_sort3A_279, %masked_sort3A_280 = tpu.sort %select_n3A_272, %select_n3A_271 masked %masked_sort3A_277 {descending = true} : (vector<16xf32>, vector<16xi32>, vector<16xi1>) -> (vector<16xi1>, vector<16xf32>, vector<16xi32>)
      %reduce_max3A_281 = arith.constant true
      %reduce_max3A_282 = vector.broadcast %reduce_max3A_281 : i1 to vector<16xi1>
      %reduce_max3A_283 = tpu.scan <max>, %masked_sort3A_275 masked %reduce_max3A_282 : vector<16xf32>, vector<16xi1> -> vector<16xf32>
      %reduce_max3A_284 = vector.extract %reduce_max3A_283[15] : f32 from vector<16xf32>
      %sub3A_285 = vector.broadcast %reduce_max3A_284 : f32 to vector<16xf32>
      %sub3A_286 = arith.subf %masked_sort3A_275, %sub3A_285 : vector<16xf32>
      %exp3A_287 = math.exp %sub3A_286 : vector<16xf32>
      %jit3A_288 = arith.constant 0.000000e+00 : f32
      %broadcast_in_dim3A_289 = vector.broadcast %jit3A_288 : f32 to vector<16xf32>
      %select_n3A_290 = arith.select %lt3A_4, %exp3A_287, %broadcast_in_dim3A_289 : vector<16xi1>, vector<16xf32>
      %reduce_sum3A_291 = arith.constant true
      %reduce_sum3A_292 = vector.broadcast %reduce_sum3A_291 : i1 to vector<16xi1>
      %reduce_sum3A_293 = tpu.scan <sum>, %select_n3A_290 masked %reduce_sum3A_292 : vector<16xf32>, vector<16xi1> -> vector<16xf32>
      %reduce_sum3A_294 = vector.extract %reduce_sum3A_293[15] : f32 from vector<16xf32>
      %div3A_295 = vector.broadcast %reduce_sum3A_294 : f32 to vector<16xf32>
      %div3A_296 = arith.divf %select_n3A_290, %div3A_295 : vector<16xf32>
      %swap3A_297 = arith.index_cast %add3A_155 : i32 to index
      %swap3A_298 = arith.constant 0 : index
      %swap3A_299 = tpu.vector_load %arg6[%swap3A_297, %swap3A_298] {strides = array<i32>} : memref<160x16xf32, #tpu.memory_space<vmem>>, vector<16xf32>,
      tpu.vector_store %arg6[%swap3A_297, %swap3A_298], %div3A_296 {strides = array<i32>} : memref<160x16xf32, #tpu.memory_space<vmem>>, vector<16xf32>,
      %swap3A_300 = arith.index_cast %add3A_155 : i32 to index
      %swap3A_301 = arith.constant 0 : index
      %swap3A_302 = tpu.vector_load %arg7[%swap3A_300, %swap3A_301] {strides = array<i32>} : memref<160x32xi32, #tpu.memory_space<vmem>>, vector<16xi32>,
      tpu.vector_store %arg7[%swap3A_300, %swap3A_301], %masked_sort3A_276 {strides = array<i32>} : memref<160x32xi32, #tpu.memory_space<vmem>>, vector<16xi32>,
      %swap3A_303 = arith.index_cast %add3A_155 : i32 to index
      %swap3A_304 = arith.constant 16 : index
      %swap3A_305 = tpu.vector_load %arg7[%swap3A_303, %swap3A_304] {strides = array<i32>} : memref<160x32xi32, #tpu.memory_space<vmem>>, vector<16xi32>,
      tpu.vector_store %arg7[%swap3A_303, %swap3A_304], %masked_sort3A_280 {strides = array<i32>} : memref<160x32xi32, #tpu.memory_space<vmem>>, vector<16xi32>,
    }
    %scan3A_11 = arith.constant 80 : i32
    "tpu.region"() ({
      %run_scoped3A = tpu.sem_alloc : memref<!tpu.dma_semaphore, #tpu.memory_space<semaphore_mem>>
      %dma_start3A = arith.constant 0 : i32
      %dma_start3A_12 = tpu.memref_slice %arg3[%add3A_6, %dma_start3A] : memref<5120x16xf32, #tpu.memory_space<hbm>> -> memref<160x16xf32, #tpu.memory_space<hbm>>
      %dma_start3A_13 = arith.constant 0 : i32
      %dma_start3A_14 = tpu.memref_slice %arg3[%add3A_6, %dma_start3A_13] : memref<5120x16xf32, #tpu.memory_space<hbm>> -> memref<160x16xf32, #tpu.memory_space<hbm>>
      tpu.enqueue_dma source(%arg6 : memref<160x16xf32, #tpu.memory_space<vmem>>) target(%dma_start3A_14 : memref<160x16xf32, #tpu.memory_space<hbm>>) target_semaphore(%run_scoped3A : memref<!tpu.dma_semaphore, #tpu.memory_space<semaphore_mem>>)
      %dma_wait3A = arith.constant 0 : i32
      %dma_wait3A_15 = tpu.memref_slice %arg3[%add3A_6, %dma_wait3A] : memref<5120x16xf32, #tpu.memory_space<hbm>> -> memref<160x16xf32, #tpu.memory_space<hbm>>
      %dma_wait3A_16 = arith.constant 0 : i32
      %dma_wait3A_17 = tpu.memref_slice %arg3[%add3A_6, %dma_wait3A_16] : memref<5120x16xf32, #tpu.memory_space<hbm>> -> memref<160x16xf32, #tpu.memory_space<hbm>>
      tpu.wait_dma2 semaphore(%run_scoped3A : memref<!tpu.dma_semaphore, #tpu.memory_space<semaphore_mem>>) src(%arg6 : memref<160x16xf32, #tpu.memory_space<vmem>>) dst(%dma_wait3A_17 : memref<160x16xf32, #tpu.memory_space<hbm>>)
      tpu.yield
    }) : () -> ()
    "tpu.region"() ({
      %run_scoped3A = tpu.sem_alloc : memref<!tpu.dma_semaphore, #tpu.memory_space<semaphore_mem>>
      %dma_start3A = arith.constant 0 : i32
      %dma_start3A_12 = tpu.memref_slice %arg4[%add3A_6, %dma_start3A] : memref<5120x32xi32, #tpu.memory_space<hbm>> -> memref<160x32xi32, #tpu.memory_space<hbm>>
      %dma_start3A_13 = arith.constant 0 : i32
      %dma_start3A_14 = tpu.memref_slice %arg4[%add3A_6, %dma_start3A_13] : memref<5120x32xi32, #tpu.memory_space<hbm>> -> memref<160x32xi32, #tpu.memory_space<hbm>>
      tpu.enqueue_dma source(%arg7 : memref<160x32xi32, #tpu.memory_space<vmem>>) target(%dma_start3A_14 : memref<160x32xi32, #tpu.memory_space<hbm>>) target_semaphore(%run_scoped3A : memref<!tpu.dma_semaphore, #tpu.memory_space<semaphore_mem>>)
      %dma_wait3A = arith.constant 0 : i32
      %dma_wait3A_15 = tpu.memref_slice %arg4[%add3A_6, %dma_wait3A] : memref<5120x32xi32, #tpu.memory_space<hbm>> -> memref<160x32xi32, #tpu.memory_space<hbm>>
      %dma_wait3A_16 = arith.constant 0 : i32
      %dma_wait3A_17 = tpu.memref_slice %arg4[%add3A_6, %dma_wait3A_16] : memref<5120x32xi32, #tpu.memory_space<hbm>> -> memref<160x32xi32, #tpu.memory_space<hbm>>
      tpu.wait_dma2 semaphore(%run_scoped3A : memref<!tpu.dma_semaphore, #tpu.memory_space<semaphore_mem>>) src(%arg7 : memref<160x32xi32, #tpu.memory_space<vmem>>) dst(%dma_wait3A_17 : memref<160x32xi32, #tpu.memory_space<hbm>>)
      tpu.yield
    }) : () -> ()
    return
  }
}

module attributes {stable_mosaic.version = 14 : i64} {
  func.func @_matmul_body(%arg0: i32, %arg1: memref<1024x2048xf32, #tpu.memory_space<vmem>>, %arg2: memref<64x2048xf32, #tpu.memory_space<vmem>>, %arg3: memref<1024x64xf32, #tpu.memory_space<vmem>>) attributes {dimension_semantics = [#tpu.dimension_semantics<arbitrary>], iteration_bounds = array<i64: 11>, scalar_prefetch = 0 : i64, scratch_operands = 0 : i64, tpu.core_type = #tpu.core_type<tc>, window_params = [{transform_indices = @transform_0, window_bounds = array<i64: 1024, 2048>}, {pipeline_mode = #tpu.pipeline_mode<synchronous>, transform_indices = @transform_1, window_bounds = array<i64: 64, 2048>}, {transform_indices = @transform_2, window_bounds = array<i64: 1024, 64>}]} {
    %get3A = arith.constant 0 : index
    %get3A_0 = arith.constant 0 : index
    %get3A_1 = vector.load %arg1[%get3A, %get3A_0] : memref<1024x2048xf32, #tpu.memory_space<vmem>>, vector<1024x2048xf32>
    %get3A_2 = arith.constant 0 : index
    %get3A_3 = arith.constant 0 : index
    %get3A_4 = vector.load %arg2[%get3A_2, %get3A_3] : memref<64x2048xf32, #tpu.memory_space<vmem>>, vector<64x2048xf32>
    %dot_general3A = arith.constant dense<0.000000e+00> : vector<1024x64xf32>
    %dot_general3A_5 = tpu.matmul %get3A_1, %get3A_4, %dot_general3A {dimension_numbers = #tpu.dot_dimension_numbers<[1], [1], [0], [0], [0, 0, 1, 0], [], []>, transpose_lhs_hint = false} : vector<1024x2048xf32>, vector<64x2048xf32>, vector<1024x64xf32> -> vector<1024x64xf32>
    %swap3A = arith.constant 0 : index
    %swap3A_6 = arith.constant 0 : index
    %swap3A_7 = vector.load %arg3[%swap3A, %swap3A_6] : memref<1024x64xf32, #tpu.memory_space<vmem>>, vector<1024x64xf32>
    tpu.vector_store %arg3[%swap3A, %swap3A_6], %dot_general3A_5 {strides = array<i32>} : memref<1024x64xf32, #tpu.memory_space<vmem>>, vector<1024x64xf32>,
    return
  }
  func.func @transform_0(%arg0: i32) -> (i32, i32) {
    %add3A = arith.constant 0 : i32
    %add3A_0 = arith.addi %arg0, %add3A : i32
    %c0_i32 = arith.constant 0 : i32
    %c0_i32_1 = arith.constant 0 : i32
    return %add3A_0, %c0_i32 : i32, i32
  }
  func.func @transform_1(%arg0: i32) -> (i32, i32) {
    %c0_i32 = arith.constant 0 : i32
    %c0_i32_0 = arith.constant 0 : i32
    %c0_i32_1 = arith.constant 0 : i32
    return %c0_i32, %c0_i32_0 : i32, i32
  }
  func.func @transform_2(%arg0: i32) -> (i32, i32) {
    %c0_i32 = arith.constant 0 : i32
    %c0_i32_0 = arith.constant 0 : i32
    return %arg0, %c0_i32 : i32, i32
  }
}

module attributes {stable_mosaic.version = 14 : i64} {
  func.func @_matmul_body(%arg0: i32, %arg1: memref<1024x2048xf32, #tpu.memory_space<vmem>>, %arg2: memref<64x2048xf32, #tpu.memory_space<vmem>>, %arg3: memref<1024x64xf32, #tpu.memory_space<vmem>>) attributes {dimension_semantics = [#tpu.dimension_semantics<arbitrary>], iteration_bounds = array<i64: 5>, scalar_prefetch = 0 : i64, scratch_operands = 0 : i64, tpu.core_type = #tpu.core_type<tc>, window_params = [{transform_indices = @transform_0, window_bounds = array<i64: 1024, 2048>}, {pipeline_mode = #tpu.pipeline_mode<synchronous>, transform_indices = @transform_1, window_bounds = array<i64: 64, 2048>}, {transform_indices = @transform_2, window_bounds = array<i64: 1024, 64>}]} {
    %get3A = arith.constant 0 : index
    %get3A_0 = arith.constant 0 : index
    %get3A_1 = vector.load %arg1[%get3A, %get3A_0] : memref<1024x2048xf32, #tpu.memory_space<vmem>>, vector<1024x2048xf32>
    %get3A_2 = arith.constant 0 : index
    %get3A_3 = arith.constant 0 : index
    %get3A_4 = vector.load %arg2[%get3A_2, %get3A_3] : memref<64x2048xf32, #tpu.memory_space<vmem>>, vector<64x2048xf32>
    %dot_general3A = arith.constant dense<0.000000e+00> : vector<1024x64xf32>
    %dot_general3A_5 = tpu.matmul %get3A_1, %get3A_4, %dot_general3A {dimension_numbers = #tpu.dot_dimension_numbers<[1], [1], [0], [0], [0, 0, 1, 0], [], []>, transpose_lhs_hint = false} : vector<1024x2048xf32>, vector<64x2048xf32>, vector<1024x64xf32> -> vector<1024x64xf32>
    %swap3A = arith.constant 0 : index
    %swap3A_6 = arith.constant 0 : index
    %swap3A_7 = vector.load %arg3[%swap3A, %swap3A_6] : memref<1024x64xf32, #tpu.memory_space<vmem>>, vector<1024x64xf32>
    tpu.vector_store %arg3[%swap3A, %swap3A_6], %dot_general3A_5 {strides = array<i32>} : memref<1024x64xf32, #tpu.memory_space<vmem>>, vector<1024x64xf32>,
    return
  }
  func.func @transform_0(%arg0: i32) -> (i32, i32) {
    %add3A = arith.constant 11 : i32
    %add3A_0 = arith.addi %arg0, %add3A : i32
    %c0_i32 = arith.constant 0 : i32
    %c0_i32_1 = arith.constant 0 : i32
    return %add3A_0, %c0_i32 : i32, i32
  }
  func.func @transform_1(%arg0: i32) -> (i32, i32) {
    %c0_i32 = arith.constant 0 : i32
    %c0_i32_0 = arith.constant 0 : i32
    %c0_i32_1 = arith.constant 0 : i32
    return %c0_i32, %c0_i32_0 : i32, i32
  }
  func.func @transform_2(%arg0: i32) -> (i32, i32) {
    %c0_i32 = arith.constant 0 : i32
    %c0_i32_0 = arith.constant 0 : i32
    return %arg0, %c0_i32 : i32, i32
  }
}

</mosaic_0001>

<sc_bundles>
// kernel: kernel.6.cloned.1.call-start
scs
__scs_entry_jumppad:
0x0: {  	(pc) =	sbr.rel $0x88, $3  }
0x1: {  	(tag) =	ssettag $0x0;
	lr =	simm.s32 $0x1  }
0x2: {  	[smem:$0x3F9F] =	sst lr;
	_ =	strace $0xD0000000  }
0x3: {  	_ = 	snop  }
0x4: {  	_ = 	snop  }
0x5: {  	_ = 	snop  }
0x6: {  	_ = 	snop  }
0x7: {  	_ = 	snop  }
__scs_overlays_trampoline_lowered:
0x8: {  	[smem:$0x3FAE] =	sst s0  }
0x9: {  	[smem:$0x3FAF] =	sst s1  }
0xa: {  	[smem:$0x3FB0] =	sst s2  }
0xb: {  	[smem:$0x3FB1] =	sst s3  }
0xc: {  	[smem:$0x3FB2] =	sst s4  }
0xd: {  	[smem:$0x3FB3] =	sst s5  }
0xe: {  	[smem:$0x3FB4] =	sst s6  }
0xf: {  	[smem:$0x3FB5] =	sst s7  }
0x10: {  	[smem:$0x3FB6] =	sst s8  }
0x11: {  	[smem:$0x3FB7] =	sst s9;
	s0 =	simm.s32 @!p0 $0x0  }
0x12: {  	s1 =	sld [smem:$0x3F9D];
	s0 =	simm.s32 @p0 $0x1  }
0x13: {  	[smem:$0x3FB8] =	sst s0;
	s0 =	simm.s32 @!p1 $0x0  }
0x14: {  	s2 =	sld [smem:$0x3F9C];
	s0 =	simm.s32 @p1 $0x1  }
0x15: {  	[smem:$0x3FB9] =	sst s0;
	s0 =	simm.s32 @!p2 $0x0  }
0x16: {  	s3 =	sld [smem:$0x3FDB];
	s0 =	simm.s32 @p2 $0x1  }
0x17: {  	s4 =	simm.s32 $0x1BF5;
	[smem:$0x3FBB] =	sst s0  }
0x18: {  	s0 =	sld [smem:$0x3F9E];
	_ =	swait.ge [sflag:s4], $0x0  }
0x19: {  	s7 =	sld [smem:$0x3F9F]  }
0x1a: {  	s8 =	sadd.s32 $0xFFFFE003, lr  }
0x1b: {  	s9 =	sadd.s32 $0xFFFFFEF7, lr;
	s5 =	simm.s32 $0xFFFFFFFF;
	p2 =	slt.u32 s8, $0xFFFFF086  }
0x1c: {  	p1 =	slt.u32 s9, $0xF7A;
	s5 =	simm.s32 @!p2 $0x0  }
0x1d: {  	s5 =	simm.s32 @p1 $0x1;
	p0 =	seq.s32 s7, s2  }
0x1e: {  	s7 =	smul.u32 @!p0 $0xF7A, s2;
	p2 =	seq.s32 @!p0 s5, $0x0  }
0x1f: {  	s9 =	smul.u32 $0xF7A, s1;
	s8 =	simm.s32 @!p0 $0x1BF5;
	p2 =	por !p2, p0  }
0x20: {  	[sflag:s8] =	ssyncset.s32 @!p0 $0xFFFFF086;
	s6 =	sadd.s32 @!p0 s3, s7;
	s7 =	simm.s32 @!p0 $0x108  }
0x21: {  	s3 =	sadd.s32 s3, s9;
	s6 =	sadd.s32 @!p0 $0x88, s6;
	s7 =	simm.s32 @p2 $0x1082  }
0x22: {  	[simem:s7], [sflag:s8] =	dma.local @!p0 [hbm:s6], $0xF7A  }
0x23: {  	s9 =	sor.u32 $0xD0000000, s2;
	s6 =	simm.s32 $0x108;
	_ =	swait.ge @!p0 [sflag:s8], $0x0  }
0x24: {  	s3 =	sadd.s32 $0x88, s3;
	s6 =	simm.s32 @!p1 $0x1082;
	[sflag:s4] =	ssyncset.s32 $0xFFFFF086  }
0x25: {  	[simem:s6], [sflag:s4] =	dma.local [hbm:s3], $0xF7A  }
0x26: {  	[smem:$0x3F9F] =	sst s1;
	(tag) =	ssettag s2;
	_ =	strace s9  }
0x27: {  	s1 =	sld [smem:$0x3FAF]  }
0x28: {  	s2 =	sld [smem:$0x3FB0]  }
0x29: {  	s4 =	sld [smem:$0x3FB2]  }
0x2a: {  	p0 =	seq.s32 s5, $0x0;
	s5 =	sld [smem:$0x3FB3]  }
0x2b: {  	s6 =	sld [smem:$0x3FB4]  }
0x2c: {  	s7 =	sld [smem:$0x3FB5]  }
0x2d: {  	s3 =	simm.s32 $0x108;
	s8 =	sld [smem:$0x3FB6]  }
0x2e: {  	s3 =	simm.s32 @!p0 $0x1082;
	s9 =	sld [smem:$0x3FB7]  }
0x2f: {  	lr =	sadd.s32 s0, s3;
	s0 =	sld [smem:$0x3FAE]  }
0x30: {  	s3 =	sld [smem:$0x3FB1]  }
0x31: {  	[smem:$0x3FBA] =	sst s10  }
0x32: {  	s10 =	sld [smem:$0x3FB8];
	_ =	sdelay $0x3  }
0x33: {  	p0 =	seq.s32 s10, $0x1;
	s10 =	sld [smem:$0x3FBA];
	_ =	sdelay $0x3  }
0x34: {  	[smem:$0x3FBA] =	sst s10  }
0x35: {  	s10 =	sld [smem:$0x3FB9];
	_ =	sdelay $0x3  }
0x36: {  	p1 =	seq.s32 s10, $0x1;
	s10 =	sld [smem:$0x3FBA];
	_ =	sdelay $0x3  }
0x37: {  	[smem:$0x3FBA] =	sst s10  }
0x38: {  	s10 =	sld [smem:$0x3FBB]  }
0x39: {  	_ = 	snop;
	(pc) =	sbr.ind lr, $3  }
0x3a: {  	_ = 	snop  }
0x3b: {  	_ = 	snop  }
0x3c: {  	p2 =	seq.s32 s10, $0x1;
	s10 =	sld [smem:$0x3FBA]  }
0x3d: {  	_ =	shalt  }
0x3e: {  	_ =	shalt  }
0x3f: {  	_ =	shalt  }
0x40: {  	_ =	shalt  }
0x41: {  	_ =	shalt  }
0x42: {  	_ =	shalt  }
0x43: {  	_ =	shalt  }
0x44: {  	_ =	shalt  }
0x45: {  	_ =	shalt  }
0x46: {  	_ =	shalt  }
0x47: {  	_ =	shalt  }
0x48: {  	_ =	shalt  }
0x49: {  	_ =	shalt  }
0x4a: {  	_ =	shalt  }
0x4b: {  	_ =	shalt  }
0x4c: {  	_ =	shalt  }
0x4d: {  	_ =	shalt  }
0x4e: {  	_ =	shalt  }
0x4f: {  	_ =	shalt  }
0x50: {  	_ =	shalt  }
0x51: {  	_ =	shalt  }
0x52: {  	_ =	shalt  }
0x53: {  	_ =	shalt  }
0x54: {  	_ =	shalt  }
0x55: {  	_ =	shalt  }
0x56: {  	_ =	shalt  }
0x57: {  	_ =	shalt  }
0x58: {  	_ =	shalt  }
0x59: {  	_ =	shalt  }
0x5a: {  	_ =	shalt  }
0x5b: {  	_ =	shalt  }
0x5c: {  	_ =	shalt  }
0x5d: {  	_ =	shalt  }
0x5e: {  	_ =	shalt  }
0x5f: {  	_ =	shalt  }
0x60: {  	_ =	shalt  }
0x61: {  	_ =	shalt  }
0x62: {  	_ =	shalt  }
0x63: {  	_ =	shalt  }
0x64: {  	_ =	shalt  }
0x65: {  	_ =	shalt  }
0x66: {  	_ =	shalt  }
0x67: {  	_ =	shalt  }
0x68: {  	_ =	shalt  }
0x69: {  	_ =	shalt  }
0x6a: {  	_ =	shalt  }
0x6b: {  	_ =	shalt  }
0x6c: {  	_ =	shalt  }
0x6d: {  	_ =	shalt  }
0x6e: {  	_ =	shalt  }
0x6f: {  	_ =	shalt  }
0x70: {  	_ =	shalt  }
0x71: {  	_ =	shalt  }
0x72: {  	_ =	shalt  }
0x73: {  	_ =	shalt  }
0x74: {  	_ =	shalt  }
0x75: {  	_ =	shalt  }
0x76: {  	_ =	shalt  }
0x77: {  	_ =	shalt  }
0x78: {  	_ =	shalt  }
0x79: {  	_ =	shalt  }
0x7a: {  	_ =	shalt  }
0x7b: {  	_ =	shalt  }
0x7c: {  	_ =	shalt  }
0x7d: {  	_ =	shalt  }
0x7e: {  	_ =	shalt  }
0x7f: {  	_ =	shalt  }
0x80: {  	_ =	shalt  }
0x81: {  	_ =	shalt  }
0x82: {  	_ =	shalt  }
0x83: {  	_ =	shalt  }
0x84: {  	_ =	shalt  }
0x85: {  	_ =	shalt  }
0x86: {  	_ =	shalt  }
0x87: {  	_ =	shalt  }
.Lfunc_end0:
.L_simem_size_0:
called_computation_lowered:
.L_overlay_start_0:
0x88: {  	s2 =	sld [smem:$0x3FD9]  }
0x89: {  	s3 =	sld [smem:$0x3FFE];
	_ =	sdelay $0x1  }
0x8a: {  	s1 =	srdreg.scid  }
0x8b: {  	s0 =	sand.u32 $0x1, s1  }
0x8c: {  	s16 =	sshll.u32 s0, $0xA;
	s2 =	sadd.s32 s3, s2  }
0x8d: {  	s2 =	sadd.s32 s2, s16  }
0x8e: {  	[smem:$0x3FC6] =	sst s2  }
0x8f: {  	_ = 	snop  }
0x90: {  	(tm) =	ssettm $0x1  }
0x91: {  	s17 =	sld [smem:$0x3FFB];
	_ =	sdelay $0x3  }
0x92: {  	_ =	strace s17  }
0x93: {  	s2 =	sld [smem:$0x3FFC];
	_ =	sdelay $0x3  }
0x94: {  	_ =	strace s2  }
0x95: {  	s2 =	sld [smem:$0x3FFD];
	_ =	sdelay $0x3  }
0x96: {  	_ =	strace s2  }
0x97: {  	_ =	strace $0x8FFFFFFF  }
0x98: {  	s18 =	sld [smem:$0x3FDB];
	_ =	sdelay $0x1  }
0x99: {  	s19 =	simm.s32 $_scs_section_size  }
0x9a: {  	s4 =	simm.s32 $_size__tile_overlayer_lowered;
	s5 =	simm.s32 $_tile_overlayer_lowered  }
0x9b: {  	s22 =	simm.s32 $0x1BFF;
	s21 =	sshll.u32 s5, $0x1;
	s2 =	sadd.s32 s19, s18  }
0x9c: {  	s6 =	simm.s32 $0x0;
	s20 =	sshll.u32 s4, $0x1;
	s4 =	sadd.s32 s21, s2  }
0x9d: {  	[timem:s6], [sflag:s22] =	dma.local [hbm:s4], s20  }
0x9e: {  	_ =	swait.ge [sflag:s22], s20  }
0x9f: {  	s3 =	ssub.s32 $0x0, s20;
	[sflag:s22] =	ssyncset.done $0x0  }
0xa0: {  	[sflag:s22] =	ssyncadd.s32 s3;
	_ =	sdelay $0x1  }
0xa1: {  	s23 =	simm.s32 $0x1B8B  }
0xa2: {  	_ =	swait.ge [sflag:s23], $0x1  }
0xa3: {  	[sflag:s23] =	ssyncset.done $0x0  }
0xa4: {  	s25 =	simm.s32 $0x1B8E;
	s24 =	sld [smem:$0x3FFE];
	[sflag:s23] =	ssyncadd.s32 $0xFFFFFFFF  }
0xa5: {  	s26 =	simm.s32 $execute0_lowered;
	[smem:$0x3FD2] =	sst s25  }
0xa6: {  	s4 =	sshll.u32 s26, $0x1;
	_ =	strace $0x80000046;
	[dreg:$0x1] =	wrdreg $0xFFFFFFFF  }
0xa7: {  	s28 =	simm.s32 $_size_execute0_lowered;
	s2 =	sadd.s32 s2, s4;
	[dreg:$0x0] =	wrdreg $0x0  }
0xa8: {  	s4 =	sshll.u32 s28, $0x1;
	[dreg:$0x2] =	wrdreg s2  }
0xa9: {  	[dreg:$0x3] =	wrdreg s4  }
0xaa: {  	[dreg:$0x4] =	wrdreg $0xC0  }
0xab: {  	_ =	task [dreg:s6], $0x5FFFF  }
0xac: {  	[dreg:$0x1] =	wrdreg $0xFFFFFFFF  }
0xad: {  	[dreg:$0x0] =	wrdreg $0x60  }
0xae: {  	[dreg:$0x2] =	wrdreg s24  }
0xaf: {  	[dreg:$0x3] =	wrdreg $0x9  }
0xb0: {  	_ =	task.clear_ibuf [dreg:s6], $0x4FFFF;
	_ =	strace $0x90000046  }
0xb1: {  	s29 =	simm.s32 $0x9;
	_ =	strace $0x80000048  }
0xb2: {  	_ =	swait.ge [sflag:s29], $0x1  }
0xb3: {  	[sflag:s29] =	ssyncadd.s32 $0xFFFFFFFF  }
0xb4: {  	_ =	strace $0x90000048  }
0xb5: {  	_ =	sfence  }
0xb6: {  	s30 =	sld [smem:$0x0];
	_ =	sdelay $0x2  }
0xb7: {  	s31 =	sshll.u32 s1, $0xD;
	s1 =	sshrl.u32 s1, $0x2  }
0xb8: {  	s3 =	sand.u32 $0x4000, s31;
	s1 =	sadd.s32 s1, s30  }
0xb9: {  	s0 =	sor.u32 s3, s0;
	s1 =	sshll.u32 s1, $0x11  }
0xba: {  	s0 =	sor.u32 s1, s0  }
0xbb: {  	s0 =	sadd.s32 $0x8F2B, s0  }
0xbc: {  	[sflag:s0] =	ssyncadd.remote.s32 $0x1  }
0xbd: {  	_ =	sfence.sel $0xFFFF  }
0xbe: {  	[dreg:$0x0] =	wrdreg $0xFFFFFFFF;
	(pc) =	sbr.abs _section_cstart, $3  }
0xbf: {  	[dreg:$0x1] =	wrdreg $0xFFFFFFFF  }
0xc0: {  	_ =	task.clear_ibuf [dreg:s6], $0x2FFFF;
	_ =	strace $0x9FFFFFFF  }
0xc1: {  	(tm) =	ssettm $0x7FFFFFFF  }
tec
execute0_lowered:
.L_overlay_start_1:
0x0: {  	(tag) =	ssettag $0x1  }
0x1: {  	s3 =	rddreg [dreg:$0x0]  }
0x2: {  	s0 =	rddreg [dreg:$0x1]  }
0x3: {  	s4 =	srdreg.scid;
	s1 =	stileid.u32  }
0x4: {  	s2 =	simm.s32 $0x0;
	s4 =	sand.u32 $0x1, s4;
	s5 =	sshll.u32 s1, $0x1  }
0x5: {  	s12 =	simm.s32 $0xB000;
	s13 =	simm.s32 $0x0;
	s5 =	sor.u32 s4, s5  }
0x6: {  	[smem:$0x7FF] =	sst s2;
	s6 =	sadd.s32 $0x2200, s3;
	s7 =	smul.u32 $0xB000, s5  }
0x7: {  	s8 =	sadd.s32 $0x5A200, s3;
	s4 =	ssub.s32 $0x2, s4;
	s5 =	smul.u32 $0x1600, s5  }
0x8: {  	s10 =	sadd.s32 $0x2E200, s3;
	_ =	strace $0x80000047;
	s9 =	sshrl.u32 s4, $0x1  }
0x9: {  	v0 =	vlaneseq.u32;
	s9 =	ssub.s32 s4, s9;
	s7 =	sshrl.u32 s7, $0x3;
	s3 =	sadd.s32 s6, s5  }
0xa: {  	v4 =	vmul.u32 $0xFFFFFFFF, v0;
	s4 =	sadd.s32 s8, s5;
	s5 =	sadd.s32 s10, s5;
	s11 =	sadd.s32 $0xB00, s7  }
0xb: {  	vm0 =	vmmov $0xff;
	v1 =	vor.u32 $0x10, v0;
	s9 =	smax.u32 s9, $0x1;
	s6 =	sadd.s32 s6, s11;
	s7 =	sadd.s32 s8, s11  }
0xc: {  	v2 =	vor.u32 $0x20, v0;
	v3 =	vor.u32 $0x30, v0;
	v4 =	vadd.s32 $0xF, v4;
	s8 =	sadd.s32 s10, s11;
	s10 =	simm.s32 $0x1;
	s11 =	simm.s32 $0x5800  }
.LBB2_1:
0xd: {  	[tilespmem:s2], [sflag:$0x1] =	stream.linear.gather [hbm4b:s3+s2], $0x5800, $0x38;
	[tilespmem:$0x10800] =	vst v63  }
0xe: {  	_ =	swait.ge [sflag:s10], $0x5800  }
0xf: {  	[sflag:s10] =	ssyncset.done $0x0  }
0x10: {  	s14 =	simm.s32 $0x0;
	[sflag:s10] =	ssyncadd.s32 $0xFFFFA800  }
0x11: {  	v5 =	vld [tilespmem:s14+$0x30]  }
0x12: {  	v6 =	vld [tilespmem:s14+$0xB0]  }
0x13: {  	v7 =	vld [tilespmem:s14+$0x10]  }
0x14: {  	v8 =	vld [tilespmem:s14+$0x90]  }
0x15: {  	v9 =	vld [tilespmem:s14+$0x80]  }
0x16: {  	v10 =	vld [tilespmem:s14+$0x0];
	(xrf1) =	vsort.dscd.msk.f32 $0xffff, v5, v3  }
0x17: {  	(xrf1) =	vsort.dscd.msk.f32 $0xffff, v6, v3  }
0x18: {  	(xrf1) =	vsort.dscd.msk.f32 $0xffff, v7, v1  }
0x19: {  	(xrf1) =	vsort.dscd.msk.f32 $0xffff, v8, v1  }
0x1a: {  	(xrf1) =	vsort.dscd.msk.f32 $0xffff, v9, v0  }
0x1b: {  	v5 =	vld [tilespmem:s14+$0x20];
	(xrf1) =	vsort.dscd.msk.f32 $0xffff, v10, v0  }
0x1c: {  	v6 =	vld [tilespmem:s14+$0xA0];
	_ =	sdelay $0x3  }
0x1d: {  	(xrf1) =	vsort.dscd.msk.f32 $0xffff, v5, v2  }
0x1e: {  	(xrf1) =	vsort.dscd.msk.f32 $0xffff, v6, v2;
	_ =	sdelay $0x2  }
0x1f: {  	v5, v6, _ =	vpop (xrf1)  }
0x20: {  	v7, v8, _ =	vpop (xrf1)  }
0x21: {  	s15 =	simm.s32 $0x100;
	v9, v10, _ =	vpop (xrf1)  }
0x22: {  	v11 =	vld [tilespmem:s15+$0x30];
	v12, v13, _ =	vpop (xrf1)  }
0x23: {  	v9 =	vperm.xlane v9, v4;
	v15, v16, _ =	vpop (xrf1)  }
0x24: {  	v14 =	vld [tilespmem:s15+$0xB0];
	v18, v19, _ =	vpop (xrf1)  }
0x25: {  	v10 =	vperm.xlane v10, v4;
	vm1 =	vgt.f32 v18, v9  }
0x26: {  	v17 =	vld [tilespmem:s15+$0x10];
	v21 =	vsel vm1, v18, v9  }
0x27: {  	v20 =	vld [tilespmem:s15+$0x90];
	(xrf1) =	vsort.dscd.msk.f32 $0xffff, v11, v3;
	v11 =	vsel vm1, v19, v10;
	_ =	sdelay $0x1  }
0x28: {  	v22 =	vld [tilespmem:s15+$0x80];
	v7 =	vperm.xlane v7, v4;
	(xrf1) =	vsort.dscd.msk.f32 $0xffff, v14, v3;
	v14, v23, _ =	vpop (xrf1)  }
0x29: {  	v24 =	vld [tilespmem:s15+$0x0];
	v8 =	vperm.xlane v8, v4;
	(xrf1) =	vsort.dscd.msk.f32 $0xffff, v21, v11;
	v11, v21, _ =	vpop (xrf1)  }
0x2a: {  	(xrf1) =	vsort.dscd.msk.f32 $0xffff, v17, v1;
	vm2 =	vgt.f32 v11, v7  }
0x2b: {  	(xrf1) =	vsort.dscd.msk.f32 $0xffff, v20, v1;
	v17 =	vsel vm2, v21, v8;
	v20 =	vsel vm2, v11, v7  }
0x2c: {  	v12 =	vperm.xlane v12, v4;
	(xrf1) =	vsort.dscd.msk.f32 $0xffff, v20, v17  }
0x2d: {  	v13 =	vperm.xlane v13, v4;
	(xrf1) =	vsort.dscd.msk.f32 $0xffff, v22, v0  }
0x2e: {  	vm3 =	vgt.f32 v15, v12;
	v17 =	vld [tilespmem:s15+$0x20];
	(xrf1) =	vsort.dscd.msk.f32 $0xffff, v24, v0  }
0x2f: {  	v20 =	vld [tilespmem:s15+$0xA0];
	v22 =	vsel vm3, v13, v16;
	v24 =	vsel vm3, v12, v15  }
0x30: {  	v13 =	vsel vm3, v16, v13;
	v12 =	vsel vm3, v15, v12;
	(xrf1) =	vsort.dscd.msk.f32 $0xffff, v24, v22  }
0x31: {  	v7 =	vsel vm2, v7, v11;
	v8 =	vsel vm2, v8, v21;
	(xrf1) =	vsort.dscd.msk.f32 $0xffff, v12, v13  }
0x32: {  	(xrf1) =	vsort.dscd.msk.f32 $0xffff, v7, v8  }
0x33: {  	v5 =	vperm.xlane v5, v4;
	(xrf1) =	vsort.dscd.msk.f32 $0xffff, v17, v2  }
0x34: {  	v6 =	vperm.xlane v6, v4;
	(xrf1) =	vsort.dscd.msk.f32 $0xffff, v20, v2  }
0x35: {  	v8, v11, _ =	vpop (xrf1);
	v7 =	vsel vm1, v9, v18;
	v9 =	vsel vm1, v10, v19;
	vm1 =	vgt.f32 v14, v5  }
0x36: {  	v12, v13, _ =	vpop (xrf1);
	v19 =	vsel vm1, v6, v23  }
0x37: {  	v18 =	vsel vm1, v5, v14;
	v15, v16, _ =	vpop (xrf1)  }
0x38: {  	v6 =	vsel vm1, v23, v6;
	v10, v17, _ =	vpop (xrf1)  }
0x39: {  	v5 =	vsel vm1, v14, v5;
	(xrf1) =	vsort.dscd.msk.f32 $0xffff, v7, v9;
	v7, v9, _ =	vpop (xrf1)  }
0x3a: {  	s16 =	simm.s32 $0x200;
	(xrf1) =	vsort.dscd.msk.f32 $0xffff, v18, v19;
	v18, v19, _ =	vpop (xrf1)  }
0x3b: {  	v21 =	vld [tilespmem:s16+$0x30];
	v10 =	vperm.xlane v10, v4;
	v22 =	vperm.xlane v7, v4;
	v14, v20, _ =	vpop (xrf1)  }
0x3c: {  	v23 =	vld [tilespmem:s16+$0xB0];
	v7 =	vperm.xlane v17, v4;
	(xrf1) =	vsort.dscd.msk.f32 $0xffff, v5, v6;
	v17 =	vperm.xlane v19, v4;
	v5, v6, _ =	vpop (xrf1)  }
0x3d: {  	v18 =	vperm.xlane v18, v4;
	vm1 =	vgt.f32 v5, v10  }
0x3e: {  	v19 =	vld [tilespmem:s16+$0x10];
	v24, v25, _ =	vpop (xrf1);
	v27 =	vsel vm1, v6, v7  }
0x3f: {  	v28 =	vld [tilespmem:s16+$0x90];
	v26 =	vsel vm1, v5, v10;
	v5 =	vsel vm1, v10, v5;
	vm3 =	vgt.f32 v24, v18;
	v10, v29, _ =	vpop (xrf1)  }
0x40: {  	(xrf1) =	vsort.dscd.msk.f32 $0xffff, v21, v3;
	v6 =	vsel vm1, v7, v6;
	v7 =	vsel vm3, v25, v17;
	v17, v21, _ =	vpop (xrf1)  }
0x41: {  	v8 =	vperm.xlane v8, v4;
	v12 =	vperm.xlane v12, v4;
	(xrf1) =	vsort.dscd.msk.f32 $0xffff, v23, v3;
	v23, v30, _ =	vpop (xrf1)  }
0x42: {  	v11 =	vperm.xlane v11, v4;
	v13 =	vperm.xlane v13, v4;
	(xrf1) =	vsort.dscd.msk.f32 $0xffff, v26, v27;
	v26, v27, _ =	vpop (xrf1)  }
0x43: {  	v9 =	vperm.xlane v9, v4;
	v25 =	vld [tilespmem:s16+$0x80];
	(xrf1) =	vsort.dscd.msk.f32 $0xffff, v19, v1;
	vm4 =	vgt.f32 v26, v12  }
0x44: {  	v31 =	vld [tilespmem:s16+$0x0];
	vm1 =	vgt.f32 v14, v22;
	(xrf1) =	vsort.dscd.msk.f32 $0xffff, v28, v1;
	v28 =	vsel vm4, v26, v12  }
0x45: {  	v32 =	vsel vm1, v9, v20;
	v9 =	vsel vm1, v20, v9;
	v18 =	vsel vm3, v24, v18  }
0x46: {  	v24 =	vsel vm1, v22, v14;
	v14 =	vsel vm1, v14, v22;
	v19 =	vsel vm4, v27, v13  }
0x47: {  	v17 =	vperm.xlane v17, v4;
	vm2 =	vgt.f32 v23, v8;
	(xrf1) =	vsort.dscd.msk.f32 $0xffff, v28, v19  }
0x48: {  	v21 =	vperm.xlane v21, v4;
	v20 =	vsel vm2, v8, v23;
	(xrf1) =	vsort.dscd.msk.f32 $0xffff, v25, v0;
	v25, v28, _ =	vpop (xrf1)  }
0x49: {  	v8 =	vsel vm2, v23, v8;
	vm1 =	vgt.f32 v10, v17;
	v19 =	vld [tilespmem:s16+$0x20];
	(xrf1) =	vsort.dscd.msk.f32 $0xffff, v31, v0;
	v31, v33, _ =	vpop (xrf1)  }
0x4a: {  	v23 =	vld [tilespmem:s16+$0xA0];
	v10 =	vsel vm1, v10, v17;
	v12 =	vsel vm4, v12, v26;
	(xrf1) =	vsort.dscd.msk.f32 $0xffff, v24, v32;
	v22, v24, _ =	vpop (xrf1)  }
0x4b: {  	v13 =	vsel vm4, v13, v27;
	(xrf1) =	vsort.dscd.msk.f32 $0xffff, v14, v9;
	v14 =	vperm.xlane v22, v4  }
0x4c: {  	v9 =	vsel vm2, v30, v11;
	v11 =	vsel vm2, v11, v30;
	v26 =	vperm.xlane v31, v4  }
0x4d: {  	(xrf1) =	vsort.dscd.msk.f32 $0xffff, v12, v13;
	v12 =	vperm.xlane v33, v4;
	vm2 =	vgt.f32 v25, v14  }
0x4e: {  	(xrf1) =	vsort.dscd.msk.f32 $0xffff, v19, v2;
	vm3 =	vgt.f32 v15, v26;
	v14 =	vsel vm2, v25, v14  }
0x4f: {  	v13, v17, _ =	vpop (xrf1);
	(xrf1) =	vsort.dscd.msk.f32 $0xffff, v23, v2;
	v23 =	vperm.xlane v24, v4;
	v15 =	vsel vm3, v15, v26  }
0x50: {  	v19, v22, _ =	vpop (xrf1);
	v12 =	vsel vm3, v16, v12;
	(xrf1) =	vsort.dscd.msk.f32 $0xffff, v5, v6;
	vm5 =	vgt.f32 v15, v14  }
0x51: {  	v24, v25, _ =	vpop (xrf1);
	(xrf1) =	vsort.dscd.msk.f32 $0xffff, v20, v11;
	v11 =	vsel vm2, v28, v23;
	v16 =	vsel vm5, v15, v14  }
0x52: {  	v5 =	vsel vm5, v14, v15;
	v6, v14, _ =	vpop (xrf1);
	(xrf1) =	vsort.dscd.msk.f32 $0xffff, v8, v9;
	v8 =	vsel vm5, v12, v11  }
0x53: {  	vm4 =	vgt.f32 v10, v18;
	v13 =	vperm.xlane v13, v4  }
0x54: {  	s17 =	simm.s32 $0x300;
	v22 =	vperm.xlane v22, v4;
	v15 =	vsel vm1, v29, v21;
	vm1 =	vmmov vm4;
	v20, v21, _ =	vpop (xrf1);
	(xrf1) =	vsort.dscd.msk.f32 $0xffff, v16, v8  }
0x55: {  	v30 =	vsel vm1, v18, v10;
	v11 =	vsel vm5, v11, v12;
	v12 =	vld [tilespmem:s17+$0x30];
	v6 =	vperm.xlane v6, v4;
	v23, v26, _ =	vpop (xrf1)  }
0x56: {  	v29 =	vld [tilespmem:s17+$0xB0];
	v9 =	vsel vm4, v7, v15;
	v14 =	vperm.xlane v14, v4;
	v20 =	vperm.xlane v20, v4;
	v16, v8, _ =	vpop (xrf1)  }
0x57: {  	v21 =	vperm.xlane v21, v4;
	(xrf1) =	vsort.dscd.msk.f32 $0xffff, v5, v11;
	v26 =	vperm.xlane v26, v4;
	v27, v28, _ =	vpop (xrf1)  }
0x58: {  	v23 =	vperm.xlane v23, v4;
	(xrf1) =	vsort.dscd.msk.f32 $0xffff, v30, v9;
	vm2 =	vgt.f32 v27, v6  }
0x59: {  	v11, v5, _ =	vpop (xrf1);
	v31 =	vsel vm2, v27, v6;
	v44 =	vsel vm2, v28, v14;
	v27 =	vsel vm2, v6, v27;
	v6 =	vld [tilespmem:s17+$0x10]  }
0x5a: {  	v9 =	vld [tilespmem:s17+$0x90];
	v14 =	vsel vm2, v14, v28;
	vm4 =	vgt.f32 v11, v23;
	v28, v45, _ =	vpop (xrf1);
	(xrf1) =	vsort.dscd.msk.f32 $0xffff, v12, v3  }
0x5b: {  	vm3 =	vgt.f32 v16, v20;
	v12, v30, _ =	vpop (xrf1);
	v5 =	vsel vm4, v5, v26;
	(xrf1) =	vsort.dscd.msk.f32 $0xffff, v29, v3  }
0x5c: {  	v35 =	vld [tilespmem:s17+$0x80];
	v26 =	vsel vm3, v21, v8;
	v21 =	vsel vm3, v8, v21;
	v8 =	vperm.xlane v19, v4;
	v29, v34, _ =	vpop (xrf1)  }
0x5d: {  	v19 =	vld [tilespmem:s17+$0x0];
	(xrf1) =	vsort.dscd.msk.f32 $0xffff, v31, v44;
	v12 =	vperm.xlane v12, v4;
	vm2 =	vgt.f32 v29, v13;
	v31, v32, _ =	vpop (xrf1)  }
0x5e: {  	v36 =	vsel vm2, v13, v29;
	vm5 =	vgt.f32 v31, v8;
	(xrf1) =	vsort.dscd.msk.f32 $0xffff, v6, v1  }
0x5f: {  	v37, v38, _ =	vpop (xrf1);
	v39 =	vsel vm5, v32, v22;
	(xrf1) =	vsort.dscd.msk.f32 $0xffff, v9, v1;
	v9 =	vsel vm5, v31, v8  }
0x60: {  	v13 =	vsel vm2, v29, v13;
	v6 =	vsel vm4, v11, v23;
	v23, v40, _ =	vpop (xrf1);
	(xrf1) =	vsort.dscd.msk.f32 $0xffff, v9, v39  }
0x61: {  	v9 =	vperm.xlane v17, v4;
	v17 =	vperm.xlane v30, v4;
	v30, v46, _ =	vpop (xrf1);
	(xrf1) =	vsort.dscd.msk.f32 $0xffff, v35, v0  }
0x62: {  	v29 =	vsel vm5, v8, v31;
	vm4 =	vgt.f32 v28, v12;
	v31, v47, _ =	vpop (xrf1);
	(xrf1) =	vsort.dscd.msk.f32 $0xffff, v19, v0  }
0x63: {  	v11 =	vsel vm3, v20, v16;
	v8 =	vsel vm4, v28, v12;
	v12 =	vsel vm3, v16, v20;
	(xrf0) =	vmax.scan.msk.f32 $0xffff, v31  }
0x64: {  	(xrf1) =	vsort.dscd.msk.f32 $0xffff, v11, v26  }
0x65: {  	v41 =	vld [tilespmem:s17+$0x20];
	v10 =	vsel vm1, v10, v18;
	v16 =	vsel vm5, v22, v32;
	(xrf1) =	vsort.dscd.msk.f32 $0xffff, v12, v21  }
0x66: {  	v7 =	vsel vm1, v15, v7;
	v20 =	vperm.xlane v30, v4;
	v11 =	vld [tilespmem:s17+$0xA0];
	(xrf1) =	vsort.dscd.msk.f32 $0xffff, v29, v16  }
0x67: {  	vm1 =	vgt.f32 v8, v6;
	v19 =	vperm.xlane v23, v4;
	_, v12, _ =	vpop (xrf1);
	(xrf1) =	vsort.dscd.msk.f32 $0xffff, v10, v7  }
0x68: {  	v23 =	vsel vm2, v34, v9;
	v9 =	vsel vm2, v9, v34;
	vm2 =	vgt.f32 v37, v20;
	_, v15, _ =	vpop (xrf1)  }
0x69: {  	v26 =	vperm.xlane v46, v4;
	vm3 =	vgt.f32 v24, v19;
	v7 =	vperm.xlane v40, v4;
	v10, v16, _ =	vpop (xrf1)  }
0x6a: {  	v20 =	vsel vm2, v37, v20;
	v19 =	vsel vm3, v24, v19;
	(xrf1) =	vsort.dscd.msk.f32 $0xffff, v41, v2;
	v18, v21, _ =	vpop (xrf1)  }
0x6b: {  	[tilespmem:s14+$0xB000] =	vst v47;
	v7 =	vsel vm3, v25, v7;
	vm3 =	vgt.f32 v19, v20;
	v22, _, _ =	vpop (xrf0);
	(xrf1) =	vsort.dscd.msk.f32 $0xffff, v11, v2  }
0x6c: {  	v11, v24, _ =	vpop (xrf1);
	v25 =	vsel vm3, v19, v20;
	v19 =	vsel vm3, v20, v19;
	v20 =	vbroadcast v22, $0xF;
	(xrf1) =	vsort.dscd.msk.f32 $0xffff, v27, v14  }
0x6d: {  	[tilespmem:s14+$0xB010] =	vst v12;
	v12 =	vsel vm4, v45, v17;
	v53 =	vperm.xlane v10, v4;
	v17, v22, _ =	vpop (xrf1);
	(xrf1) =	vsort.dscd.msk.f32 $0xffff, v36, v9  }
0x6e: {  	s18 =	simm.s32 $0x400;
	[tilespmem:s14+$0xB090] =	vst v15;
	v14 =	vsel vm1, v5, v12;
	v20 =	vsub.f32 v31, v20;
	v9 =	vsel vm2, v38, v26;
	v27, v28, _ =	vpop (xrf1)  }
0x6f: {  	v30 =	vld [tilespmem:s18+$0x30];
	(xrf1) =	vsort.dscd.msk.f32 $0xffff, v13, v23;
	v26 =	vsel vm3, v7, v9;
	v17 =	vperm.xlane v17, v4;
	v13, v23, _ =	vpop (xrf1)  }
0x70: {  	vm1 =	vmmov vm1;
	v7 =	vsel vm3, v9, v7;
	v15 =	vperm.xlane v27, v4;
	(xrf1) =	vsort.dscd.msk.f32 $0xffff, v25, v26;
	v27, v29, _ =	vpop (xrf1)  }
0x71: {  	v25 =	vsel vm1, v6, v8;
	v26 =	vperm.xlane v28, v4;
	v23 =	vperm.xlane v23, v4;
	v9, v31, _ =	vpop (xrf1)  }
0x72: {  	v48 =	vld [tilespmem:s18+$0xB0];
	v13 =	vperm.xlane v13, v4;
	(xrf1) =	vsort.dscd.msk.f32 $0xffff, v19, v7;
	vm2 =	vgt.f32 v9, v17;
	v28, v49, _ =	vpop (xrf1)  }
0x73: {  	(xrf1) =	vsort.dscd.msk.f32 $0xffff, v25, v14;
	v19 =	vsel vm2, v9, v17;
	v17 =	vsel vm2, v17, v9;
	v9, v51, _ =	vpop (xrf1)  }
0x74: {  	v22 =	vperm.xlane v22, v4;
	(xrf1) =	vsort.dscd.msk.f32 $0xffff, v30, v3;
	vm3 =	vgt.f32 v28, v13;
	v25, v30, _ =	vpop (xrf1)  }
0x75: {  	v16 =	vperm.xlane v16, v4;
	v18 =	vperm.xlane v18, v4;
	v14 =	vld [tilespmem:s18+$0x10];
	v7 =	vsel vm3, v49, v23;
	v23, v52, _ =	vpop (xrf1)  }
0x76: {  	v10 =	vmul.f32 $1.442695020e+00, v20;
	v50 =	vsel vm2, v31, v22;
	v22 =	vsel vm2, v22, v31;
	v31 =	vld [tilespmem:s18+$0x90];
	(xrf0) =	vmax.scan.msk.f32 $0xffff, v23  }
0x77: {  	v21 =	vperm.xlane v21, v4;
	vm2 =	vgt.f32 v27, v15;
	(xrf1) =	vsort.dscd.msk.f32 $0xffff, v48, v3  }
0x78: {  	v20 =	vld [tilespmem:s18+$0x80];
	(erf) = vpow2.f32 v10;
	v54 =	vsel vm2, v26, v29;
	v26 =	vsel vm2, v29, v26;
	v29, v55, _ =	vpop (xrf1)  }
0x79: {  	v5 =	vsel vm1, v12, v5;
	v10 =	vsel vm3, v28, v13;
	(xrf1) =	vsort.dscd.msk.f32 $0xffff, v19, v50;
	v19 =	vld [tilespmem:s18+$0x0];
	v57, v56, _ =	vpop (xrf1)  }
0x7a: {  	v25 =	vperm.xlane v25, v4;
	(xrf1) =	vsort.dscd.msk.f32 $0xffff, v14, v1;
	vm5 =	vgt.f32 v57, v18;
	v14, v59, _ =	vpop (xrf1)  }
0x7b: {  	(xrf1) =	vsort.dscd.msk.f32 $0xffff, v31, v1;
	v60 =	vsel vm5, v56, v21;
	v31 =	vsel vm5, v57, v18;
	v13, v28, _ =	vpop (xrf1)  }
0x7c: {  	v6 =	vsel vm1, v8, v6;
	vm4 =	vgt.f32 v29, v53;
	(xrf1) =	vsort.dscd.msk.f32 $0xffff, v31, v60;
	v61, _, _ =	vpop (xrf0)  }
0x7d: {  	vm3 =	vgt.f32 v9, v25;
	(xrf1) =	vsort.dscd.msk.f32 $0xffff, v20, v0;
	v20 =	vperm.xlane v30, v4;
	v30, v62, _ =	vpop (xrf1)  }
0x7e: {  	v58 =	vsel vm4, v53, v29;
	v18 =	vsel vm5, v18, v57;
	v41 =	vbroadcast v61, $0xF;
	(xrf1) =	vsort.dscd.msk.f32 $0xffff, v19, v0;
	v63, v42, _ =	vpop (xrf1)  }
0x7f: {  	v43 =	vld [tilespmem:s18+$0x20];
	v31 =	vsel vm2, v15, v27;
	v15 =	vsel vm2, v27, v15;
	v19 =	vperm.xlane v13, v4;
	(xrf0) =	vmax.scan.msk.f32 $0xffff, v63  }
0x80: {  	v13 =	vsel vm3, v9, v25;
	(xrf1) =	vsort.dscd.msk.f32 $0xffff, v31, v54;
	v9 =	vsub.f32 v23, v41  }
0x81: {  	v21 =	vsel vm5, v21, v56;
	v27 =	vperm.xlane v30, v4;
	v30 =	vpop (erf);
	v23 =	vld [tilespmem:s18+$0xA0];
	(xrf1) =	vsort.dscd.msk.f32 $0xffff, v15, v26  }
0x82: {  	v29 =	vsel vm4, v29, v53;
	v44 =	vsel vm4, v55, v16;
	_, v25, _ =	vpop (xrf1);
	(xrf1) =	vsort.dscd.msk.f32 $0xffff, v18, v21;
	v9 =	vmul.f32 $1.442695020e+00, v9  }
0x83: {  	v16 =	vsel vm4, v16, v55;
	_, v12, _ =	vpop (xrf1);
	vm4 =	vgt.f32 v11, v19;
	(xrf1) =	vsort.dscd.msk.f32 $0xffff, v6, v5  }
0x84: {  	v8, v31, _ =	vpop (xrf1);
	v6 =	vperm.xlane v28, v4;
	v5 =	vnsel vm0, $0x0, v30;
	(xrf1) =	vsort.dscd.msk.f32 $0xffff, v43, v2;
	(erf) = vpow2.f32 v9  }
0x85: {  	vm1 =	vgt.f32 v13, v10;
	vm2 =	vgt.f32 v14, v27;
	v15 =	vsel vm4, v11, v19;
	v26, v28, _ =	vpop (xrf1);
	(xrf2) =	vadd.scan.msk.f32 $0xffff, v5  }
0x86: {  	[tilespmem:s14+$0xB080] =	vst v52;
	v14 =	vsel vm2, v14, v27;
	v6 =	vsel vm4, v24, v6;
	(xrf1) =	vsort.dscd.msk.f32 $0xffff, v23, v2;
	v18, _, _ =	vpop (xrf0)  }
0x87: {  	[tilespmem:s15+$0xB010] =	vst v25;
	vm4 =	vgt.f32 v15, v14;
	v24 =	vperm.xlane v62, v4;
	(xrf1) =	vsort.dscd.msk.f32 $0xffff, v17, v22;
	v11, v9, _ =	vpop (xrf1)  }
0x88: {  	v19 =	vsel vm4, v15, v14;
	v17 =	vsel vm4, v14, v15;
	v14 =	vbroadcast v18, $0xF;
	(xrf1) =	vsort.dscd.msk.f32 $0xffff, v58, v16;
	v21, v23, _ =	vpop (xrf1)  }
0x89: {  	[tilespmem:s15+$0xB000] =	vst v42;
	v15 =	vsel vm3, v51, v20;
	v16 =	vsel vm2, v59, v24;
	(xrf1) =	vsort.dscd.msk.f32 $0xffff, v29, v44;
	v18, v20, _ =	vpop (xrf1)  }
0x8a: {  	s19 =	simm.s32 $0x500;
	[tilespmem:s15+$0xB090] =	vst v12;
	v27 =	vsub.f32 v63, v14;
	v14 =	vperm.xlane v18, v4;
	v18 =	vsel vm4, v6, v16  }
0x8b: {  	v12 =	vsel vm1, v7, v15;
	vm1 =	vmmov vm1;
	v24, v25, _ =	vpop (xrf1);
	v6 =	vsel vm4, v16, v6;
	v16 =	vld [tilespmem:s19+$0x30]  }
0x8c: {  	v49 =	vsel vm1, v10, v13;
	v22, v29, _ =	vpop (xrf1);
	v48 =	vperm.xlane v24, v4;
	v24 =	vld [tilespmem:s19+$0xB0];
	(xrf1) =	vsort.dscd.msk.f32 $0xffff, v19, v18  }
0x8d: {  	v21 =	vperm.xlane v21, v4;
	v25 =	vperm.xlane v25, v4;
	(xrf1) =	vsort.dscd.msk.f32 $0xffff, v17, v6;
	v18 =	vpop (erf)  }
0x8e: {  	v8 =	vperm.xlane v8, v4;
	v58 =	vperm.xlane v28, v4;
	v30, v47, _ =	vpop (xrf1);
	(xrf1) =	vsort.dscd.msk.f32 $0xffff, v49, v12;
	v6 =	vnsel vm0, $0x0, v18  }
0x8f: {  	v28 =	vperm.xlane v26, v4;
	v23 =	vperm.xlane v23, v4;
	vm2 =	vgt.f32 v30, v21;
	v50, v36, _ =	vpop (xrf1);
	(xrf2) =	vadd.scan.msk.f32 $0xffff, v6  }
0x90: {  	v27 =	vmul.f32 $1.442695020e+00, v27;
	v17 =	vperm.xlane v20, v4;
	v51 =	vsel vm2, v30, v21;
	v53, v19, _ =	vpop (xrf1);
	(xrf1) =	vsort.dscd.msk.f32 $0xffff, v16, v3  }
0x91: {  	v12 =	vld [tilespmem:s19+$0x10];
	v52 =	vsel vm2, v47, v23;
	vm3 =	vgt.f32 v50, v48;
	v55, v54, _ =	vpop (xrf1);
	(xrf1) =	vsort.dscd.msk.f32 $0xffff, v24, v3  }
0x92: {  	(erf) = vpow2.f32 v27;
	v49 =	vperm.xlane v31, v4;
	v16 =	vsel vm3, v36, v25;
	v36, v25, _ =	vpop (xrf1);
	(xrf1) =	vsort.dscd.msk.f32 $0xffff, v51, v52  }
0x93: {  	v60, _, _ =	vpop (xrf2);
	v18 =	vsel vm2, v21, v30;
	v20 =	vsel vm2, v23, v47;
	vm2 =	vgt.f32 v22, v14;
	(xrf0) =	vmax.scan.msk.f32 $0xffff, v36  }
0x94: {  	v57 =	vld [tilespmem:s19+$0x90];
	v34 =	vsel vm2, v17, v29;
	v30 =	vsel vm2, v29, v17;
	v47 =	vperm.xlane v55, v4;
	v56, v45, _ =	vpop (xrf1)  }
0x95: {  	v17 =	vsel vm3, v50, v48;
	v41 =	vsel vm2, v14, v22;
	v29 =	vperm.xlane v54, v4;
	v59, v46, _ =	vpop (xrf1)  }
0x96: {  	v48 =	vld [tilespmem:s19+$0x80];
	vm4 =	vgt.f32 v56, v8;
	vm3 =	vgt.f32 v53, v47;
	(xrf1) =	vsort.dscd.msk.f32 $0xffff, v12, v1;
	v35, v26, _ =	vpop (xrf1)  }
0x97: {  	v24 =	vsel vm4, v8, v56;
	v12 =	vld [tilespmem:s19+$0x0];
	v27 =	vsel vm4, v56, v8;
	vm5 =	vgt.f32 v59, v28;
	v61, v39, _ =	vpop (xrf1)  }
0x98: {  	v21 =	vld [tilespmem:s19+$0x20];
	v37 =	vsel vm4, v49, v45;
	v31 =	vsel vm5, v46, v58;
	v40 =	vsel vm5, v28, v59;
	v8, v32, _ =	vpop (xrf1)  }
0x99: {  	v23 =	vld [tilespmem:s19+$0xA0];
	[tilespmem:s15+$0xB080] =	vst v25;
	v25 =	vsel vm5, v59, v28;
	v28 =	vsel vm4, v45, v49;
	(xrf1) =	vsort.dscd.msk.f32 $0xffff, v57, v1;
	v63, _, _ =	vpop (xrf0)  }
0x9a: {  	v50 =	vbroadcast v60, $0xF;
	v43 =	vsel vm5, v58, v46;
	(xrf1) =	vsort.dscd.msk.f32 $0xffff, v25, v31;
	v42 =	vperm.xlane v8, v4;
	v62, _, _ =	vpop (xrf2)  }
0x9b: {  	v25 =	vsel vm3, v53, v47;
	(xrf1) =	vsort.dscd.msk.f32 $0xffff, v48, v0;
	v44 =	vbroadcast v63, $0xF;
	v33, v8, _ =	vpop (xrf1);
	v31 =	vbroadcast v62, $0xF  }
0x9c: {  	s20 =	simm.s32 $0x1800;
	(erf) = vrcp.f32 v50;
	v38 =	vperm.xlane v61, v4;
	vm4 =	vgt.f32 v25, v17;
	(xrf1) =	vsort.dscd.msk.f32 $0xffff, v12, v0;
	_, v12, _ =	vpop (xrf1)  }
.LBB2_2:
0x9d: {  	p0 =	sne.s32 s20, $0x15C00;
	v14 =	vsel vm2, v22, v14;
	(xrf0) =	vmax.scan.msk.f32 $0xffff, v33;
	v22 =	vsub.f32 v36, v44;
	v36 =	vpop (erf);
	(erf) = vrcp.f32 v31;
	s21 =	smov.u32 s20;
	s20 =	sadd.s32 $0x400, s20  }
0x9e: {  	vm2 =	vgt.f32 v35, v42;
	v7 =	vsel vm1, v15, v7;
	(xrf1) =	vsort.dscd.msk.f32 $0xffff, v41, v34;
	_, v34, _ =	vpop (xrf1);
	v36 =	vnsel vm0, $0x0, v36  }
0x9f: {  	v15 =	vperm.xlane v39, v4;
	vm5 =	vgt.f32 v11, v38;
	v10 =	vsel vm1, v13, v10;
	v41, v31, _ =	vpop (xrf1);
	[tilespmem:s16+$0xB010] =	vst v12  }
0xa0: {  	v13 =	vsel vm5, v11, v38;
	v22 =	vmul.f32 $1.442695020e+00, v22;
	v12, v39, _ =	vpop (xrf1);
	(xrf1) =	vsort.dscd.msk.f32 $0xffff, v14, v30;
	v14 =	vsel vm2, v35, v42  }
0xa1: {  	v30 =	vsel vm5, v9, v15;
	(xrf1) =	vsort.dscd.msk.f32 $0xffff, v40, v43;
	v11, v9, _ =	vpop (xrf1);
	vm5 =	vgt.f32 v13, v14;
	[tilespmem:s16+$0xB000] =	vst v8  }
0xa2: {  	v8 =	vsel vm5, v13, v14;
	v35 =	vsel vm5, v14, v13;
	(xrf1) =	vsort.dscd.msk.f32 $0xffff, v10, v7;
	(erf) = vpow2.f32 v22  }
0xa3: {  	v15 =	vsel vm3, v19, v29;
	v7 =	vmov v16;
	(xrf1) =	vsort.dscd.msk.f32 $0xffff, v21, v2;
	[tilespmem:s16+$0xB090] =	vst v34;
	v10, _, _ =	vpop (xrf0)  }
0xa4: {  	v29 =	vsel vm4, v7, v15;
	v16, v19, _ =	vpop (xrf1);
	(xrf1) =	vsort.dscd.msk.f32 $0xffff, v23, v2;
	v22 =	vbroadcast v10, $0xF;
	v10 =	vmov v17  }
0xa5: {  	vm1 =	vmmov vm4;
	v13 =	vmov v25;
	v17 =	vperm.xlane v32, v4;
	v21 =	vpop (erf)  }
0xa6: {  	(xrf1) =	vsort.dscd.msk.f32 $0xffff, v18, v20;
	v25 =	vsub.f32 v33, v22;
	v18 =	vmul.f32 v21, v5;
	v14 =	vpop (erf);
	v5 =	vmov v36  }
0xa7: {  	s21 =	sshra.s32 s21, $0x2;
	v17 =	vsel vm2, v26, v17;
	v20, v23, _ =	vpop (xrf1);
	(xrf1) =	vsort.dscd.msk.f32 $0xffff, v24, v37;
	v6 =	vmul.f32 v14, v6  }
0xa8: {  	v26 =	vld [tilespmem:s21+$0x10];
	v14 =	vperm.xlane v20, v4;
	(xrf1) =	vsort.dscd.msk.f32 $0xffff, v27, v28;
	v20, v24, _ =	vpop (xrf1);
	v27 =	vsel vm5, v30, v17;
	[tilespmem:s14+$0x5800] =	vst v18  }
0xa9: {  	v17 =	vsel vm5, v17, v30;
	v21 =	vld [tilespmem:s21+$0x20];
	v22, v28, _ =	vpop (xrf1);
	v24 =	vperm.xlane v24, v4;
	(xrf2) =	vadd.scan.msk.f32 $0xffff, v5;
	[tilespmem:s14+$0x5880] =	vst v6;
	s14 =	smov.u32 s15;
	s15 =	smov.u32 s16;
	s16 =	smov.u32 s17  }
0xaa: {  	v16 =	vperm.xlane v16, v4;
	v33 =	vperm.xlane v20, v4;
	s17 =	smov.u32 s18;
	s18 =	smov.u32 s19;
	s19 =	smov.u32 s21;
	v30 =	vld [tilespmem:s21+$0x30];
	v18, v32, _ =	vpop (xrf1)  }
0xab: {  	v40 =	vperm.xlane v19, v4;
	v36 =	vsel vm1, v10, v13;
	v34 =	vld [tilespmem:s19+$0xB0];
	(xrf1) =	vsort.dscd.msk.f32 $0xffff, v8, v27;
	v6 =	vpop (erf)  }
0xac: {  	vm2 =	vgt.f32 v18, v16;
	v27 =	vperm.xlane v23, v4;
	v8 =	vld [tilespmem:s19+$0x90];
	v37, v38, _ =	vpop (xrf1);
	(xrf1) =	vsort.dscd.msk.f32 $0xffff, v35, v17;
	v6 =	vnsel vm0, $0x0, v6  }
0xad: {  	v17 =	vsel vm2, v18, v16;
	v35 =	vsel vm2, v32, v40;
	v18 =	vsel vm2, v16, v18;
	v23 =	vld [tilespmem:s19+$0xA0];
	(xrf2) =	vadd.scan.msk.f32 $0xffff, v6  }
0xae: {  	v20 =	vsel vm2, v40, v32;
	vm3 =	vgt.f32 v37, v33;
	v42 =	vld [tilespmem:s19+$0x80];
	v43, v19, _ =	vpop (xrf1);
	(xrf1) =	vsort.dscd.msk.f32 $0xffff, v36, v29  }
0xaf: {  	vm2 =	vgt.f32 v22, v14;
	v16 =	vsel vm3, v38, v24;
	v45 =	vld [tilespmem:s19+$0x0];
	(xrf1) =	vsort.dscd.msk.f32 $0xffff, v30, v3;
	v29, v32, _ =	vpop (xrf1)  }
0xb0: {  	v38 =	vperm.xlane v41, v4;
	v24 =	vmul.f32 $1.442695020e+00, v25;
	(xrf1) =	vsort.dscd.msk.f32 $0xffff, v34, v3;
	v34 =	vsel vm2, v27, v28;
	v36, v25, _ =	vpop (xrf1)  }
0xb1: {  	v44 =	vperm.xlane v39, v4;
	v30 =	vsel vm2, v28, v27;
	v27, v46, _ =	vpop (xrf1);
	(xrf1) =	vsort.dscd.msk.f32 $0xffff, v17, v35;
	[tilespmem:s15+$0xB080] =	vst v25  }
0xb2: {  	v12 =	vperm.xlane v12, v4;
	vm4 =	vgt.f32 v27, v38;
	v25, v47, _ =	vpop (xrf1);
	(erf) = vpow2.f32 v24;
	(xrf0) =	vmax.scan.msk.f32 $0xffff, v36  }
0xb3: {  	v48 =	vperm.xlane v29, v4;
	v17 =	vsel vm3, v37, v33;
	v24 =	vsel vm4, v38, v27;
	v28, _, _ =	vpop (xrf2)  }
0xb4: {  	v41 =	vsel vm2, v14, v22;
	vm5 =	vgt.f32 v25, v12;
	(xrf1) =	vsort.dscd.msk.f32 $0xffff, v26, v1;
	v35, v26, _ =	vpop (xrf1);
	v49 =	vbroadcast v28, $0xF  }
0xb5: {  	v29 =	vperm.xlane v32, v4;
	v37 =	vperm.xlane v31, v4;
	v31 =	vsel vm5, v47, v44;
	v28, v39, _ =	vpop (xrf1)  }
.Ltmp0:
0xb6: {  	v27 =	vsel vm4, v27, v38;
	v40 =	vsel vm5, v12, v25;
	v38 =	vperm.xlane v28, v4;
	v33, v32, _ =	vpop (xrf1);
	(pc) =	sbr.rel @p0 .LBB2_2-.Ltmp0, $4  }
0xb7: {  	vm3 =	vgt.f32 v43, v48;
	v50 =	vsel vm5, v25, v12;
	(xrf1) =	vsort.dscd.msk.f32 $0xffff, v8, v1;
	v12, _, _ =	vpop (xrf2)  }
0xb8: {  	v25 =	vsel vm3, v43, v48;
	v28 =	vsel vm4, v46, v37;
	(xrf1) =	vsort.dscd.msk.f32 $0xffff, v50, v31;
	v48, _, _ =	vpop (xrf0);
	v31 =	vbroadcast v12, $0xF  }
0xb9: {  	v43 =	vsel vm5, v44, v47;
	(xrf1) =	vsort.dscd.msk.f32 $0xffff, v42, v0;
	v42 =	vperm.xlane v33, v4;
	v33, v8, _ =	vpop (xrf1);
	v44 =	vbroadcast v48, $0xF  }
0xba: {  	v37 =	vsel vm4, v37, v46;
	vm4 =	vgt.f32 v25, v17;
	(xrf1) =	vsort.dscd.msk.f32 $0xffff, v45, v0;
	_, v12, _ =	vpop (xrf1);
	(erf) = vrcp.f32 v49  }
0xbb: {  	(erf) = vrcp.f32 v31;
	v31 =	vsub.f32 v36, v44  }
0xbc: {  	(xrf0) =	vmax.scan.msk.f32 $0xffff, v33;
	v22 =	vsel vm2, v22, v14  }
0xbd: {  	v63 =	vpop (erf);
	(xrf1) =	vsort.dscd.msk.f32 $0xffff, v41, v34  }
0xbe: {  	_, v14, _ =	vpop (xrf1);
	(xrf1) =	vsort.dscd.msk.f32 $0xffff, v22, v30  }
0xbf: {  	v7 =	vsel vm1, v15, v7;
	v10 =	vsel vm1, v13, v10;
	v13 =	vmul.f32 $1.442695020e+00, v31;
	(xrf1) =	vsort.dscd.msk.f32 $0xffff, v40, v43;
	v22, v34, _ =	vpop (xrf1)  }
0xc0: {  	(xrf1) =	vsort.dscd.msk.f32 $0xffff, v10, v7;
	v15, v31, _ =	vpop (xrf1)  }
0xc1: {  	(erf) = vpow2.f32 v13;
	v40, v30, _ =	vpop (xrf1)  }
0xc2: {  	v52, _, _ =	vpop (xrf0)  }
0xc3: {  	(xrf1) =	vsort.dscd.msk.f32 $0xffff, v21, v2;
	v54, v53, _ =	vpop (xrf1)  }
0xc4: {  	(xrf1) =	vsort.dscd.msk.f32 $0xffff, v23, v2;
	v13 =	vpop (erf)  }
0xc5: {  	v7 =	vnsel vm0, $0x0, v63;
	v10 =	vpop (erf)  }
0xc6: {  	vm1 =	vgt.f32 v35, v42;
	(xrf2) =	vadd.scan.msk.f32 $0xffff, v7;
	v21, v23, _ =	vpop (xrf1)  }
0xc7: {  	v55 =	vperm.xlane v39, v4;
	vm2 =	vgt.f32 v11, v38;
	v32 =	vperm.xlane v32, v4;
	v45, v46, _ =	vpop (xrf1)  }
0xc8: {  	v35 =	vsel vm1, v35, v42;
	(xrf1) =	vsort.dscd.msk.f32 $0xffff, v18, v20;
	v18 =	vsel vm2, v11, v38;
	v47, v48, _ =	vpop (xrf1)  }
0xc9: {  	v19 =	vsel vm3, v19, v29;
	v36 =	vsel vm2, v9, v55;
	vm5 =	vgt.f32 v18, v35;
	v20, v39, _ =	vpop (xrf1)  }
0xca: {  	v26 =	vsel vm1, v26, v32;
	v56 =	vbroadcast v52, $0xF;
	v9 =	vsel vm5, v18, v35;
	v11 =	vpop (erf);
	(xrf1) =	vsort.dscd.msk.f32 $0xffff, v24, v37  }
0xcb: {  	v29 =	vperm.xlane v54, v4;
	v24, v37, _ =	vpop (xrf1);
	v11 =	vnsel vm0, $0x0, v11;
	(xrf1) =	vsort.dscd.msk.f32 $0xffff, v27, v28;
	v27 =	vsel vm5, v36, v26  }
0xcc: {  	v58 =	vsub.f32 v33, v56;
	v18 =	vsel vm5, v35, v18;
	(xrf2) =	vadd.scan.msk.f32 $0xffff, v11;
	v32, v38, _ =	vpop (xrf1)  }
0xcd: {  	vm2 =	vmmov vm4;
	v26 =	vsel vm5, v26, v36;
	vm1 =	vgt.f32 v20, v29;
	(xrf1) =	vsort.dscd.msk.f32 $0xffff, v9, v27;
	v28, v41, _ =	vpop (xrf1)  }
0xce: {  	v33 =	vmul.f32 $1.442695020e+00, v58;
	(xrf1) =	vsort.dscd.msk.f32 $0xffff, v18, v26;
	v18 =	vperm.xlane v21, v4;
	v21 =	vsel vm2, v17, v25;
	v27, v9, _ =	vpop (xrf1)  }
0xcf: {  	v59 =	vperm.xlane v53, v4;
	v26 =	vsel vm1, v20, v29;
	(xrf0) =	vmax.scan.msk.f32 $0xffff, v27  }
0xd0: {  	v57 =	vsel vm4, v16, v19;
	(erf) = vpow2.f32 v33;
	v61, _, _ =	vpop (xrf2)  }
0xd1: {  	v15 =	vperm.xlane v15, v4;
	v60 =	vsel vm1, v39, v59;
	(xrf1) =	vsort.dscd.msk.f32 $0xffff, v21, v57;
	v21, v42, _ =	vpop (xrf1)  }
0xd2: {  	v31 =	vperm.xlane v31, v4;
	(xrf1) =	vsort.dscd.msk.f32 $0xffff, v26, v60;
	v26, v36, _ =	vpop (xrf1)  }
0xd3: {  	v23 =	vperm.xlane v23, v4;
	v43 =	vbroadcast v61, $0xF;
	vm4 =	vgt.f32 v26, v15  }
0xd4: {  	vm3 =	vgt.f32 v47, v18;
	v62 =	vsel vm4, v36, v31;
	v63 =	vsel vm4, v26, v15  }
0xd5: {  	(erf) = vrcp.f32 v43;
	v52 =	vsel vm3, v23, v48;
	v54 =	vsel vm3, v18, v47;
	(xrf1) =	vsort.dscd.msk.f32 $0xffff, v63, v62;
	v49, _, _ =	vpop (xrf0)  }
0xd6: {  	v23 =	vsel vm3, v48, v23;
	v18 =	vsel vm3, v47, v18;
	(xrf1) =	vsort.dscd.msk.f32 $0xffff, v54, v52;
	v53, _, _ =	vpop (xrf2);
	v49 =	vbroadcast v49, $0xF  }
0xd7: {  	v15 =	vsel vm4, v15, v26;
	v26 =	vsel vm4, v31, v36;
	(xrf1) =	vsort.dscd.msk.f32 $0xffff, v18, v23;
	v44 =	vbroadcast v53, $0xF  }
0xd8: {  	v27 =	vsub.f32 v27, v49  }
0xd9: {  	v57 =	vpop (erf);
	(erf) = vrcp.f32 v44  }
0xda: {  	v16 =	vsel vm2, v19, v16;
	v17 =	vsel vm2, v25, v17;
	v23, v31, _ =	vpop (xrf1);
	(xrf1) =	vsort.dscd.msk.f32 $0xffff, v15, v26  }
0xdb: {  	v25, v26, _ =	vpop (xrf1);
	(xrf1) =	vsort.dscd.msk.f32 $0xffff, v17, v16;
	v18 =	vmul.f32 $1.442695020e+00, v27  }
0xdc: {  	v27, v55, _ =	vpop (xrf1)  }
0xdd: {  	v22 =	vperm.xlane v22, v4;
	v34 =	vperm.xlane v34, v4;
	v56, v15, _ =	vpop (xrf1)  }
0xde: {  	v45 =	vperm.xlane v45, v4;
	v35 =	vsel vm1, v59, v39;
	(erf) = vpow2.f32 v18;
	_, v17, _ =	vpop (xrf1)  }
0xdf: {  	v29 =	vsel vm1, v29, v20;
	v28 =	vperm.xlane v28, v4;
	vm2 =	vgt.f32 v21, v22;
	v18 =	vpop (erf)  }
0xe0: {  	v58 =	vsel vm2, v22, v21;
	v50 =	vsel vm2, v21, v22;
	v22 =	vperm.xlane v25, v4;
	(xrf0) =	vmax.scan.msk.f32 $0xffff, v56;
	_, v16, _ =	vpop (xrf1)  }
0xe1: {  	v61 =	vsel vm2, v42, v34;
	v21 =	vsel vm2, v34, v42;
	v27 =	vperm.xlane v27, v4;
	v44, v47, _ =	vpop (xrf1)  }
0xe2: {  	v20 =	vnsel vm0, $0x0, v57;
	v26 =	vperm.xlane v26, v4;
	vm2 =	vgt.f32 v40, v22;
	v19 =	vpop (erf)  }
0xe3: {  	(xrf2) =	vadd.scan.msk.f32 $0xffff, v20;
	v40 =	vsel vm2, v40, v22;
	v33 =	vperm.xlane v55, v4;
	vm3 =	vgt.f32 v23, v27;
	v59, v49, _ =	vpop (xrf1)  }
0xe4: {  	v26 =	vsel vm2, v30, v26;
	(xrf1) =	vsort.dscd.msk.f32 $0xffff, v29, v35;
	v23 =	vsel vm3, v23, v27;
	v25, v29, _ =	vpop (xrf1)  }
0xe5: {  	(xrf1) =	vsort.dscd.msk.f32 $0xffff, v58, v21;
	v30 =	vsel vm3, v31, v33;
	vm4 =	vgt.f32 v40, v23;
	v34, v42, _ =	vpop (xrf1)  }
0xe6: {  	v31 =	vsel vm4, v40, v23;
	(xrf1) =	vsort.dscd.msk.f32 $0xffff, v50, v61;
	v33 =	vsel vm4, v26, v30;
	v50, _, _ =	vpop (xrf0)  }
0xe7: {  	v23 =	vsel vm4, v23, v40;
	v26 =	vsel vm4, v30, v26;
	(xrf1) =	vsort.dscd.msk.f32 $0xffff, v31, v33;
	v60 =	vpop (erf)  }
0xe8: {  	vm1 =	vgt.f32 v24, v45;
	(xrf1) =	vsort.dscd.msk.f32 $0xffff, v23, v26;
	v62, v43, _ =	vpop (xrf1);
	v21 =	vnsel vm0, $0x0, v60  }
0xe9: {  	vm2 =	vgt.f32 v32, v28;
	v27 =	vperm.xlane v46, v4;
	v31 =	vbroadcast v50, $0xF;
	v63, v22, _ =	vpop (xrf1);
	(xrf2) =	vadd.scan.msk.f32 $0xffff, v21  }
0xea: {  	v24 =	vsel vm1, v24, v45;
	v28 =	vsel vm2, v32, v28;
	v30 =	vperm.xlane v41, v4;
	(xrf0) =	vmax.scan.msk.f32 $0xffff, v63  }
0xeb: {  	v23 =	vsel vm1, v37, v27;
	vm1 =	vgt.f32 v28, v24;
	v27 =	vsub.f32 v56, v31  }
0xec: {  	v26 =	vsel vm2, v38, v30;
	vm2 =	vmmov vm1  }
0xed: {  	v51, _, _ =	vpop (xrf2);
	v32 =	vsel vm2, v24, v28;
	v31 =	vsel vm1, v23, v26;
	v27 =	vmul.f32 $1.442695020e+00, v27  }
0xee: {  	(xrf1) =	vsort.dscd.msk.f32 $0xffff, v32, v31;
	v31 =	vbroadcast v51, $0xF  }
0xef: {  	(erf) = vpow2.f32 v27  }
0xf0: {  	(erf) = vrcp.f32 v31;
	v30, _, _ =	vpop (xrf0)  }
0xf1: {  	v30 =	vbroadcast v30, $0xF;
	_ =	sdelay $0x1  }
0xf2: {  	v24 =	vsel vm2, v28, v24;
	v23 =	vsel vm2, v26, v23;
	v30 =	vsub.f32 v63, v30;
	v52, _, _ =	vpop (xrf2)  }
0xf3: {  	(xrf1) =	vsort.dscd.msk.f32 $0xffff, v24, v23;
	v26 =	vbroadcast v52, $0xF  }
0xf4: {  	v23 =	vmul.f32 $1.442695020e+00, v30  }
0xf5: {  	(erf) = vrcp.f32 v26  }
0xf6: {  	(erf) = vpow2.f32 v23  }
0xf7: {  	v55 =	vpop (erf)  }
0xf8: {  	v57 =	vpop (erf)  }
0xf9: {  	v23, v24, _ =	vpop (xrf1)  }
0xfa: {  	v26, v27, _ =	vpop (xrf1)  }
0xfb: {  	v28, v30, _ =	vpop (xrf1)  }
0xfc: {  	v39 =	vperm.xlane v62, v4;
	v31, v53, _ =	vpop (xrf1)  }
0xfd: {  	v56 =	vperm.xlane v59, v4;
	v59 =	vperm.xlane v49, v4;
	_, v54, _ =	vpop (xrf1)  }
0xfe: {  	v26 =	vperm.xlane v26, v4;
	v28 =	vperm.xlane v28, v4;
	v58 =	vpop (erf)  }
0xff: {  	vm1 =	vgt.f32 v25, v56;
	v35 =	vnsel vm0, $0x0, v55;
	v27 =	vperm.xlane v27, v4;
	(xrf0) =	vmax.scan.msk.f32 $0xffff, v31;
	v60 =	vpop (erf)  }
0x100: {  	(xrf2) =	vadd.scan.msk.f32 $0xffff, v35;
	vm3 =	vgt.f32 v44, v26;
	vm2 =	vgt.f32 v23, v28;
	_, v61, _ =	vpop (xrf1);
	v41 =	vnsel vm0, $0x0, v60  }
0x101: {  	v30 =	vperm.xlane v30, v4;
	v26 =	vsel vm3, v44, v26;
	v62, v63, _ =	vpop (xrf1);
	v23 =	vsel vm2, v23, v28;
	(xrf2) =	vadd.scan.msk.f32 $0xffff, v41  }
0x102: {  	v25 =	vsel vm1, v25, v56;
	v27 =	vsel vm3, v47, v27;
	(xrf0) =	vmax.scan.msk.f32 $0xffff, v62;
	vm3 =	vgt.f32 v26, v23  }
0x103: {  	v24 =	vsel vm2, v24, v30;
	vm2 =	vgt.f32 v34, v39;
	v28 =	vsel vm3, v26, v23  }
0x104: {  	v30 =	vsel vm3, v27, v24;
	v24 =	vsel vm3, v24, v27;
	v27 =	vperm.xlane v43, v4  }
0x105: {  	v23 =	vsel vm3, v23, v26;
	(xrf1) =	vsort.dscd.msk.f32 $0xffff, v28, v30;
	v28 =	vsel vm2, v34, v39;
	v26, _, _ =	vpop (xrf0)  }
0x106: {  	(xrf1) =	vsort.dscd.msk.f32 $0xffff, v23, v24;
	v23 =	vsel vm1, v29, v59;
	vm1 =	vgt.f32 v28, v25;
	v26 =	vbroadcast v26, $0xF  }
0x107: {  	v24 =	vsel vm2, v42, v27;
	vm2 =	vmmov vm1  }
0x108: {  	v30 =	vsel vm2, v25, v28;
	v26 =	vsub.f32 v31, v26;
	v27, _, _ =	vpop (xrf0)  }
0x109: {  	v27 =	vbroadcast v27, $0xF  }
0x10a: {  	v29 =	vsel vm1, v23, v24;
	v23 =	vsel vm2, v24, v23;
	v31, _, _ =	vpop (xrf2);
	v26 =	vmul.f32 $1.442695020e+00, v26  }
0x10b: {  	v24 =	vsel vm2, v28, v25;
	(xrf1) =	vsort.dscd.msk.f32 $0xffff, v30, v29;
	v29 =	vbroadcast v31, $0xF;
	v27 =	vsub.f32 v62, v27;
	v30, _, _ =	vpop (xrf2)  }
0x10c: {  	(xrf1) =	vsort.dscd.msk.f32 $0xffff, v24, v23;
	(erf) = vpow2.f32 v26;
	v25 =	vbroadcast v30, $0xF  }
0x10d: {  	(erf) = vrcp.f32 v29;
	v23 =	vmul.f32 $1.442695020e+00, v27  }
0x10e: {  	(erf) = vrcp.f32 v25  }
0x10f: {  	(erf) = vpow2.f32 v23;
	_ =	sdelay $0x3  }
0x110: {  	v23, v24, _ =	vpop (xrf1)  }
0x111: {  	_, v25, _ =	vpop (xrf1)  }
0x112: {  	v26 =	vpop (erf)  }
0x113: {  	v27 =	vpop (erf)  }
0x114: {  	v28 =	vpop (erf)  }
0x115: {  	(xrf0) =	vmax.scan.msk.f32 $0xffff, v23;
	v26 =	vnsel vm0, $0x0, v26;
	v29 =	vpop (erf)  }
0x116: {  	_, v30, _ =	vpop (xrf1);
	(xrf2) =	vadd.scan.msk.f32 $0xffff, v26;
	v29 =	vnsel vm0, $0x0, v29  }
0x117: {  	v31, v46, _ =	vpop (xrf1);
	(xrf2) =	vadd.scan.msk.f32 $0xffff, v29  }
0x118: {  	(xrf0) =	vmax.scan.msk.f32 $0xffff, v31;
	_ =	sdelay $0x2  }
0x119: {  	v47, _, _ =	vpop (xrf0)  }
0x11a: {  	v36 =	vbroadcast v47, $0xF;
	_ =	sdelay $0x1  }
0x11b: {  	v23 =	vsub.f32 v23, v36;
	v49, _, _ =	vpop (xrf0)  }
0x11c: {  	v36 =	vbroadcast v49, $0xF  }
0x11d: {  	v23 =	vmul.f32 $1.442695020e+00, v23;
	v50, _, _ =	vpop (xrf2)  }
0x11e: {  	v31 =	vsub.f32 v31, v36;
	v39 =	vbroadcast v50, $0xF;
	v51, _, _ =	vpop (xrf2)  }
0x11f: {  	(erf) = vpow2.f32 v23;
	v23 =	vbroadcast v51, $0xF  }
0x120: {  	v31 =	vmul.f32 $1.442695020e+00, v31;
	(erf) = vrcp.f32 v39  }
0x121: {  	(erf) = vrcp.f32 v23  }
0x122: {  	(erf) = vpow2.f32 v31;
	_ =	sdelay $0x5  }
0x123: {  	v23 =	vpop (erf)  }
0x124: {  	v31 =	vpop (erf)  }
0x125: {  	v52 =	vpop (erf)  }
0x126: {  	[tilespmem:s16+$0xB010] =	vst v12;
	v12 =	vnsel vm0, $0x0, v23;
	v23 =	vpop (erf)  }
0x127: {  	[tilespmem:s16+$0xB000] =	vst v8;
	v5 =	vmul.f32 v13, v5;
	(xrf2) =	vadd.scan.msk.f32 $0xffff, v12;
	v8 =	vnsel vm0, $0x0, v23  }
0x128: {  	[tilespmem:s16+$0xB090] =	vst v14;
	v6 =	vmul.f32 v10, v6;
	(xrf2) =	vadd.scan.msk.f32 $0xffff, v8  }
0x129: {  	[tilespmem:s14+$0x5800] =	vst v5  }
0x12a: {  	[tilespmem:s14+$0x5880] =	vst v6  }
0x12b: {  	[tilespmem:s16+$0xB080] =	vst v9  }
0x12c: {  	[tilespmem:s17+$0xB000] =	vst v15  }
0x12d: {  	[tilespmem:s17+$0xB010] =	vst v17;
	v5 =	vmul.f32 v18, v7  }
0x12e: {  	[tilespmem:s17+$0xB090] =	vst v16;
	v6 =	vmul.f32 v19, v11  }
0x12f: {  	[tilespmem:s15+$0x5800] =	vst v5  }
0x130: {  	[tilespmem:s15+$0x5880] =	vst v6  }
0x131: {  	[tilespmem:s17+$0xB080] =	vst v22;
	v5, _, _ =	vpop (xrf2)  }
0x132: {  	[tilespmem:s18+$0xB000] =	vst v53;
	v5 =	vbroadcast v5, $0xF;
	v6, _, _ =	vpop (xrf2)  }
0x133: {  	v7 =	vmul.f32 v57, v20;
	[tilespmem:s18+$0xB010] =	vst v54;
	v6 =	vbroadcast v6, $0xF  }
0x134: {  	[tilespmem:s18+$0xB090] =	vst v61;
	v9 =	vmul.f32 v58, v21;
	(erf) = vrcp.f32 v5  }
0x135: {  	[tilespmem:s16+$0x5800] =	vst v7;
	(erf) = vrcp.f32 v6  }
0x136: {  	[tilespmem:s16+$0x5880] =	vst v9  }
0x137: {  	[tilespmem:s18+$0xB080] =	vst v63  }
0x138: {  	[tilespmem:s19+$0xB000] =	vst v24  }
0x139: {  	[tilespmem:s19+$0xB010] =	vst v25;
	v5 =	vmul.f32 v27, v35  }
0x13a: {  	[tilespmem:s19+$0xB090] =	vst v30;
	v6 =	vmul.f32 v28, v41  }
0x13b: {  	[tilespmem:s17+$0x5800] =	vst v5  }
0x13c: {  	v5 =	vmul.f32 v31, v26;
	[tilespmem:s17+$0x5880] =	vst v6  }
0x13d: {  	v7 =	vpop (erf);
	v6 =	vmul.f32 v52, v29;
	[tilespmem:s19+$0xB080] =	vst v46  }
0x13e: {  	[tilespmem:s18+$0x5800] =	vst v5;
	v5 =	vmul.f32 v7, v12;
	v7 =	vpop (erf)  }
0x13f: {  	[tilespmem:s18+$0x5880] =	vst v6;
	v6 =	vmul.f32 v7, v8  }
0x140: {  	[tilespmem:s19+$0x5800] =	vst v5  }
0x141: {  	s31 =	simm.s32 $0x0;
	[tilespmem:s19+$0x5880] =	vst v6  }
0x142: {  	[hbm4b:s4+s31] =	stream.linear.scatter [tilespmem:s11], [sflag:$0x1], $0x5800, $0x38;
	[tilespmem:$0x10800] =	vst v63  }
0x143: {  	_ =	swait.ge [sflag:s10], $0x5800  }
0x144: {  	[sflag:s10] =	ssyncset.done $0x0  }
0x145: {  	[sflag:s10] =	ssyncadd.s32 $0xFFFFA800  }
0x146: {  	[hbm4b:s5+s31] =	stream.linear.scatter [tilespmem:s12], [sflag:$0x1], $0x5800, $0x38;
	[tilespmem:$0x10800] =	vst v63  }
0x147: {  	_ =	swait.ge [sflag:s10], $0x5800  }
0x148: {  	[sflag:s10] =	ssyncset.done $0x0  }
0x149: {  	[sflag:s10] =	ssyncadd.s32 $0xFFFFA800  }
0x14a: {  	[tilespmem:s31], [sflag:$0x1] =	stream.linear.gather [hbm4b:s6+s31], $0x5800, $0x38;
	[tilespmem:$0x10800] =	vst v63  }
0x14b: {  	_ =	swait.ge [sflag:s10], $0x5800  }
0x14c: {  	[sflag:s10] =	ssyncset.done $0x0  }
0x14d: {  	s14 =	simm.s32 $0x0;
	[sflag:s10] =	ssyncadd.s32 $0xFFFFA800  }
0x14e: {  	v5 =	vld [tilespmem:s14+$0x30]  }
0x14f: {  	v6 =	vld [tilespmem:s14+$0xB0]  }
0x150: {  	v7 =	vld [tilespmem:s14+$0x10]  }
0x151: {  	v8 =	vld [tilespmem:s14+$0x90]  }
0x152: {  	v9 =	vld [tilespmem:s14+$0x80]  }
0x153: {  	v10 =	vld [tilespmem:s14+$0x0];
	(xrf1) =	vsort.dscd.msk.f32 $0xffff, v5, v3  }
0x154: {  	(xrf1) =	vsort.dscd.msk.f32 $0xffff, v6, v3  }
0x155: {  	(xrf1) =	vsort.dscd.msk.f32 $0xffff, v7, v1  }
0x156: {  	(xrf1) =	vsort.dscd.msk.f32 $0xffff, v8, v1  }
0x157: {  	(xrf1) =	vsort.dscd.msk.f32 $0xffff, v9, v0  }
0x158: {  	v5 =	vld [tilespmem:s14+$0x20];
	(xrf1) =	vsort.dscd.msk.f32 $0xffff, v10, v0  }
0x159: {  	v6 =	vld [tilespmem:s14+$0xA0];
	_ =	sdelay $0x3  }
0x15a: {  	(xrf1) =	vsort.dscd.msk.f32 $0xffff, v5, v2  }
0x15b: {  	(xrf1) =	vsort.dscd.msk.f32 $0xffff, v6, v2;
	_ =	sdelay $0x2  }
0x15c: {  	v5, v6, _ =	vpop (xrf1)  }
0x15d: {  	v7, v8, _ =	vpop (xrf1)  }
0x15e: {  	s15 =	simm.s32 $0x100;
	v9, v10, _ =	vpop (xrf1)  }
0x15f: {  	v11 =	vld [tilespmem:s15+$0x30];
	v12, v13, _ =	vpop (xrf1)  }
0x160: {  	v9 =	vperm.xlane v9, v4;
	v15, v16, _ =	vpop (xrf1)  }
0x161: {  	v14 =	vld [tilespmem:s15+$0xB0];
	v18, v19, _ =	vpop (xrf1)  }
0x162: {  	v10 =	vperm.xlane v10, v4;
	vm1 =	vgt.f32 v18, v9  }
0x163: {  	v17 =	vld [tilespmem:s15+$0x10];
	v21 =	vsel vm1, v18, v9  }
0x164: {  	v20 =	vld [tilespmem:s15+$0x90];
	(xrf1) =	vsort.dscd.msk.f32 $0xffff, v11, v3;
	v11 =	vsel vm1, v19, v10;
	_ =	sdelay $0x1  }
0x165: {  	v22 =	vld [tilespmem:s15+$0x80];
	(xrf1) =	vsort.dscd.msk.f32 $0xffff, v14, v3;
	v7 =	vperm.xlane v7, v4;
	v14, v23, _ =	vpop (xrf1)  }
0x166: {  	v24 =	vld [tilespmem:s15+$0x0];
	v8 =	vperm.xlane v8, v4;
	(xrf1) =	vsort.dscd.msk.f32 $0xffff, v21, v11;
	v11, v21, _ =	vpop (xrf1)  }
0x167: {  	(xrf1) =	vsort.dscd.msk.f32 $0xffff, v17, v1;
	vm2 =	vgt.f32 v11, v7  }
0x168: {  	(xrf1) =	vsort.dscd.msk.f32 $0xffff, v20, v1;
	v17 =	vsel vm2, v21, v8;
	v20 =	vsel vm2, v11, v7  }
0x169: {  	v12 =	vperm.xlane v12, v4;
	(xrf1) =	vsort.dscd.msk.f32 $0xffff, v20, v17  }
0x16a: {  	v13 =	vperm.xlane v13, v4;
	(xrf1) =	vsort.dscd.msk.f32 $0xffff, v22, v0  }
0x16b: {  	vm3 =	vgt.f32 v15, v12;
	v17 =	vld [tilespmem:s15+$0x20];
	(xrf1) =	vsort.dscd.msk.f32 $0xffff, v24, v0  }
0x16c: {  	v20 =	vld [tilespmem:s15+$0xA0];
	v22 =	vsel vm3, v13, v16;
	v24 =	vsel vm3, v12, v15  }
0x16d: {  	v13 =	vsel vm3, v16, v13;
	v12 =	vsel vm3, v15, v12;
	(xrf1) =	vsort.dscd.msk.f32 $0xffff, v24, v22  }
0x16e: {  	v7 =	vsel vm2, v7, v11;
	v8 =	vsel vm2, v8, v21;
	(xrf1) =	vsort.dscd.msk.f32 $0xffff, v12, v13  }
0x16f: {  	(xrf1) =	vsort.dscd.msk.f32 $0xffff, v7, v8  }
0x170: {  	v5 =	vperm.xlane v5, v4;
	(xrf1) =	vsort.dscd.msk.f32 $0xffff, v17, v2  }
0x171: {  	v6 =	vperm.xlane v6, v4;
	(xrf1) =	vsort.dscd.msk.f32 $0xffff, v20, v2  }
0x172: {  	v8, v11, _ =	vpop (xrf1);
	v7 =	vsel vm1, v9, v18;
	v9 =	vsel vm1, v10, v19;
	vm1 =	vgt.f32 v14, v5  }
0x173: {  	v12, v13, _ =	vpop (xrf1);
	v19 =	vsel vm1, v6, v23  }
0x174: {  	v18 =	vsel vm1, v5, v14;
	v15, v16, _ =	vpop (xrf1)  }
0x175: {  	v6 =	vsel vm1, v23, v6;
	v10, v17, _ =	vpop (xrf1)  }
0x176: {  	v5 =	vsel vm1, v14, v5;
	(xrf1) =	vsort.dscd.msk.f32 $0xffff, v7, v9;
	v7, v9, _ =	vpop (xrf1)  }
0x177: {  	s16 =	simm.s32 $0x200;
	(xrf1) =	vsort.dscd.msk.f32 $0xffff, v18, v19;
	v18, v19, _ =	vpop (xrf1)  }
0x178: {  	v21 =	vld [tilespmem:s16+$0x30];
	v10 =	vperm.xlane v10, v4;
	v22 =	vperm.xlane v7, v4;
	v14, v20, _ =	vpop (xrf1)  }
0x179: {  	v23 =	vld [tilespmem:s16+$0xB0];
	(xrf1) =	vsort.dscd.msk.f32 $0xffff, v5, v6;
	v7 =	vperm.xlane v17, v4;
	v17 =	vperm.xlane v19, v4;
	v5, v6, _ =	vpop (xrf1)  }
0x17a: {  	v18 =	vperm.xlane v18, v4;
	vm1 =	vgt.f32 v5, v10  }
0x17b: {  	v19 =	vld [tilespmem:s16+$0x10];
	v24, v25, _ =	vpop (xrf1);
	v27 =	vsel vm1, v6, v7  }
0x17c: {  	v28 =	vld [tilespmem:s16+$0x90];
	v26 =	vsel vm1, v5, v10;
	v5 =	vsel vm1, v10, v5;
	vm3 =	vgt.f32 v24, v18;
	v10, v29, _ =	vpop (xrf1)  }
0x17d: {  	v6 =	vsel vm1, v7, v6;
	(xrf1) =	vsort.dscd.msk.f32 $0xffff, v21, v3;
	v7 =	vsel vm3, v25, v17;
	v17, v21, _ =	vpop (xrf1)  }
0x17e: {  	v8 =	vperm.xlane v8, v4;
	v12 =	vperm.xlane v12, v4;
	(xrf1) =	vsort.dscd.msk.f32 $0xffff, v23, v3;
	v23, v30, _ =	vpop (xrf1)  }
0x17f: {  	v11 =	vperm.xlane v11, v4;
	v13 =	vperm.xlane v13, v4;
	(xrf1) =	vsort.dscd.msk.f32 $0xffff, v26, v27;
	v26, v27, _ =	vpop (xrf1)  }
0x180: {  	v9 =	vperm.xlane v9, v4;
	v25 =	vld [tilespmem:s16+$0x80];
	(xrf1) =	vsort.dscd.msk.f32 $0xffff, v19, v1;
	vm4 =	vgt.f32 v26, v12  }
0x181: {  	v31 =	vld [tilespmem:s16+$0x0];
	vm1 =	vgt.f32 v14, v22;
	(xrf1) =	vsort.dscd.msk.f32 $0xffff, v28, v1;
	v28 =	vsel vm4, v26, v12  }
0x182: {  	v53 =	vsel vm1, v9, v20;
	v9 =	vsel vm1, v20, v9;
	v18 =	vsel vm3, v24, v18  }
0x183: {  	v24 =	vsel vm1, v22, v14;
	v14 =	vsel vm1, v14, v22;
	v19 =	vsel vm4, v27, v13  }
0x184: {  	v17 =	vperm.xlane v17, v4;
	vm2 =	vgt.f32 v23, v8;
	(xrf1) =	vsort.dscd.msk.f32 $0xffff, v28, v19  }
0x185: {  	v21 =	vperm.xlane v21, v4;
	v20 =	vsel vm2, v8, v23;
	(xrf1) =	vsort.dscd.msk.f32 $0xffff, v25, v0;
	v25, v28, _ =	vpop (xrf1)  }
0x186: {  	v8 =	vsel vm2, v23, v8;
	vm1 =	vgt.f32 v10, v17;
	v19 =	vld [tilespmem:s16+$0x20];
	(xrf1) =	vsort.dscd.msk.f32 $0xffff, v31, v0;
	v31, v54, _ =	vpop (xrf1)  }
0x187: {  	v23 =	vld [tilespmem:s16+$0xA0];
	v10 =	vsel vm1, v10, v17;
	v12 =	vsel vm4, v12, v26;
	(xrf1) =	vsort.dscd.msk.f32 $0xffff, v24, v53;
	v22, v24, _ =	vpop (xrf1)  }
0x188: {  	v13 =	vsel vm4, v13, v27;
	(xrf1) =	vsort.dscd.msk.f32 $0xffff, v14, v9;
	v14 =	vperm.xlane v22, v4  }
0x189: {  	v9 =	vsel vm2, v30, v11;
	v11 =	vsel vm2, v11, v30;
	v26 =	vperm.xlane v31, v4  }
0x18a: {  	(xrf1) =	vsort.dscd.msk.f32 $0xffff, v12, v13;
	v12 =	vperm.xlane v54, v4;
	vm2 =	vgt.f32 v25, v14  }
0x18b: {  	(xrf1) =	vsort.dscd.msk.f32 $0xffff, v19, v2;
	vm3 =	vgt.f32 v15, v26;
	v14 =	vsel vm2, v25, v14  }
0x18c: {  	v13, v17, _ =	vpop (xrf1);
	(xrf1) =	vsort.dscd.msk.f32 $0xffff, v23, v2;
	v23 =	vperm.xlane v24, v4;
	v15 =	vsel vm3, v15, v26  }
0x18d: {  	v19, v22, _ =	vpop (xrf1);
	v12 =	vsel vm3, v16, v12;
	(xrf1) =	vsort.dscd.msk.f32 $0xffff, v5, v6;
	vm5 =	vgt.f32 v15, v14  }
0x18e: {  	v24, v25, _ =	vpop (xrf1);
	(xrf1) =	vsort.dscd.msk.f32 $0xffff, v20, v11;
	v11 =	vsel vm2, v28, v23;
	v16 =	vsel vm5, v15, v14  }
0x18f: {  	v5 =	vsel vm5, v14, v15;
	v6, v14, _ =	vpop (xrf1);
	(xrf1) =	vsort.dscd.msk.f32 $0xffff, v8, v9;
	v8 =	vsel vm5, v12, v11  }
0x190: {  	vm4 =	vgt.f32 v10, v18;
	v13 =	vperm.xlane v13, v4  }
0x191: {  	s17 =	simm.s32 $0x300;
	v22 =	vperm.xlane v22, v4;
	v15 =	vsel vm1, v29, v21;
	vm1 =	vmmov vm4;
	v20, v21, _ =	vpop (xrf1);
	(xrf1) =	vsort.dscd.msk.f32 $0xffff, v16, v8  }
0x192: {  	v30 =	vsel vm1, v18, v10;
	v11 =	vsel vm5, v11, v12;
	v12 =	vld [tilespmem:s17+$0x30];
	v6 =	vperm.xlane v6, v4;
	v23, v26, _ =	vpop (xrf1)  }
0x193: {  	v29 =	vld [tilespmem:s17+$0xB0];
	v9 =	vsel vm4, v7, v15;
	v14 =	vperm.xlane v14, v4;
	v20 =	vperm.xlane v20, v4;
	v16, v8, _ =	vpop (xrf1)  }
0x194: {  	v21 =	vperm.xlane v21, v4;
	(xrf1) =	vsort.dscd.msk.f32 $0xffff, v5, v11;
	v26 =	vperm.xlane v26, v4;
	v27, v28, _ =	vpop (xrf1)  }
0x195: {  	v23 =	vperm.xlane v23, v4;
	(xrf1) =	vsort.dscd.msk.f32 $0xffff, v30, v9;
	vm2 =	vgt.f32 v27, v6  }
0x196: {  	v11, v5, _ =	vpop (xrf1);
	v31 =	vsel vm2, v27, v6;
	v55 =	vsel vm2, v28, v14;
	v27 =	vsel vm2, v6, v27;
	v6 =	vld [tilespmem:s17+$0x10]  }
0x197: {  	v9 =	vld [tilespmem:s17+$0x90];
	v14 =	vsel vm2, v14, v28;
	vm4 =	vgt.f32 v11, v23;
	v28, v56, _ =	vpop (xrf1);
	(xrf1) =	vsort.dscd.msk.f32 $0xffff, v12, v3  }
0x198: {  	vm3 =	vgt.f32 v16, v20;
	v12, v30, _ =	vpop (xrf1);
	v5 =	vsel vm4, v5, v26;
	(xrf1) =	vsort.dscd.msk.f32 $0xffff, v29, v3  }
0x199: {  	v58 =	vld [tilespmem:s17+$0x80];
	v26 =	vsel vm3, v21, v8;
	v21 =	vsel vm3, v8, v21;
	v8 =	vperm.xlane v19, v4;
	v29, v57, _ =	vpop (xrf1)  }
0x19a: {  	v19 =	vld [tilespmem:s17+$0x0];
	(xrf1) =	vsort.dscd.msk.f32 $0xffff, v31, v55;
	v12 =	vperm.xlane v12, v4;
	vm2 =	vgt.f32 v29, v13;
	v31, v32, _ =	vpop (xrf1)  }
0x19b: {  	v59 =	vsel vm2, v13, v29;
	vm5 =	vgt.f32 v31, v8;
	(xrf1) =	vsort.dscd.msk.f32 $0xffff, v6, v1  }
0x19c: {  	v60, v61, _ =	vpop (xrf1);
	v62 =	vsel vm5, v32, v22;
	(xrf1) =	vsort.dscd.msk.f32 $0xffff, v9, v1;
	v9 =	vsel vm5, v31, v8  }
0x19d: {  	v13 =	vsel vm2, v29, v13;
	v6 =	vsel vm4, v11, v23;
	v23, v63, _ =	vpop (xrf1);
	(xrf1) =	vsort.dscd.msk.f32 $0xffff, v9, v62  }
0x19e: {  	v9 =	vperm.xlane v17, v4;
	v17 =	vperm.xlane v30, v4;
	v30, v44, _ =	vpop (xrf1);
	(xrf1) =	vsort.dscd.msk.f32 $0xffff, v58, v0  }
0x19f: {  	v29 =	vsel vm5, v8, v31;
	vm4 =	vgt.f32 v28, v12;
	v31, v45, _ =	vpop (xrf1);
	(xrf1) =	vsort.dscd.msk.f32 $0xffff, v19, v0  }
0x1a0: {  	v11 =	vsel vm3, v20, v16;
	v8 =	vsel vm4, v28, v12;
	v12 =	vsel vm3, v16, v20;
	(xrf0) =	vmax.scan.msk.f32 $0xffff, v31  }
0x1a1: {  	v10 =	vsel vm1, v10, v18;
	(xrf1) =	vsort.dscd.msk.f32 $0xffff, v11, v26  }
0x1a2: {  	v46 =	vld [tilespmem:s17+$0x20];
	v7 =	vsel vm1, v15, v7;
	v16 =	vsel vm5, v22, v32;
	(xrf1) =	vsort.dscd.msk.f32 $0xffff, v12, v21  }
0x1a3: {  	vm1 =	vgt.f32 v8, v6;
	v20 =	vperm.xlane v30, v4;
	v11 =	vld [tilespmem:s17+$0xA0];
	(xrf1) =	vsort.dscd.msk.f32 $0xffff, v29, v16  }
0x1a4: {  	v19 =	vperm.xlane v23, v4;
	v23 =	vsel vm2, v57, v9;
	_, v12, _ =	vpop (xrf1);
	(xrf1) =	vsort.dscd.msk.f32 $0xffff, v10, v7  }
0x1a5: {  	v9 =	vsel vm2, v9, v57;
	vm2 =	vgt.f32 v60, v20;
	v26 =	vperm.xlane v44, v4;
	_, v15, _ =	vpop (xrf1)  }
0x1a6: {  	vm3 =	vgt.f32 v24, v19;
	v20 =	vsel vm2, v60, v20;
	v7 =	vperm.xlane v63, v4;
	v10, v16, _ =	vpop (xrf1)  }
0x1a7: {  	v19 =	vsel vm3, v24, v19;
	[tilespmem:s14+$0xB010] =	vst v12;
	v12 =	vsel vm4, v56, v17;
	(xrf1) =	vsort.dscd.msk.f32 $0xffff, v46, v2;
	v18, v21, _ =	vpop (xrf1)  }
0x1a8: {  	v7 =	vsel vm3, v25, v7;
	vm3 =	vgt.f32 v19, v20;
	v22, _, _ =	vpop (xrf0);
	(xrf1) =	vsort.dscd.msk.f32 $0xffff, v11, v2  }
0x1a9: {  	v11, v24, _ =	vpop (xrf1);
	v25 =	vsel vm3, v19, v20;
	v19 =	vsel vm3, v20, v19;
	v20 =	vbroadcast v22, $0xF;
	(xrf1) =	vsort.dscd.msk.f32 $0xffff, v27, v14  }
0x1aa: {  	[tilespmem:s14+$0xB000] =	vst v45;
	v52 =	vperm.xlane v10, v4;
	v16 =	vperm.xlane v16, v4;
	v17, v22, _ =	vpop (xrf1);
	(xrf1) =	vsort.dscd.msk.f32 $0xffff, v59, v9  }
0x1ab: {  	s18 =	simm.s32 $0x400;
	[tilespmem:s14+$0xB090] =	vst v15;
	v14 =	vsel vm1, v5, v12;
	v20 =	vsub.f32 v31, v20;
	v9 =	vsel vm2, v61, v26;
	v27, v28, _ =	vpop (xrf1)  }
0x1ac: {  	v30 =	vld [tilespmem:s18+$0x30];
	(xrf1) =	vsort.dscd.msk.f32 $0xffff, v13, v23;
	v26 =	vsel vm3, v7, v9;
	v17 =	vperm.xlane v17, v4;
	v13, v23, _ =	vpop (xrf1)  }
0x1ad: {  	vm1 =	vmmov vm1;
	v7 =	vsel vm3, v9, v7;
	v15 =	vperm.xlane v27, v4;
	(xrf1) =	vsort.dscd.msk.f32 $0xffff, v25, v26;
	v27, v29, _ =	vpop (xrf1)  }
0x1ae: {  	v25 =	vsel vm1, v6, v8;
	v26 =	vperm.xlane v28, v4;
	v23 =	vperm.xlane v23, v4;
	v9, v31, _ =	vpop (xrf1)  }
0x1af: {  	v47 =	vld [tilespmem:s18+$0xB0];
	v13 =	vperm.xlane v13, v4;
	(xrf1) =	vsort.dscd.msk.f32 $0xffff, v19, v7;
	vm2 =	vgt.f32 v9, v17;
	v28, v48, _ =	vpop (xrf1)  }
0x1b0: {  	(xrf1) =	vsort.dscd.msk.f32 $0xffff, v25, v14;
	v19 =	vsel vm2, v9, v17;
	v17 =	vsel vm2, v17, v9;
	v9, v50, _ =	vpop (xrf1)  }
0x1b1: {  	v22 =	vperm.xlane v22, v4;
	(xrf1) =	vsort.dscd.msk.f32 $0xffff, v30, v3;
	vm3 =	vgt.f32 v28, v13;
	v25, v30, _ =	vpop (xrf1)  }
0x1b2: {  	v18 =	vperm.xlane v18, v4;
	v21 =	vperm.xlane v21, v4;
	v14 =	vld [tilespmem:s18+$0x10];
	v7 =	vsel vm3, v48, v23;
	v23, v51, _ =	vpop (xrf1)  }
0x1b3: {  	v10 =	vmul.f32 $1.442695020e+00, v20;
	v49 =	vsel vm2, v31, v22;
	v22 =	vsel vm2, v22, v31;
	v31 =	vld [tilespmem:s18+$0x90];
	(xrf0) =	vmax.scan.msk.f32 $0xffff, v23  }
0x1b4: {  	v5 =	vsel vm1, v12, v5;
	vm2 =	vgt.f32 v27, v15;
	(xrf1) =	vsort.dscd.msk.f32 $0xffff, v47, v3  }
0x1b5: {  	v20 =	vld [tilespmem:s18+$0x80];
	(erf) = vpow2.f32 v10;
	v53 =	vsel vm2, v26, v29;
	v26 =	vsel vm2, v29, v26;
	v29, v54, _ =	vpop (xrf1)  }
0x1b6: {  	v6 =	vsel vm1, v8, v6;
	v10 =	vsel vm3, v28, v13;
	(xrf1) =	vsort.dscd.msk.f32 $0xffff, v19, v49;
	v19 =	vld [tilespmem:s18+$0x0];
	v56, v55, _ =	vpop (xrf1)  }
0x1b7: {  	v25 =	vperm.xlane v25, v4;
	(xrf1) =	vsort.dscd.msk.f32 $0xffff, v14, v1;
	vm5 =	vgt.f32 v56, v18;
	v14, v58, _ =	vpop (xrf1)  }
0x1b8: {  	(xrf1) =	vsort.dscd.msk.f32 $0xffff, v31, v1;
	v59 =	vsel vm5, v55, v21;
	v31 =	vsel vm5, v56, v18;
	v13, v28, _ =	vpop (xrf1)  }
0x1b9: {  	vm4 =	vgt.f32 v29, v52;
	vm3 =	vgt.f32 v9, v25;
	(xrf1) =	vsort.dscd.msk.f32 $0xffff, v31, v59;
	v60, _, _ =	vpop (xrf0)  }
0x1ba: {  	v57 =	vsel vm4, v52, v29;
	(xrf1) =	vsort.dscd.msk.f32 $0xffff, v20, v0;
	v20 =	vperm.xlane v30, v4;
	v30, v61, _ =	vpop (xrf1)  }
0x1bb: {  	v29 =	vsel vm4, v29, v52;
	v18 =	vsel vm5, v18, v56;
	v41 =	vbroadcast v60, $0xF;
	(xrf1) =	vsort.dscd.msk.f32 $0xffff, v19, v0;
	v63, v62, _ =	vpop (xrf1)  }
0x1bc: {  	v48 =	vld [tilespmem:s18+$0x20];
	v31 =	vsel vm2, v15, v27;
	v15 =	vsel vm2, v27, v15;
	v19 =	vperm.xlane v13, v4;
	(xrf0) =	vmax.scan.msk.f32 $0xffff, v63  }
0x1bd: {  	v13 =	vsel vm3, v9, v25;
	(xrf1) =	vsort.dscd.msk.f32 $0xffff, v31, v53;
	v9 =	vsub.f32 v23, v41  }
0x1be: {  	v21 =	vsel vm5, v21, v55;
	v27 =	vperm.xlane v30, v4;
	v30 =	vpop (erf);
	v23 =	vld [tilespmem:s18+$0xA0];
	(xrf1) =	vsort.dscd.msk.f32 $0xffff, v15, v26  }
0x1bf: {  	v49 =	vsel vm4, v54, v16;
	v16 =	vsel vm4, v16, v54;
	_, v25, _ =	vpop (xrf1);
	(xrf1) =	vsort.dscd.msk.f32 $0xffff, v18, v21;
	v9 =	vmul.f32 $1.442695020e+00, v9  }
0x1c0: {  	_, v12, _ =	vpop (xrf1);
	vm2 =	vgt.f32 v14, v27;
	vm4 =	vgt.f32 v11, v19;
	(xrf1) =	vsort.dscd.msk.f32 $0xffff, v6, v5  }
0x1c1: {  	v8, v31, _ =	vpop (xrf1);
	v6 =	vperm.xlane v28, v4;
	v5 =	vnsel vm0, $0x0, v30;
	(xrf1) =	vsort.dscd.msk.f32 $0xffff, v48, v2;
	(erf) = vpow2.f32 v9  }
0x1c2: {  	v15 =	vsel vm4, v11, v19;
	v14 =	vsel vm2, v14, v27;
	v26, v28, _ =	vpop (xrf1);
	(xrf2) =	vadd.scan.msk.f32 $0xffff, v5  }
0x1c3: {  	[tilespmem:s14+$0xB080] =	vst v51;
	v6 =	vsel vm4, v24, v6;
	v24 =	vperm.xlane v61, v4;
	(xrf1) =	vsort.dscd.msk.f32 $0xffff, v23, v2;
	v18, _, _ =	vpop (xrf0)  }
0x1c4: {  	vm1 =	vgt.f32 v13, v10;
	[tilespmem:s15+$0xB010] =	vst v25;
	vm4 =	vgt.f32 v15, v14;
	(xrf1) =	vsort.dscd.msk.f32 $0xffff, v17, v22;
	v11, v9, _ =	vpop (xrf1)  }
0x1c5: {  	v19 =	vsel vm4, v15, v14;
	v17 =	vsel vm4, v14, v15;
	v14 =	vbroadcast v18, $0xF;
	(xrf1) =	vsort.dscd.msk.f32 $0xffff, v57, v16;
	v21, v23, _ =	vpop (xrf1)  }
0x1c6: {  	[tilespmem:s15+$0xB000] =	vst v62;
	v15 =	vsel vm3, v50, v20;
	v16 =	vsel vm2, v58, v24;
	(xrf1) =	vsort.dscd.msk.f32 $0xffff, v29, v49;
	v18, v20, _ =	vpop (xrf1)  }
0x1c7: {  	s19 =	simm.s32 $0x500;
	[tilespmem:s15+$0xB090] =	vst v12;
	v27 =	vsub.f32 v63, v14;
	v24, v25, _ =	vpop (xrf1);
	v14 =	vperm.xlane v18, v4;
	v18 =	vsel vm4, v6, v16  }
0x1c8: {  	v8 =	vperm.xlane v8, v4;
	v12 =	vsel vm1, v7, v15;
	v6 =	vsel vm4, v16, v6;
	v16 =	vld [tilespmem:s19+$0x30];
	v22, v29, _ =	vpop (xrf1)  }
0x1c9: {  	vm1 =	vmmov vm1;
	v21 =	vperm.xlane v21, v4;
	v51 =	vperm.xlane v24, v4;
	v24 =	vld [tilespmem:s19+$0xB0];
	(xrf1) =	vsort.dscd.msk.f32 $0xffff, v19, v18;
	v30, v50, _ =	vpop (xrf1)  }
0x1ca: {  	v57 =	vsel vm1, v10, v13;
	v25 =	vperm.xlane v25, v4;
	(xrf1) =	vsort.dscd.msk.f32 $0xffff, v17, v6;
	v18 =	vpop (erf)  }
0x1cb: {  	v23 =	vperm.xlane v23, v4;
	vm2 =	vgt.f32 v30, v21;
	(xrf1) =	vsort.dscd.msk.f32 $0xffff, v57, v12;
	v6 =	vnsel vm0, $0x0, v18  }
0x1cc: {  	v53 =	vperm.xlane v28, v4;
	v17 =	vperm.xlane v20, v4;
	v58, v36, _ =	vpop (xrf1);
	v59 =	vsel vm2, v30, v21;
	(xrf2) =	vadd.scan.msk.f32 $0xffff, v6  }
0x1cd: {  	v60 =	vsel vm2, v50, v23;
	v18 =	vsel vm2, v21, v30;
	v42, v19, _ =	vpop (xrf1);
	(xrf1) =	vsort.dscd.msk.f32 $0xffff, v16, v3  }
0x1ce: {  	v27 =	vmul.f32 $1.442695020e+00, v27;
	v12 =	vld [tilespmem:s19+$0x10];
	v20 =	vsel vm2, v23, v50;
	vm3 =	vgt.f32 v58, v51;
	v62, v61, _ =	vpop (xrf1);
	(xrf1) =	vsort.dscd.msk.f32 $0xffff, v24, v3  }
0x1cf: {  	vm2 =	vgt.f32 v22, v14;
	v16 =	vsel vm3, v36, v25;
	v36, v25, _ =	vpop (xrf1);
	(xrf1) =	vsort.dscd.msk.f32 $0xffff, v59, v60  }
0x1d0: {  	v28 =	vperm.xlane v26, v4;
	(erf) = vpow2.f32 v27;
	v57, _, _ =	vpop (xrf2);
	v34 =	vsel vm2, v17, v29;
	(xrf0) =	vmax.scan.msk.f32 $0xffff, v36  }
0x1d1: {  	v52 =	vld [tilespmem:s19+$0x90];
	v30 =	vsel vm2, v29, v17;
	v17 =	vsel vm3, v58, v51;
	v56 =	vperm.xlane v62, v4;
	v63, v45, _ =	vpop (xrf1)  }
0x1d2: {  	v41 =	vsel vm2, v14, v22;
	v29 =	vperm.xlane v61, v4;
	v59 =	vperm.xlane v31, v4;
	v55, v54, _ =	vpop (xrf1)  }
0x1d3: {  	v58 =	vld [tilespmem:s19+$0x80];
	vm4 =	vgt.f32 v63, v8;
	vm3 =	vgt.f32 v42, v56;
	(xrf1) =	vsort.dscd.msk.f32 $0xffff, v12, v1;
	v35, v26, _ =	vpop (xrf1)  }
0x1d4: {  	v24 =	vsel vm4, v8, v63;
	v12 =	vld [tilespmem:s19+$0x0];
	v27 =	vsel vm4, v63, v8;
	vm5 =	vgt.f32 v55, v28;
	v60, v39, _ =	vpop (xrf1)  }
0x1d5: {  	v21 =	vld [tilespmem:s19+$0x20];
	v37 =	vsel vm4, v59, v45;
	v31 =	vsel vm5, v54, v53;
	v40 =	vsel vm5, v28, v55;
	v8, v32, _ =	vpop (xrf1)  }
0x1d6: {  	v23 =	vld [tilespmem:s19+$0xA0];
	[tilespmem:s15+$0xB080] =	vst v25;
	v25 =	vsel vm5, v55, v28;
	v28 =	vsel vm4, v45, v59;
	(xrf1) =	vsort.dscd.msk.f32 $0xffff, v52, v1;
	v63, _, _ =	vpop (xrf0)  }
0x1d7: {  	v61 =	vbroadcast v57, $0xF;
	(xrf1) =	vsort.dscd.msk.f32 $0xffff, v25, v31;
	v25 =	vsel vm3, v42, v56;
	v42 =	vperm.xlane v8, v4;
	v62, _, _ =	vpop (xrf2)  }
0x1d8: {  	v43 =	vsel vm5, v53, v54;
	(xrf1) =	vsort.dscd.msk.f32 $0xffff, v58, v0;
	v44 =	vbroadcast v63, $0xF;
	v33, v8, _ =	vpop (xrf1);
	v31 =	vbroadcast v62, $0xF  }
0x1d9: {  	s20 =	simm.s32 $0x1800;
	(erf) = vrcp.f32 v61;
	v38 =	vperm.xlane v60, v4;
	vm4 =	vgt.f32 v25, v17;
	(xrf1) =	vsort.dscd.msk.f32 $0xffff, v12, v0;
	_, v12, _ =	vpop (xrf1)  }
.LBB2_4:
0x1da: {  	p0 =	sne.s32 s20, $0x15C00;
	v14 =	vsel vm2, v22, v14;
	(xrf0) =	vmax.scan.msk.f32 $0xffff, v33;
	v22 =	vsub.f32 v36, v44;
	v36 =	vpop (erf);
	(erf) = vrcp.f32 v31;
	s21 =	smov.u32 s20;
	s20 =	sadd.s32 $0x400, s20  }
0x1db: {  	vm2 =	vgt.f32 v35, v42;
	v7 =	vsel vm1, v15, v7;
	(xrf1) =	vsort.dscd.msk.f32 $0xffff, v41, v34;
	_, v34, _ =	vpop (xrf1);
	v36 =	vnsel vm0, $0x0, v36  }
0x1dc: {  	v15 =	vperm.xlane v39, v4;
	vm5 =	vgt.f32 v11, v38;
	v10 =	vsel vm1, v13, v10;
	v41, v31, _ =	vpop (xrf1);
	[tilespmem:s16+$0xB010] =	vst v12  }
0x1dd: {  	v13 =	vsel vm5, v11, v38;
	v22 =	vmul.f32 $1.442695020e+00, v22;
	v12, v39, _ =	vpop (xrf1);
	(xrf1) =	vsort.dscd.msk.f32 $0xffff, v14, v30;
	v14 =	vsel vm2, v35, v42  }
0x1de: {  	v30 =	vsel vm5, v9, v15;
	(xrf1) =	vsort.dscd.msk.f32 $0xffff, v40, v43;
	v11, v9, _ =	vpop (xrf1);
	vm5 =	vgt.f32 v13, v14;
	[tilespmem:s16+$0xB000] =	vst v8  }
0x1df: {  	v8 =	vsel vm5, v13, v14;
	v35 =	vsel vm5, v14, v13;
	(xrf1) =	vsort.dscd.msk.f32 $0xffff, v10, v7;
	(erf) = vpow2.f32 v22  }
0x1e0: {  	v15 =	vsel vm3, v19, v29;
	v7 =	vmov v16;
	(xrf1) =	vsort.dscd.msk.f32 $0xffff, v21, v2;
	[tilespmem:s16+$0xB090] =	vst v34;
	v10, _, _ =	vpop (xrf0)  }
0x1e1: {  	v29 =	vsel vm4, v7, v15;
	v16, v19, _ =	vpop (xrf1);
	(xrf1) =	vsort.dscd.msk.f32 $0xffff, v23, v2;
	v22 =	vbroadcast v10, $0xF;
	v10 =	vmov v17  }
0x1e2: {  	vm1 =	vmmov vm4;
	v13 =	vmov v25;
	v17 =	vperm.xlane v32, v4;
	v21 =	vpop (erf)  }
0x1e3: {  	(xrf1) =	vsort.dscd.msk.f32 $0xffff, v18, v20;
	v25 =	vsub.f32 v33, v22;
	v18 =	vmul.f32 v21, v5;
	v14 =	vpop (erf);
	v5 =	vmov v36  }
0x1e4: {  	s21 =	sshra.s32 s21, $0x2;
	v17 =	vsel vm2, v26, v17;
	v20, v23, _ =	vpop (xrf1);
	(xrf1) =	vsort.dscd.msk.f32 $0xffff, v24, v37;
	v6 =	vmul.f32 v14, v6  }
0x1e5: {  	v26 =	vld [tilespmem:s21+$0x10];
	v14 =	vperm.xlane v20, v4;
	(xrf1) =	vsort.dscd.msk.f32 $0xffff, v27, v28;
	v20, v24, _ =	vpop (xrf1);
	v27 =	vsel vm5, v30, v17;
	[tilespmem:s14+$0x5800] =	vst v18  }
0x1e6: {  	v17 =	vsel vm5, v17, v30;
	v21 =	vld [tilespmem:s21+$0x20];
	v22, v28, _ =	vpop (xrf1);
	v24 =	vperm.xlane v24, v4;
	(xrf2) =	vadd.scan.msk.f32 $0xffff, v5;
	[tilespmem:s14+$0x5880] =	vst v6;
	s14 =	smov.u32 s15;
	s15 =	smov.u32 s16;
	s16 =	smov.u32 s17  }
0x1e7: {  	v16 =	vperm.xlane v16, v4;
	v33 =	vperm.xlane v20, v4;
	s17 =	smov.u32 s18;
	s18 =	smov.u32 s19;
	s19 =	smov.u32 s21;
	v30 =	vld [tilespmem:s21+$0x30];
	v18, v32, _ =	vpop (xrf1)  }
0x1e8: {  	v40 =	vperm.xlane v19, v4;
	v36 =	vsel vm1, v10, v13;
	v34 =	vld [tilespmem:s19+$0xB0];
	(xrf1) =	vsort.dscd.msk.f32 $0xffff, v8, v27;
	v6 =	vpop (erf)  }
0x1e9: {  	vm2 =	vgt.f32 v18, v16;
	v27 =	vperm.xlane v23, v4;
	v8 =	vld [tilespmem:s19+$0x90];
	v37, v38, _ =	vpop (xrf1);
	(xrf1) =	vsort.dscd.msk.f32 $0xffff, v35, v17;
	v6 =	vnsel vm0, $0x0, v6  }
0x1ea: {  	v17 =	vsel vm2, v18, v16;
	v35 =	vsel vm2, v32, v40;
	v18 =	vsel vm2, v16, v18;
	v23 =	vld [tilespmem:s19+$0xA0];
	(xrf2) =	vadd.scan.msk.f32 $0xffff, v6  }
0x1eb: {  	v20 =	vsel vm2, v40, v32;
	vm3 =	vgt.f32 v37, v33;
	v42 =	vld [tilespmem:s19+$0x80];
	v43, v19, _ =	vpop (xrf1);
	(xrf1) =	vsort.dscd.msk.f32 $0xffff, v36, v29  }
0x1ec: {  	vm2 =	vgt.f32 v22, v14;
	v16 =	vsel vm3, v38, v24;
	v45 =	vld [tilespmem:s19+$0x0];
	(xrf1) =	vsort.dscd.msk.f32 $0xffff, v30, v3;
	v29, v32, _ =	vpop (xrf1)  }
0x1ed: {  	v38 =	vperm.xlane v41, v4;
	v24 =	vmul.f32 $1.442695020e+00, v25;
	(xrf1) =	vsort.dscd.msk.f32 $0xffff, v34, v3;
	v34 =	vsel vm2, v27, v28;
	v36, v25, _ =	vpop (xrf1)  }
0x1ee: {  	v44 =	vperm.xlane v39, v4;
	v30 =	vsel vm2, v28, v27;
	v27, v46, _ =	vpop (xrf1);
	(xrf1) =	vsort.dscd.msk.f32 $0xffff, v17, v35;
	[tilespmem:s15+$0xB080] =	vst v25  }
0x1ef: {  	v12 =	vperm.xlane v12, v4;
	vm4 =	vgt.f32 v27, v38;
	v25, v47, _ =	vpop (xrf1);
	(erf) = vpow2.f32 v24;
	(xrf0) =	vmax.scan.msk.f32 $0xffff, v36  }
0x1f0: {  	v48 =	vperm.xlane v29, v4;
	v17 =	vsel vm3, v37, v33;
	v24 =	vsel vm4, v38, v27;
	v28, _, _ =	vpop (xrf2)  }
0x1f1: {  	v41 =	vsel vm2, v14, v22;
	vm5 =	vgt.f32 v25, v12;
	(xrf1) =	vsort.dscd.msk.f32 $0xffff, v26, v1;
	v35, v26, _ =	vpop (xrf1);
	v49 =	vbroadcast v28, $0xF  }
0x1f2: {  	v29 =	vperm.xlane v32, v4;
	v37 =	vperm.xlane v31, v4;
	v31 =	vsel vm5, v47, v44;
	v28, v39, _ =	vpop (xrf1)  }
.Ltmp1:
0x1f3: {  	v27 =	vsel vm4, v27, v38;
	v40 =	vsel vm5, v12, v25;
	v38 =	vperm.xlane v28, v4;
	v33, v32, _ =	vpop (xrf1);
	(pc) =	sbr.rel @p0 .LBB2_4-.Ltmp1, $4  }
0x1f4: {  	vm3 =	vgt.f32 v43, v48;
	v50 =	vsel vm5, v25, v12;
	(xrf1) =	vsort.dscd.msk.f32 $0xffff, v8, v1;
	v12, _, _ =	vpop (xrf2)  }
0x1f5: {  	v25 =	vsel vm3, v43, v48;
	v28 =	vsel vm4, v46, v37;
	(xrf1) =	vsort.dscd.msk.f32 $0xffff, v50, v31;
	v48, _, _ =	vpop (xrf0);
	v31 =	vbroadcast v12, $0xF  }
0x1f6: {  	v43 =	vsel vm5, v44, v47;
	(xrf1) =	vsort.dscd.msk.f32 $0xffff, v42, v0;
	v42 =	vperm.xlane v33, v4;
	v33, v8, _ =	vpop (xrf1);
	v44 =	vbroadcast v48, $0xF  }
0x1f7: {  	v37 =	vsel vm4, v37, v46;
	vm4 =	vgt.f32 v25, v17;
	(xrf1) =	vsort.dscd.msk.f32 $0xffff, v45, v0;
	_, v12, _ =	vpop (xrf1);
	(erf) = vrcp.f32 v49  }
0x1f8: {  	(xrf0) =	vmax.scan.msk.f32 $0xffff, v33;
	(erf) = vrcp.f32 v31;
	v22 =	vsel vm2, v22, v14  }
0x1f9: {  	v56 =	vsub.f32 v36, v44;
	v57 =	vpop (erf);
	(xrf1) =	vsort.dscd.msk.f32 $0xffff, v41, v34  }
0x1fa: {  	_, v14, _ =	vpop (xrf1);
	(xrf1) =	vsort.dscd.msk.f32 $0xffff, v22, v30  }
0x1fb: {  	v7 =	vsel vm1, v15, v7;
	v10 =	vsel vm1, v13, v10;
	v58 =	vmul.f32 $1.442695020e+00, v56;
	v22, v34, _ =	vpop (xrf1);
	(xrf1) =	vsort.dscd.msk.f32 $0xffff, v40, v43  }
0x1fc: {  	v15, v31, _ =	vpop (xrf1);
	(xrf1) =	vsort.dscd.msk.f32 $0xffff, v10, v7  }
0x1fd: {  	(erf) = vpow2.f32 v58;
	v40, v30, _ =	vpop (xrf1)  }
0x1fe: {  	v59, _, _ =	vpop (xrf0)  }
0x1ff: {  	(xrf1) =	vsort.dscd.msk.f32 $0xffff, v21, v2;
	v61, v60, _ =	vpop (xrf1)  }
0x200: {  	(xrf1) =	vsort.dscd.msk.f32 $0xffff, v23, v2;
	v13 =	vpop (erf)  }
0x201: {  	v7 =	vnsel vm0, $0x0, v57;
	v10 =	vpop (erf)  }
0x202: {  	(xrf2) =	vadd.scan.msk.f32 $0xffff, v7;
	v62, v63, _ =	vpop (xrf1)  }
0x203: {  	vm1 =	vgt.f32 v35, v42;
	v45, v46, _ =	vpop (xrf1)  }
0x204: {  	v50 =	vperm.xlane v39, v4;
	vm2 =	vgt.f32 v11, v38;
	v32 =	vperm.xlane v32, v4;
	v47, v48, _ =	vpop (xrf1)  }
0x205: {  	v51 =	vsel vm2, v11, v38;
	v35 =	vsel vm1, v35, v42;
	(xrf1) =	vsort.dscd.msk.f32 $0xffff, v18, v20;
	v20, v39, _ =	vpop (xrf1)  }
0x206: {  	v19 =	vsel vm3, v19, v29;
	vm5 =	vgt.f32 v51, v35;
	v52 =	vpop (erf)  }
0x207: {  	v36 =	vsel vm2, v9, v50;
	v26 =	vsel vm1, v26, v32;
	(xrf1) =	vsort.dscd.msk.f32 $0xffff, v24, v37;
	v24, v37, _ =	vpop (xrf1);
	v11 =	vnsel vm0, $0x0, v52  }
0x208: {  	v56 =	vsel vm4, v16, v19;
	v53 =	vsel vm5, v51, v35;
	v54 =	vbroadcast v59, $0xF;
	(xrf2) =	vadd.scan.msk.f32 $0xffff, v11;
	v32, v38, _ =	vpop (xrf1)  }
0x209: {  	v55 =	vsel vm5, v36, v26;
	v26 =	vsel vm5, v26, v36;
	(xrf1) =	vsort.dscd.msk.f32 $0xffff, v27, v28;
	v28, v41, _ =	vpop (xrf1)  }
0x20a: {  	v15 =	vperm.xlane v15, v4;
	v31 =	vperm.xlane v31, v4;
	v57 =	vsub.f32 v33, v54;
	v27, v9, _ =	vpop (xrf1)  }
0x20b: {  	v18 =	vsel vm5, v35, v51;
	v29 =	vperm.xlane v61, v4;
	v35 =	vperm.xlane v60, v4;
	(xrf0) =	vmax.scan.msk.f32 $0xffff, v27  }
0x20c: {  	vm2 =	vmmov vm4;
	v58 =	vperm.xlane v62, v4;
	v33 =	vmul.f32 $1.442695020e+00, v57;
	v62, _, _ =	vpop (xrf2);
	(xrf1) =	vsort.dscd.msk.f32 $0xffff, v53, v55  }
0x20d: {  	v59 =	vsel vm2, v17, v25;
	vm1 =	vgt.f32 v20, v29;
	v43 =	vbroadcast v62, $0xF;
	(xrf1) =	vsort.dscd.msk.f32 $0xffff, v18, v26;
	v21, v42, _ =	vpop (xrf1)  }
0x20e: {  	(erf) = vpow2.f32 v33;
	v60 =	vsel vm1, v20, v29;
	v61 =	vsel vm1, v39, v35;
	(xrf1) =	vsort.dscd.msk.f32 $0xffff, v59, v56;
	v26, v36, _ =	vpop (xrf1)  }
0x20f: {  	v23 =	vperm.xlane v63, v4;
	(erf) = vrcp.f32 v43;
	(xrf1) =	vsort.dscd.msk.f32 $0xffff, v60, v61;
	vm15 =	vgt.f32 v26, v15  }
0x210: {  	vm3 =	vgt.f32 v47, v58;
	v63 =	vsel vm15, v36, v31;
	v52 =	vsel vm15, v26, v15  }
0x211: {  	v53 =	vsel vm3, v23, v48;
	v55 =	vsel vm3, v58, v47;
	(xrf1) =	vsort.dscd.msk.f32 $0xffff, v52, v63;
	v49, _, _ =	vpop (xrf0)  }
0x212: {  	v23 =	vsel vm3, v48, v23;
	v18 =	vsel vm3, v47, v58;
	v54, _, _ =	vpop (xrf2);
	(xrf1) =	vsort.dscd.msk.f32 $0xffff, v55, v53  }
0x213: {  	v49 =	vbroadcast v49, $0xF;
	v44 =	vbroadcast v54, $0xF;
	(xrf1) =	vsort.dscd.msk.f32 $0xffff, v18, v23  }
0x214: {  	v57 =	vsel vm2, v19, v16;
	v15 =	vsel vm15, v15, v26;
	v56 =	vsel vm15, v31, v36  }
0x215: {  	v58 =	vsel vm2, v25, v17;
	v23, v31, _ =	vpop (xrf1);
	(xrf1) =	vsort.dscd.msk.f32 $0xffff, v15, v56;
	v27 =	vsub.f32 v27, v49;
	(erf) = vrcp.f32 v44  }
0x216: {  	v60, v61, _ =	vpop (xrf1);
	(xrf1) =	vsort.dscd.msk.f32 $0xffff, v58, v57  }
0x217: {  	v52 =	vpop (erf);
	v59 =	vmul.f32 $1.442695020e+00, v27  }
0x218: {  	v18 =	vpop (erf)  }
0x219: {  	v63, v62, _ =	vpop (xrf1);
	(erf) = vpow2.f32 v59  }
0x21a: {  	v36, v15, _ =	vpop (xrf1)  }
0x21b: {  	_, v17, _ =	vpop (xrf1)  }
0x21c: {  	_, v16, _ =	vpop (xrf1)  }
0x21d: {  	v22 =	vperm.xlane v22, v4;
	v34 =	vperm.xlane v34, v4;
	v44, v47, _ =	vpop (xrf1)  }
0x21e: {  	v45 =	vperm.xlane v45, v4;
	v20 =	vsel vm1, v29, v20;
	v53 =	vsel vm1, v35, v39;
	v19 =	vpop (erf)  }
0x21f: {  	vm2 =	vgt.f32 v21, v22;
	(xrf1) =	vsort.dscd.msk.f32 $0xffff, v20, v53;
	v29, v35, _ =	vpop (xrf1)  }
0x220: {  	vm1 =	vgt.f32 v24, v45;
	v55 =	vsel vm2, v34, v42;
	v54 =	vsel vm2, v22, v21;
	(xrf0) =	vmax.scan.msk.f32 $0xffff, v36;
	v39, v43, _ =	vpop (xrf1)  }
0x221: {  	v25 =	vperm.xlane v60, v4;
	v57 =	vsel vm2, v42, v34;
	v20 =	vnsel vm0, $0x0, v52;
	(xrf1) =	vsort.dscd.msk.f32 $0xffff, v54, v55;
	v34, v42, _ =	vpop (xrf1)  }
0x222: {  	v24 =	vsel vm1, v24, v45;
	v21 =	vsel vm2, v21, v22;
	v26 =	vperm.xlane v61, v4;
	(xrf2) =	vadd.scan.msk.f32 $0xffff, v20;
	v56 =	vpop (erf)  }
0x223: {  	v27 =	vperm.xlane v63, v4;
	vm2 =	vgt.f32 v40, v25;
	(xrf1) =	vsort.dscd.msk.f32 $0xffff, v21, v57;
	v45, v48, _ =	vpop (xrf1);
	v21 =	vnsel vm0, $0x0, v56  }
0x224: {  	v28 =	vperm.xlane v28, v4;
	v33 =	vperm.xlane v62, v4;
	v25 =	vsel vm2, v40, v25;
	v58, v22, _ =	vpop (xrf1);
	(xrf2) =	vadd.scan.msk.f32 $0xffff, v21  }
0x225: {  	v26 =	vsel vm2, v30, v26;
	vm3 =	vgt.f32 v23, v27;
	v59 =	vperm.xlane v46, v4;
	(xrf0) =	vmax.scan.msk.f32 $0xffff, v58  }
0x226: {  	v23 =	vsel vm3, v23, v27;
	v60 =	vsel vm3, v31, v33;
	vm3 =	vgt.f32 v32, v28;
	v63, _, _ =	vpop (xrf0)  }
0x227: {  	v33 =	vperm.xlane v41, v4;
	vm2 =	vgt.f32 v25, v23;
	v30 =	vbroadcast v63, $0xF  }
0x228: {  	v28 =	vsel vm3, v32, v28;
	v61 =	vsel vm2, v25, v23;
	v62 =	vsel vm2, v26, v60  }
0x229: {  	v41 =	vsel vm1, v37, v59;
	(xrf1) =	vsort.dscd.msk.f32 $0xffff, v61, v62;
	v46 =	vsub.f32 v36, v30  }
0x22a: {  	v23 =	vsel vm2, v23, v25;
	v26 =	vsel vm2, v60, v26;
	vm1 =	vgt.f32 v28, v24  }
0x22b: {  	v25 =	vsel vm3, v38, v33;
	vm2 =	vmmov vm1;
	(xrf1) =	vsort.dscd.msk.f32 $0xffff, v23, v26;
	v26 =	vmul.f32 $1.442695020e+00, v46;
	v49, _, _ =	vpop (xrf0)  }
0x22c: {  	v50 =	vsel vm1, v41, v25;
	v51 =	vsel vm2, v24, v28;
	v52, _, _ =	vpop (xrf2);
	v27 =	vbroadcast v49, $0xF  }
0x22d: {  	v24 =	vsel vm2, v28, v24;
	v53 =	vbroadcast v52, $0xF;
	(erf) = vpow2.f32 v26  }
0x22e: {  	v23 =	vsel vm2, v25, v41;
	(xrf1) =	vsort.dscd.msk.f32 $0xffff, v51, v50;
	v27 =	vsub.f32 v58, v27;
	v54, _, _ =	vpop (xrf2)  }
0x22f: {  	(xrf1) =	vsort.dscd.msk.f32 $0xffff, v24, v23;
	(erf) = vrcp.f32 v53;
	v55 =	vbroadcast v54, $0xF  }
0x230: {  	v56 =	vmul.f32 $1.442695020e+00, v27  }
0x231: {  	(erf) = vrcp.f32 v55  }
0x232: {  	(erf) = vpow2.f32 v56  }
0x233: {  	v58, v57, _ =	vpop (xrf1)  }
0x234: {  	v60, v59, _ =	vpop (xrf1)  }
0x235: {  	v62, v61, _ =	vpop (xrf1)  }
0x236: {  	v46 =	vpop (erf)  }
0x237: {  	v63, v31, _ =	vpop (xrf1)  }
0x238: {  	v29 =	vperm.xlane v29, v4;
	v36 =	vpop (erf)  }
0x239: {  	_, v32, _ =	vpop (xrf1)  }
0x23a: {  	vm1 =	vgt.f32 v39, v29;
	v37 =	vpop (erf)  }
0x23b: {  	v25 =	vperm.xlane v60, v4;
	v33 =	vnsel vm0, $0x0, v46;
	v27 =	vperm.xlane v62, v4;
	(xrf0) =	vmax.scan.msk.f32 $0xffff, v63;
	v49 =	vpop (erf)  }
0x23c: {  	v29 =	vsel vm1, v39, v29;
	v26 =	vperm.xlane v59, v4;
	(xrf2) =	vadd.scan.msk.f32 $0xffff, v33;
	_, v39, _ =	vpop (xrf1);
	v38 =	vnsel vm0, $0x0, v49  }
0x23d: {  	v28 =	vperm.xlane v61, v4;
	vm2 =	vgt.f32 v44, v25;
	vm3 =	vgt.f32 v58, v27;
	v50, v41, _ =	vpop (xrf1);
	(xrf2) =	vadd.scan.msk.f32 $0xffff, v38  }
0x23e: {  	v51 =	vperm.xlane v35, v4;
	v25 =	vsel vm2, v44, v25;
	v23 =	vsel vm3, v58, v27;
	(xrf0) =	vmax.scan.msk.f32 $0xffff, v50  }
0x23f: {  	v26 =	vsel vm2, v47, v26;
	v24 =	vsel vm3, v57, v28;
	vm2 =	vgt.f32 v25, v23  }
0x240: {  	v52 =	vperm.xlane v45, v4;
	v53 =	vsel vm2, v25, v23;
	v54 =	vsel vm2, v26, v24  }
0x241: {  	v23 =	vsel vm2, v23, v25;
	v24 =	vsel vm2, v24, v26;
	(xrf1) =	vsort.dscd.msk.f32 $0xffff, v53, v54;
	v55, _, _ =	vpop (xrf0)  }
0x242: {  	v56 =	vperm.xlane v48, v4;
	vm3 =	vgt.f32 v34, v52;
	(xrf1) =	vsort.dscd.msk.f32 $0xffff, v23, v24;
	v26 =	vbroadcast v55, $0xF  }
0x243: {  	v58 =	vsel vm1, v43, v51;
	v57 =	vsel vm3, v34, v52  }
0x244: {  	v59 =	vsel vm3, v42, v56;
	vm1 =	vgt.f32 v57, v29;
	v60 =	vsub.f32 v63, v26;
	v61, _, _ =	vpop (xrf0)  }
0x245: {  	vm2 =	vmmov vm1;
	v27 =	vsel vm1, v58, v59;
	v26 =	vbroadcast v61, $0xF  }
0x246: {  	v62 =	vsel vm2, v29, v57;
	v23 =	vsel vm2, v59, v58;
	v63, _, _ =	vpop (xrf2);
	v25 =	vmul.f32 $1.442695020e+00, v60  }
0x247: {  	v40 =	vsel vm2, v57, v29;
	(xrf1) =	vsort.dscd.msk.f32 $0xffff, v62, v27;
	v34 =	vbroadcast v63, $0xF;
	v26 =	vsub.f32 v50, v26;
	v35, _, _ =	vpop (xrf2)  }
0x248: {  	(xrf1) =	vsort.dscd.msk.f32 $0xffff, v40, v23;
	(erf) = vpow2.f32 v25;
	v42 =	vbroadcast v35, $0xF  }
0x249: {  	(erf) = vrcp.f32 v34;
	v43 =	vmul.f32 $1.442695020e+00, v26  }
0x24a: {  	(erf) = vrcp.f32 v42  }
0x24b: {  	(erf) = vpow2.f32 v43;
	_ =	sdelay $0x3  }
0x24c: {  	v44, v24, _ =	vpop (xrf1)  }
0x24d: {  	_, v45, _ =	vpop (xrf1)  }
0x24e: {  	v46 =	vpop (erf)  }
0x24f: {  	v27 =	vpop (erf)  }
0x250: {  	v47 =	vpop (erf)  }
0x251: {  	(xrf0) =	vmax.scan.msk.f32 $0xffff, v44;
	v26 =	vnsel vm0, $0x0, v46;
	v48 =	vpop (erf)  }
0x252: {  	_, v49, _ =	vpop (xrf1);
	(xrf2) =	vadd.scan.msk.f32 $0xffff, v26;
	v29 =	vnsel vm0, $0x0, v48  }
0x253: {  	v51, v50, _ =	vpop (xrf1);
	(xrf2) =	vadd.scan.msk.f32 $0xffff, v29  }
0x254: {  	(xrf0) =	vmax.scan.msk.f32 $0xffff, v51;
	_ =	sdelay $0x2  }
0x255: {  	v52, _, _ =	vpop (xrf0)  }
0x256: {  	v40 =	vbroadcast v52, $0xF;
	_ =	sdelay $0x1  }
0x257: {  	v23 =	vsub.f32 v44, v40;
	v53, _, _ =	vpop (xrf0)  }
0x258: {  	v40 =	vbroadcast v53, $0xF  }
0x259: {  	v23 =	vmul.f32 $1.442695020e+00, v23;
	v54, _, _ =	vpop (xrf2)  }
0x25a: {  	v34 =	vsub.f32 v51, v40;
	v42 =	vbroadcast v54, $0xF;
	v55, _, _ =	vpop (xrf2)  }
0x25b: {  	(erf) = vpow2.f32 v23;
	v56 =	vbroadcast v55, $0xF  }
0x25c: {  	v34 =	vmul.f32 $1.442695020e+00, v34;
	(erf) = vrcp.f32 v42  }
0x25d: {  	(erf) = vrcp.f32 v56  }
0x25e: {  	(erf) = vpow2.f32 v34;
	_ =	sdelay $0x5  }
0x25f: {  	v57 =	vpop (erf)  }
0x260: {  	v58 =	vpop (erf)  }
0x261: {  	v59 =	vpop (erf)  }
0x262: {  	[tilespmem:s16+$0xB010] =	vst v12;
	v60 =	vnsel vm0, $0x0, v57;
	v61 =	vpop (erf)  }
0x263: {  	[tilespmem:s16+$0xB000] =	vst v8;
	v5 =	vmul.f32 v13, v5;
	(xrf2) =	vadd.scan.msk.f32 $0xffff, v60;
	v62 =	vnsel vm0, $0x0, v61  }
0x264: {  	[tilespmem:s16+$0xB090] =	vst v14;
	v6 =	vmul.f32 v10, v6;
	(xrf2) =	vadd.scan.msk.f32 $0xffff, v62  }
0x265: {  	[tilespmem:s14+$0x5800] =	vst v5  }
0x266: {  	[tilespmem:s14+$0x5880] =	vst v6  }
0x267: {  	[tilespmem:s16+$0xB080] =	vst v9  }
0x268: {  	[tilespmem:s17+$0xB000] =	vst v15  }
0x269: {  	v5 =	vmul.f32 v18, v7;
	[tilespmem:s17+$0xB010] =	vst v17  }
0x26a: {  	[tilespmem:s17+$0xB090] =	vst v16;
	v6 =	vmul.f32 v19, v11  }
0x26b: {  	[tilespmem:s15+$0x5800] =	vst v5  }
0x26c: {  	[tilespmem:s15+$0x5880] =	vst v6  }
0x26d: {  	[tilespmem:s17+$0xB080] =	vst v22;
	v5, _, _ =	vpop (xrf2)  }
0x26e: {  	[tilespmem:s18+$0xB000] =	vst v31;
	v5 =	vbroadcast v5, $0xF;
	v6, _, _ =	vpop (xrf2)  }
0x26f: {  	v7 =	vmul.f32 v36, v20;
	[tilespmem:s18+$0xB010] =	vst v32;
	v6 =	vbroadcast v6, $0xF  }
0x270: {  	[tilespmem:s18+$0xB090] =	vst v39;
	v63 =	vmul.f32 v37, v21;
	(erf) = vrcp.f32 v5  }
0x271: {  	[tilespmem:s16+$0x5800] =	vst v7;
	(erf) = vrcp.f32 v6  }
0x272: {  	[tilespmem:s16+$0x5880] =	vst v63  }
0x273: {  	[tilespmem:s18+$0xB080] =	vst v41  }
0x274: {  	[tilespmem:s19+$0xB000] =	vst v24  }
0x275: {  	[tilespmem:s19+$0xB010] =	vst v45;
	v5 =	vmul.f32 v27, v33  }
0x276: {  	[tilespmem:s19+$0xB090] =	vst v49;
	v6 =	vmul.f32 v47, v38  }
0x277: {  	[tilespmem:s17+$0x5800] =	vst v5  }
0x278: {  	v5 =	vmul.f32 v58, v26;
	[tilespmem:s17+$0x5880] =	vst v6  }
0x279: {  	v7 =	vpop (erf);
	v6 =	vmul.f32 v59, v29;
	[tilespmem:s19+$0xB080] =	vst v50  }
0x27a: {  	[tilespmem:s18+$0x5800] =	vst v5;
	v5 =	vmul.f32 v7, v60;
	v7 =	vpop (erf)  }
0x27b: {  	[tilespmem:s18+$0x5880] =	vst v6;
	v6 =	vmul.f32 v7, v62  }
0x27c: {  	[tilespmem:s19+$0x5800] =	vst v5  }
0x27d: {  	[tilespmem:s19+$0x5880] =	vst v6  }
0x27e: {  	[hbm4b:s7+s2] =	stream.linear.scatter [tilespmem:s11], [sflag:$0x1], $0x5800, $0x38;
	[tilespmem:$0x10800] =	vst v63  }
0x27f: {  	s13 =	sadd.s32 $0x1, s13;
	_ =	swait.ge [sflag:s10], $0x5800  }
0x280: {  	p0 =	sne.s32 s13, s9;
	[sflag:s10] =	ssyncset.done $0x0  }
.Ltmp2:
0x281: {  	[sflag:s10] =	ssyncadd.s32 $0xFFFFA800;
	(pc) =	sbr.rel @p0 .LBB2_1-.Ltmp2, $4  }
0x282: {  	[hbm4b:s8+s2] =	stream.linear.scatter [tilespmem:s12], [sflag:$0x1], $0x5800, $0x38;
	[tilespmem:$0x10800] =	vst v63  }
0x283: {  	_ =	swait.ge [sflag:s10], $0x5800  }
0x284: {  	[sflag:s10] =	ssyncset.done $0x0  }
0x285: {  	[sflag:s10] =	ssyncadd.s32 $0xFFFFA800  }
0x286: {  	_ =	sfence.sel $0x180000  }
0x287: {  	[bflag:$0x0] =	sbarrier.arrive $0xFFFF  }
0x288: {  	p0 =	sne.s32 s1, $0x0;
	_ =	strace $0x90000047  }
0x289: {  	s0 =	sadd.s32 @!p0 $0x100000, s0;
	[bflag:$0x2] =	sbarrier.arrive $0xFFFF  }
0x28a: {  	[sflag:s0] =	ssyncadd.tile.s32 @!p0 $0x1;
	_ =	shalt  }
.Lfunc_end2:
_tile_overlayer_lowered:
.L_overlay_start_2:
0x28b: {  	(tag) =	ssettag $0x2  }
0x28c: {  	s0 =	rddreg [dreg:$0x0];
	s2 =	stileid.u32  }
0x28d: {  	s1 =	rddreg [dreg:$0x1];
	p0 =	sne.s32 s2, $0x0  }
0x28e: {  	s3 =	rddreg [dreg:$0x2];
	[bflag:$0x3] =	sbarrier.arrive $0xFFFF;
	s2 =	simm.s32 @!p0 $0x1C01  }
0x28f: {  	[timem:s3], [sflag:s2] =	dma.local @!p0 [hbm:s0], s1  }
0x290: {  	s0 =	simm.s32 @!p0 $0x1  }
0x291: {  	_ =	swait.ge @!p0 [sflag:s0], s1  }
0x292: {  	s1 =	ssub.s32 @!p0 $0x0, s1;
	[sflag:s0] =	ssyncset.done @!p0 $0x0  }
0x293: {  	[sflag:s0] =	ssyncadd.s32 @!p0 s1  }
0x294: {  	[bflag:$0x3] =	sbarrier.arrive $0xFFFF  }
0x295: {  	_ =	shalt  }

// kernel: kernel.9.cloned.1.call-start
scs
__scs_entry_jumppad:
0x0: {  	(pc) =	sbr.rel $0x88, $3  }
0x1: {  	(tag) =	ssettag $0x0;
	lr =	simm.s32 $0x1  }
0x2: {  	[smem:$0x3F9F] =	sst lr;
	_ =	strace $0xD0000000  }
0x3: {  	_ = 	snop  }
0x4: {  	_ = 	snop  }
0x5: {  	_ = 	snop  }
0x6: {  	_ = 	snop  }
0x7: {  	_ = 	snop  }
__scs_overlays_trampoline_lowered:
0x8: {  	[smem:$0x3FAE] =	sst s0  }
0x9: {  	[smem:$0x3FAF] =	sst s1  }
0xa: {  	[smem:$0x3FB0] =	sst s2  }
0xb: {  	[smem:$0x3FB1] =	sst s3  }
0xc: {  	[smem:$0x3FB2] =	sst s4  }
0xd: {  	[smem:$0x3FB3] =	sst s5  }
0xe: {  	[smem:$0x3FB4] =	sst s6  }
0xf: {  	[smem:$0x3FB5] =	sst s7  }
0x10: {  	[smem:$0x3FB6] =	sst s8  }
0x11: {  	[smem:$0x3FB7] =	sst s9;
	s0 =	simm.s32 @!p0 $0x0  }
0x12: {  	s1 =	sld [smem:$0x3F9D];
	s0 =	simm.s32 @p0 $0x1  }
0x13: {  	[smem:$0x3FB8] =	sst s0;
	s0 =	simm.s32 @!p1 $0x0  }
0x14: {  	s2 =	sld [smem:$0x3F9C];
	s0 =	simm.s32 @p1 $0x1  }
0x15: {  	[smem:$0x3FB9] =	sst s0;
	s0 =	simm.s32 @!p2 $0x0  }
0x16: {  	s3 =	sld [smem:$0x3FDB];
	s0 =	simm.s32 @p2 $0x1  }
0x17: {  	s4 =	simm.s32 $0x1BF5;
	[smem:$0x3FBB] =	sst s0  }
0x18: {  	s0 =	sld [smem:$0x3F9E];
	_ =	swait.ge [sflag:s4], $0x0  }
0x19: {  	s7 =	sld [smem:$0x3F9F]  }
0x1a: {  	s8 =	sadd.s32 $0xFFFFE003, lr  }
0x1b: {  	s9 =	sadd.s32 $0xFFFFFEF7, lr;
	s5 =	simm.s32 $0xFFFFFFFF;
	p2 =	slt.u32 s8, $0xFFFFF086  }
0x1c: {  	p1 =	slt.u32 s9, $0xF7A;
	s5 =	simm.s32 @!p2 $0x0  }
0x1d: {  	s5 =	simm.s32 @p1 $0x1;
	p0 =	seq.s32 s7, s2  }
0x1e: {  	s7 =	smul.u32 @!p0 $0xF7A, s2;
	p2 =	seq.s32 @!p0 s5, $0x0  }
0x1f: {  	s9 =	smul.u32 $0xF7A, s1;
	s8 =	simm.s32 @!p0 $0x1BF5;
	p2 =	por !p2, p0  }
0x20: {  	[sflag:s8] =	ssyncset.s32 @!p0 $0xFFFFF086;
	s6 =	sadd.s32 @!p0 s3, s7;
	s7 =	simm.s32 @!p0 $0x108  }
0x21: {  	s3 =	sadd.s32 s3, s9;
	s6 =	sadd.s32 @!p0 $0x88, s6;
	s7 =	simm.s32 @p2 $0x1082  }
0x22: {  	[simem:s7], [sflag:s8] =	dma.local @!p0 [hbm:s6], $0xF7A  }
0x23: {  	s9 =	sor.u32 $0xD0000000, s2;
	s6 =	simm.s32 $0x108;
	_ =	swait.ge @!p0 [sflag:s8], $0x0  }
0x24: {  	s3 =	sadd.s32 $0x88, s3;
	s6 =	simm.s32 @!p1 $0x1082;
	[sflag:s4] =	ssyncset.s32 $0xFFFFF086  }
0x25: {  	[simem:s6], [sflag:s4] =	dma.local [hbm:s3], $0xF7A  }
0x26: {  	[smem:$0x3F9F] =	sst s1;
	(tag) =	ssettag s2;
	_ =	strace s9  }
0x27: {  	s1 =	sld [smem:$0x3FAF]  }
0x28: {  	s2 =	sld [smem:$0x3FB0]  }
0x29: {  	s4 =	sld [smem:$0x3FB2]  }
0x2a: {  	p0 =	seq.s32 s5, $0x0;
	s5 =	sld [smem:$0x3FB3]  }
0x2b: {  	s6 =	sld [smem:$0x3FB4]  }
0x2c: {  	s7 =	sld [smem:$0x3FB5]  }
0x2d: {  	s3 =	simm.s32 $0x108;
	s8 =	sld [smem:$0x3FB6]  }
0x2e: {  	s3 =	simm.s32 @!p0 $0x1082;
	s9 =	sld [smem:$0x3FB7]  }
0x2f: {  	lr =	sadd.s32 s0, s3;
	s0 =	sld [smem:$0x3FAE]  }
0x30: {  	s3 =	sld [smem:$0x3FB1]  }
0x31: {  	[smem:$0x3FBA] =	sst s10  }
0x32: {  	s10 =	sld [smem:$0x3FB8];
	_ =	sdelay $0x3  }
0x33: {  	p0 =	seq.s32 s10, $0x1;
	s10 =	sld [smem:$0x3FBA];
	_ =	sdelay $0x3  }
0x34: {  	[smem:$0x3FBA] =	sst s10  }
0x35: {  	s10 =	sld [smem:$0x3FB9];
	_ =	sdelay $0x3  }
0x36: {  	p1 =	seq.s32 s10, $0x1;
	s10 =	sld [smem:$0x3FBA];
	_ =	sdelay $0x3  }
0x37: {  	[smem:$0x3FBA] =	sst s10  }
0x38: {  	s10 =	sld [smem:$0x3FBB]  }
0x39: {  	_ = 	snop;
	(pc) =	sbr.ind lr, $3  }
0x3a: {  	_ = 	snop  }
0x3b: {  	_ = 	snop  }
0x3c: {  	p2 =	seq.s32 s10, $0x1;
	s10 =	sld [smem:$0x3FBA]  }
0x3d: {  	_ =	shalt  }
0x3e: {  	_ =	shalt  }
0x3f: {  	_ =	shalt  }
0x40: {  	_ =	shalt  }
0x41: {  	_ =	shalt  }
0x42: {  	_ =	shalt  }
0x43: {  	_ =	shalt  }
0x44: {  	_ =	shalt  }
0x45: {  	_ =	shalt  }
0x46: {  	_ =	shalt  }
0x47: {  	_ =	shalt  }
0x48: {  	_ =	shalt  }
0x49: {  	_ =	shalt  }
0x4a: {  	_ =	shalt  }
0x4b: {  	_ =	shalt  }
0x4c: {  	_ =	shalt  }
0x4d: {  	_ =	shalt  }
0x4e: {  	_ =	shalt  }
0x4f: {  	_ =	shalt  }
0x50: {  	_ =	shalt  }
0x51: {  	_ =	shalt  }
0x52: {  	_ =	shalt  }
0x53: {  	_ =	shalt  }
0x54: {  	_ =	shalt  }
0x55: {  	_ =	shalt  }
0x56: {  	_ =	shalt  }
0x57: {  	_ =	shalt  }
0x58: {  	_ =	shalt  }
0x59: {  	_ =	shalt  }
0x5a: {  	_ =	shalt  }
0x5b: {  	_ =	shalt  }
0x5c: {  	_ =	shalt  }
0x5d: {  	_ =	shalt  }
0x5e: {  	_ =	shalt  }
0x5f: {  	_ =	shalt  }
0x60: {  	_ =	shalt  }
0x61: {  	_ =	shalt  }
0x62: {  	_ =	shalt  }
0x63: {  	_ =	shalt  }
0x64: {  	_ =	shalt  }
0x65: {  	_ =	shalt  }
0x66: {  	_ =	shalt  }
0x67: {  	_ =	shalt  }
0x68: {  	_ =	shalt  }
0x69: {  	_ =	shalt  }
0x6a: {  	_ =	shalt  }
0x6b: {  	_ =	shalt  }
0x6c: {  	_ =	shalt  }
0x6d: {  	_ =	shalt  }
0x6e: {  	_ =	shalt  }
0x6f: {  	_ =	shalt  }
0x70: {  	_ =	shalt  }
0x71: {  	_ =	shalt  }
0x72: {  	_ =	shalt  }
0x73: {  	_ =	shalt  }
0x74: {  	_ =	shalt  }
0x75: {  	_ =	shalt  }
0x76: {  	_ =	shalt  }
0x77: {  	_ =	shalt  }
0x78: {  	_ =	shalt  }
0x79: {  	_ =	shalt  }
0x7a: {  	_ =	shalt  }
0x7b: {  	_ =	shalt  }
0x7c: {  	_ =	shalt  }
0x7d: {  	_ =	shalt  }
0x7e: {  	_ =	shalt  }
0x7f: {  	_ =	shalt  }
0x80: {  	_ =	shalt  }
0x81: {  	_ =	shalt  }
0x82: {  	_ =	shalt  }
0x83: {  	_ =	shalt  }
0x84: {  	_ =	shalt  }
0x85: {  	_ =	shalt  }
0x86: {  	_ =	shalt  }
0x87: {  	_ =	shalt  }
.Lfunc_end0:
.L_simem_size_0:
called_computation.1_lowered:
.L_overlay_start_0:
0x88: {  	s2 =	sld [smem:$0x3FD9]  }
0x89: {  	s3 =	sld [smem:$0x3FFE];
	_ =	sdelay $0x1  }
0x8a: {  	s1 =	srdreg.scid  }
0x8b: {  	s0 =	sand.u32 $0x1, s1  }
0x8c: {  	s17 =	sshll.u32 s0, $0xA;
	s2 =	sadd.s32 s3, s2  }
0x8d: {  	s2 =	sadd.s32 s2, s17  }
0x8e: {  	[smem:$0x3FC6] =	sst s2  }
0x8f: {  	_ = 	snop  }
0x90: {  	(tm) =	ssettm $0x1  }
0x91: {  	s18 =	sld [smem:$0x3FFB];
	_ =	sdelay $0x3  }
0x92: {  	_ =	strace s18  }
0x93: {  	s2 =	sld [smem:$0x3FFC];
	_ =	sdelay $0x3  }
0x94: {  	_ =	strace s2  }
0x95: {  	s2 =	sld [smem:$0x3FFD];
	_ =	sdelay $0x3  }
0x96: {  	_ =	strace s2  }
0x97: {  	_ =	strace $0x8FFFFFFF  }
0x98: {  	s19 =	sld [smem:$0x3FDB];
	_ =	sdelay $0x1  }
0x99: {  	s20 =	simm.s32 $_scs_section_size  }
0x9a: {  	s4 =	simm.s32 $_size__tile_overlayer_lowered;
	s5 =	simm.s32 $_tile_overlayer_lowered  }
0x9b: {  	s6 =	simm.s32 $0x1BFF;
	s21 =	sshll.u32 s5, $0x1;
	s3 =	sadd.s32 s20, s19  }
0x9c: {  	s22 =	simm.s32 $0x0;
	s4 =	sshll.u32 s4, $0x1;
	s5 =	sadd.s32 s21, s3  }
0x9d: {  	[timem:s22], [sflag:s6] =	dma.local [hbm:s5], s4  }
0x9e: {  	_ =	swait.ge [sflag:s6], s4  }
0x9f: {  	s4 =	ssub.s32 $0x0, s4;
	[sflag:s6] =	ssyncset.done $0x0  }
0xa0: {  	[sflag:s6] =	ssyncadd.s32 s4;
	_ =	sdelay $0x1  }
0xa1: {  	s23 =	simm.s32 $0x1B8B  }
0xa2: {  	_ =	swait.ge [sflag:s23], $0x1  }
0xa3: {  	[sflag:s23] =	ssyncset.done $0x0  }
0xa4: {  	[sflag:s23] =	ssyncadd.s32 $0xFFFFFFFF  }
0xa5: {  	s4 =	sld [smem:$0x0]  }
0xa6: {  	s5 =	sand.u32 $0xFFFFFFFE, s1  }
0xa7: {  	p0 =	sne.s32 s1, s5  }
0xa8: {  	s5 =	sshll.u32 @p0 s5, $0xE  }
0xa9: {  	s5 =	sadd.s32 @p0 $0x11B8D, s5;
	s6 =	sshll.u32 @p0 s4, $0x11  }
0xaa: {  	s5 =	sor.u32 @p0 s6, s5  }
0xab: {  	[sflag:s5] =	ssyncadd.remote.s32 @p0 $0x1;
	_ =	sdelay $0x1  }
0xac: {  	s5 =	simm.s32 @p0 $0x1B8D  }
0xad: {  	_ =	swait.eq @p0 [sflag:s5], $0x1  }
0xae: {  	[sflag:s5] =	ssyncadd.s32 @p0 $0xFFFFFFFF  }
0xaf: {  	s6 =	sshll.u32 @!p0 s1, $0xE  }
0xb0: {  	s6 =	sor.u32 @!p0 $0x4000, s6;
	s5 =	simm.s32 @!p0 $0x1B8D  }
0xb1: {  	s4 =	sshll.u32 @!p0 s4, $0x11;
	s6 =	sadd.s32 @!p0 $0x11B8D, s6;
	_ =	swait.eq @!p0 [sflag:s5], $0x1  }
0xb2: {  	s4 =	sor.u32 @!p0 s4, s6;
	[sflag:s5] =	ssyncadd.s32 @!p0 $0xFFFFFFFF  }
0xb3: {  	s25 =	simm.s32 $0x1B8E;
	s24 =	sld [smem:$0x3FFE];
	[sflag:s4] =	ssyncadd.remote.s32 @!p0 $0x1  }
0xb4: {  	s26 =	simm.s32 $execute0_lowered;
	[smem:$0x3FD2] =	sst s25  }
0xb5: {  	s5 =	sshll.u32 s26, $0x1;
	_ =	strace $0x80000049;
	[dreg:$0x1] =	wrdreg $0xFFFFFFFF  }
0xb6: {  	s28 =	simm.s32 $_size_execute0_lowered;
	s3 =	sadd.s32 s3, s5;
	[dreg:$0x0] =	wrdreg $0x0  }
0xb7: {  	s5 =	sshll.u32 s28, $0x1;
	[dreg:$0x2] =	wrdreg s3  }
0xb8: {  	[dreg:$0x3] =	wrdreg s5  }
0xb9: {  	[dreg:$0x4] =	wrdreg $0xC0  }
0xba: {  	_ =	task [dreg:s22], $0x5FFFF  }
0xbb: {  	[dreg:$0x1] =	wrdreg $0xFFFFFFFF  }
0xbc: {  	[dreg:$0x0] =	wrdreg $0x60  }
0xbd: {  	[dreg:$0x2] =	wrdreg s24  }
0xbe: {  	[dreg:$0x3] =	wrdreg $0xA  }
0xbf: {  	_ =	task.clear_ibuf [dreg:s22], $0x4FFFF;
	_ =	strace $0x90000049  }
0xc0: {  	s29 =	simm.s32 $0xA;
	_ =	strace $0x8000004B  }
0xc1: {  	_ =	swait.ge [sflag:s29], $0x1  }
0xc2: {  	[sflag:s29] =	ssyncadd.s32 $0xFFFFFFFF  }
0xc3: {  	_ =	strace $0x9000004B  }
0xc4: {  	_ =	sfence  }
0xc5: {  	s30 =	sld [smem:$0x0];
	_ =	sdelay $0x2  }
0xc6: {  	s31 =	sshll.u32 s1, $0xD;
	s1 =	sshrl.u32 s1, $0x2  }
0xc7: {  	s4 =	sand.u32 $0x4000, s31;
	s1 =	sadd.s32 s1, s30  }
0xc8: {  	s0 =	sor.u32 s4, s0;
	s1 =	sshll.u32 s1, $0x11  }
0xc9: {  	s0 =	sor.u32 s1, s0  }
0xca: {  	s0 =	sadd.s32 $0x8F2B, s0  }
0xcb: {  	[sflag:s0] =	ssyncadd.remote.s32 $0x1  }
0xcc: {  	_ =	sfence.sel $0xFFFF  }
0xcd: {  	[dreg:$0x0] =	wrdreg $0xFFFFFFFF;
	(pc) =	sbr.abs _section_cstart, $3  }
0xce: {  	[dreg:$0x1] =	wrdreg $0xFFFFFFFF  }
0xcf: {  	_ =	task.clear_ibuf [dreg:s22], $0x2FFFF;
	_ =	strace $0x9FFFFFFF  }
0xd0: {  	(tm) =	ssettm $0x7FFFFFFF  }
0xd1: {  	_ =	shalt  }
tec
execute0_lowered:
.L_overlay_start_1:
0x0: {  	(tag) =	ssettag $0x1  }
0x1: {  	s1 =	srdreg.scid;
	s0 =	stileid.u32  }
0x2: {  	s4 =	rddreg [dreg:$0x0];
	s2 =	simm.s32 $0x0;
	s7 =	simm.s32 $0x1  }
0x3: {  	s8 =	simm.s32 $0x5000;
	s3 =	sand.u32 $0x1, s1;
	s30 =	sshll.u32 s0, $0x1  }
0x4: {  	s9 =	simm.s32 $0xA000;
	s5 =	sor.u32 s3, s30;
	s3 =	ssub.s32 $0x2, s3  }
0x5: {  	v0 =	vlaneseq.u32;
	s1 =	rddreg [dreg:$0x1];
	s5 =	smul.u32 $0xA00, s5;
	s31 =	sshrl.u32 s3, $0x1  }
0x6: {  	s10 =	simm.s32 $0x0;
	[smem:$0x7FF] =	sst s2;
	v4 =	vmul.u32 $0xFFFFFFFF, v0;
	s6 =	ssub.s32 s3, s31  }
0x7: {  	vm0 =	vmmov $0xff;
	v1 =	vor.u32 $0x10, v0;
	_ =	strace $0x8000004A;
	s5 =	sadd.s32 s5, s4;
	s6 =	smax.u32 s6, $0x1  }
0x8: {  	v2 =	vor.u32 $0x20, v0;
	v3 =	vor.u32 $0x30, v0;
	v4 =	vadd.s32 $0xF, v4;
	s3 =	sadd.s32 $0x86200, s5;
	s4 =	sadd.s32 $0xAE200, s5;
	s5 =	sadd.s32 $0x9A200, s5  }
.LBB2_1:
0x9: {  	[tilespmem:s2], [sflag:$0x1] =	stream.linear.gather [hbm4b:s3+s2], $0x5000, $0x38;
	[tilespmem:$0xF000] =	vst v63  }
0xa: {  	_ =	swait.ge [sflag:s7], $0x5000  }
0xb: {  	[sflag:s7] =	ssyncset.done $0x0  }
0xc: {  	s11 =	simm.s32 $0x0;
	[sflag:s7] =	ssyncadd.s32 $0xFFFFB000  }
0xd: {  	v5 =	vld [tilespmem:s11+$0x30]  }
0xe: {  	v6 =	vld [tilespmem:s11+$0xB0]  }
0xf: {  	v7 =	vld [tilespmem:s11+$0x10]  }
0x10: {  	v8 =	vld [tilespmem:s11+$0x90]  }
0x11: {  	v9 =	vld [tilespmem:s11+$0x80]  }
0x12: {  	v10 =	vld [tilespmem:s11+$0x0];
	(xrf1) =	vsort.dscd.msk.f32 $0xffff, v5, v3  }
0x13: {  	(xrf1) =	vsort.dscd.msk.f32 $0xffff, v6, v3  }
0x14: {  	(xrf1) =	vsort.dscd.msk.f32 $0xffff, v7, v1  }
0x15: {  	(xrf1) =	vsort.dscd.msk.f32 $0xffff, v8, v1  }
0x16: {  	(xrf1) =	vsort.dscd.msk.f32 $0xffff, v9, v0  }
0x17: {  	v5 =	vld [tilespmem:s11+$0x20];
	(xrf1) =	vsort.dscd.msk.f32 $0xffff, v10, v0  }
0x18: {  	v6 =	vld [tilespmem:s11+$0xA0];
	_ =	sdelay $0x3  }
0x19: {  	(xrf1) =	vsort.dscd.msk.f32 $0xffff, v5, v2  }
0x1a: {  	(xrf1) =	vsort.dscd.msk.f32 $0xffff, v6, v2;
	_ =	sdelay $0x2  }
0x1b: {  	v5, v6, _ =	vpop (xrf1)  }
0x1c: {  	v7, v8, _ =	vpop (xrf1)  }
0x1d: {  	s12 =	simm.s32 $0x100;
	v9, v10, _ =	vpop (xrf1)  }
0x1e: {  	v11 =	vld [tilespmem:s12+$0x30];
	v12, v13, _ =	vpop (xrf1)  }
0x1f: {  	v9 =	vperm.xlane v9, v4;
	v15, v16, _ =	vpop (xrf1)  }
0x20: {  	v14 =	vld [tilespmem:s12+$0xB0];
	v18, v19, _ =	vpop (xrf1)  }
0x21: {  	v10 =	vperm.xlane v10, v4;
	vm1 =	vgt.f32 v18, v9  }
0x22: {  	v17 =	vld [tilespmem:s12+$0x10];
	v21 =	vsel vm1, v18, v9  }
0x23: {  	v20 =	vld [tilespmem:s12+$0x90];
	(xrf1) =	vsort.dscd.msk.f32 $0xffff, v11, v3;
	v11 =	vsel vm1, v19, v10;
	_ =	sdelay $0x1  }
0x24: {  	v22 =	vld [tilespmem:s12+$0x80];
	v7 =	vperm.xlane v7, v4;
	(xrf1) =	vsort.dscd.msk.f32 $0xffff, v14, v3;
	v14, v23, _ =	vpop (xrf1)  }
0x25: {  	v24 =	vld [tilespmem:s12+$0x0];
	v8 =	vperm.xlane v8, v4;
	(xrf1) =	vsort.dscd.msk.f32 $0xffff, v21, v11;
	v11, v21, _ =	vpop (xrf1)  }
0x26: {  	(xrf1) =	vsort.dscd.msk.f32 $0xffff, v17, v1;
	vm2 =	vgt.f32 v11, v7  }
0x27: {  	(xrf1) =	vsort.dscd.msk.f32 $0xffff, v20, v1;
	v17 =	vsel vm2, v21, v8;
	v20 =	vsel vm2, v11, v7  }
0x28: {  	v12 =	vperm.xlane v12, v4;
	(xrf1) =	vsort.dscd.msk.f32 $0xffff, v20, v17  }
0x29: {  	v13 =	vperm.xlane v13, v4;
	(xrf1) =	vsort.dscd.msk.f32 $0xffff, v22, v0  }
0x2a: {  	vm3 =	vgt.f32 v15, v12;
	v17 =	vld [tilespmem:s12+$0x20];
	(xrf1) =	vsort.dscd.msk.f32 $0xffff, v24, v0  }
0x2b: {  	v20 =	vld [tilespmem:s12+$0xA0];
	v22 =	vsel vm3, v13, v16;
	v24 =	vsel vm3, v12, v15  }
0x2c: {  	v13 =	vsel vm3, v16, v13;
	v12 =	vsel vm3, v15, v12;
	(xrf1) =	vsort.dscd.msk.f32 $0xffff, v24, v22  }
0x2d: {  	v7 =	vsel vm2, v7, v11;
	v8 =	vsel vm2, v8, v21;
	(xrf1) =	vsort.dscd.msk.f32 $0xffff, v12, v13  }
0x2e: {  	(xrf1) =	vsort.dscd.msk.f32 $0xffff, v7, v8  }
0x2f: {  	v5 =	vperm.xlane v5, v4;
	(xrf1) =	vsort.dscd.msk.f32 $0xffff, v17, v2  }
0x30: {  	v6 =	vperm.xlane v6, v4;
	(xrf1) =	vsort.dscd.msk.f32 $0xffff, v20, v2  }
0x31: {  	v8, v11, _ =	vpop (xrf1);
	v7 =	vsel vm1, v9, v18;
	v9 =	vsel vm1, v10, v19;
	vm1 =	vgt.f32 v14, v5  }
0x32: {  	v12, v13, _ =	vpop (xrf1);
	v19 =	vsel vm1, v6, v23  }
0x33: {  	v18 =	vsel vm1, v5, v14;
	v15, v16, _ =	vpop (xrf1)  }
0x34: {  	v6 =	vsel vm1, v23, v6;
	v10, v17, _ =	vpop (xrf1)  }
0x35: {  	v5 =	vsel vm1, v14, v5;
	(xrf1) =	vsort.dscd.msk.f32 $0xffff, v7, v9;
	v7, v9, _ =	vpop (xrf1)  }
0x36: {  	s13 =	simm.s32 $0x200;
	(xrf1) =	vsort.dscd.msk.f32 $0xffff, v18, v19;
	v18, v19, _ =	vpop (xrf1)  }
0x37: {  	v21 =	vld [tilespmem:s13+$0x30];
	v10 =	vperm.xlane v10, v4;
	v22 =	vperm.xlane v7, v4;
	v14, v20, _ =	vpop (xrf1)  }
0x38: {  	v23 =	vld [tilespmem:s13+$0xB0];
	v7 =	vperm.xlane v17, v4;
	(xrf1) =	vsort.dscd.msk.f32 $0xffff, v5, v6;
	v17 =	vperm.xlane v19, v4;
	v5, v6, _ =	vpop (xrf1)  }
0x39: {  	v18 =	vperm.xlane v18, v4;
	vm1 =	vgt.f32 v5, v10  }
0x3a: {  	v19 =	vld [tilespmem:s13+$0x10];
	v24, v25, _ =	vpop (xrf1);
	v27 =	vsel vm1, v6, v7  }
0x3b: {  	v28 =	vld [tilespmem:s13+$0x90];
	v26 =	vsel vm1, v5, v10;
	v5 =	vsel vm1, v10, v5;
	vm3 =	vgt.f32 v24, v18;
	v10, v29, _ =	vpop (xrf1)  }
0x3c: {  	(xrf1) =	vsort.dscd.msk.f32 $0xffff, v21, v3;
	v6 =	vsel vm1, v7, v6;
	v7 =	vsel vm3, v25, v17;
	v17, v21, _ =	vpop (xrf1)  }
0x3d: {  	v8 =	vperm.xlane v8, v4;
	v12 =	vperm.xlane v12, v4;
	(xrf1) =	vsort.dscd.msk.f32 $0xffff, v23, v3;
	v23, v30, _ =	vpop (xrf1)  }
0x3e: {  	v11 =	vperm.xlane v11, v4;
	v13 =	vperm.xlane v13, v4;
	(xrf1) =	vsort.dscd.msk.f32 $0xffff, v26, v27;
	v26, v27, _ =	vpop (xrf1)  }
0x3f: {  	v9 =	vperm.xlane v9, v4;
	v25 =	vld [tilespmem:s13+$0x80];
	(xrf1) =	vsort.dscd.msk.f32 $0xffff, v19, v1;
	vm4 =	vgt.f32 v26, v12  }
0x40: {  	v31 =	vld [tilespmem:s13+$0x0];
	vm1 =	vgt.f32 v14, v22;
	(xrf1) =	vsort.dscd.msk.f32 $0xffff, v28, v1;
	v28 =	vsel vm4, v26, v12  }
0x41: {  	v32 =	vsel vm1, v9, v20;
	v9 =	vsel vm1, v20, v9;
	v18 =	vsel vm3, v24, v18  }
0x42: {  	v24 =	vsel vm1, v22, v14;
	v14 =	vsel vm1, v14, v22;
	v19 =	vsel vm4, v27, v13  }
0x43: {  	v17 =	vperm.xlane v17, v4;
	vm2 =	vgt.f32 v23, v8;
	(xrf1) =	vsort.dscd.msk.f32 $0xffff, v28, v19  }
0x44: {  	v21 =	vperm.xlane v21, v4;
	v20 =	vsel vm2, v8, v23;
	(xrf1) =	vsort.dscd.msk.f32 $0xffff, v25, v0;
	v25, v28, _ =	vpop (xrf1)  }
0x45: {  	v8 =	vsel vm2, v23, v8;
	vm1 =	vgt.f32 v10, v17;
	v19 =	vld [tilespmem:s13+$0x20];
	(xrf1) =	vsort.dscd.msk.f32 $0xffff, v31, v0;
	v31, v33, _ =	vpop (xrf1)  }
0x46: {  	v23 =	vld [tilespmem:s13+$0xA0];
	v10 =	vsel vm1, v10, v17;
	v12 =	vsel vm4, v12, v26;
	(xrf1) =	vsort.dscd.msk.f32 $0xffff, v24, v32;
	v22, v24, _ =	vpop (xrf1)  }
0x47: {  	v13 =	vsel vm4, v13, v27;
	(xrf1) =	vsort.dscd.msk.f32 $0xffff, v14, v9;
	v14 =	vperm.xlane v22, v4  }
0x48: {  	v9 =	vsel vm2, v30, v11;
	v11 =	vsel vm2, v11, v30;
	v26 =	vperm.xlane v31, v4  }
0x49: {  	(xrf1) =	vsort.dscd.msk.f32 $0xffff, v12, v13;
	v12 =	vperm.xlane v33, v4;
	vm2 =	vgt.f32 v25, v14  }
0x4a: {  	(xrf1) =	vsort.dscd.msk.f32 $0xffff, v19, v2;
	vm3 =	vgt.f32 v15, v26;
	v14 =	vsel vm2, v25, v14  }
0x4b: {  	v13, v17, _ =	vpop (xrf1);
	(xrf1) =	vsort.dscd.msk.f32 $0xffff, v23, v2;
	v23 =	vperm.xlane v24, v4;
	v15 =	vsel vm3, v15, v26  }
0x4c: {  	v19, v22, _ =	vpop (xrf1);
	v12 =	vsel vm3, v16, v12;
	(xrf1) =	vsort.dscd.msk.f32 $0xffff, v5, v6;
	vm5 =	vgt.f32 v15, v14  }
0x4d: {  	v24, v25, _ =	vpop (xrf1);
	(xrf1) =	vsort.dscd.msk.f32 $0xffff, v20, v11;
	v11 =	vsel vm2, v28, v23;
	v16 =	vsel vm5, v15, v14  }
0x4e: {  	v5 =	vsel vm5, v14, v15;
	v6, v14, _ =	vpop (xrf1);
	(xrf1) =	vsort.dscd.msk.f32 $0xffff, v8, v9;
	v8 =	vsel vm5, v12, v11  }
0x4f: {  	vm4 =	vgt.f32 v10, v18;
	v13 =	vperm.xlane v13, v4  }
0x50: {  	s14 =	simm.s32 $0x300;
	v22 =	vperm.xlane v22, v4;
	v15 =	vsel vm1, v29, v21;
	vm1 =	vmmov vm4;
	v20, v21, _ =	vpop (xrf1);
	(xrf1) =	vsort.dscd.msk.f32 $0xffff, v16, v8  }
0x51: {  	v30 =	vsel vm1, v18, v10;
	v11 =	vsel vm5, v11, v12;
	v12 =	vld [tilespmem:s14+$0x30];
	v6 =	vperm.xlane v6, v4;
	v23, v26, _ =	vpop (xrf1)  }
0x52: {  	v29 =	vld [tilespmem:s14+$0xB0];
	v9 =	vsel vm4, v7, v15;
	v14 =	vperm.xlane v14, v4;
	v20 =	vperm.xlane v20, v4;
	v16, v8, _ =	vpop (xrf1)  }
0x53: {  	v21 =	vperm.xlane v21, v4;
	(xrf1) =	vsort.dscd.msk.f32 $0xffff, v5, v11;
	v26 =	vperm.xlane v26, v4;
	v27, v28, _ =	vpop (xrf1)  }
0x54: {  	v23 =	vperm.xlane v23, v4;
	(xrf1) =	vsort.dscd.msk.f32 $0xffff, v30, v9;
	vm2 =	vgt.f32 v27, v6  }
0x55: {  	v11, v5, _ =	vpop (xrf1);
	v31 =	vsel vm2, v27, v6;
	v44 =	vsel vm2, v28, v14;
	v27 =	vsel vm2, v6, v27;
	v6 =	vld [tilespmem:s14+$0x10]  }
0x56: {  	v9 =	vld [tilespmem:s14+$0x90];
	v14 =	vsel vm2, v14, v28;
	vm4 =	vgt.f32 v11, v23;
	v28, v45, _ =	vpop (xrf1);
	(xrf1) =	vsort.dscd.msk.f32 $0xffff, v12, v3  }
0x57: {  	vm3 =	vgt.f32 v16, v20;
	v12, v30, _ =	vpop (xrf1);
	v5 =	vsel vm4, v5, v26;
	(xrf1) =	vsort.dscd.msk.f32 $0xffff, v29, v3  }
0x58: {  	v35 =	vld [tilespmem:s14+$0x80];
	v26 =	vsel vm3, v21, v8;
	v21 =	vsel vm3, v8, v21;
	v8 =	vperm.xlane v19, v4;
	v29, v34, _ =	vpop (xrf1)  }
0x59: {  	v19 =	vld [tilespmem:s14+$0x0];
	(xrf1) =	vsort.dscd.msk.f32 $0xffff, v31, v44;
	v12 =	vperm.xlane v12, v4;
	vm2 =	vgt.f32 v29, v13;
	v31, v32, _ =	vpop (xrf1)  }
0x5a: {  	v36 =	vsel vm2, v13, v29;
	vm5 =	vgt.f32 v31, v8;
	(xrf1) =	vsort.dscd.msk.f32 $0xffff, v6, v1  }
0x5b: {  	v37, v38, _ =	vpop (xrf1);
	v39 =	vsel vm5, v32, v22;
	(xrf1) =	vsort.dscd.msk.f32 $0xffff, v9, v1;
	v9 =	vsel vm5, v31, v8  }
0x5c: {  	v13 =	vsel vm2, v29, v13;
	v6 =	vsel vm4, v11, v23;
	v23, v40, _ =	vpop (xrf1);
	(xrf1) =	vsort.dscd.msk.f32 $0xffff, v9, v39  }
0x5d: {  	v9 =	vperm.xlane v17, v4;
	v17 =	vperm.xlane v30, v4;
	v30, v46, _ =	vpop (xrf1);
	(xrf1) =	vsort.dscd.msk.f32 $0xffff, v35, v0  }
0x5e: {  	v29 =	vsel vm5, v8, v31;
	vm4 =	vgt.f32 v28, v12;
	v31, v47, _ =	vpop (xrf1);
	(xrf1) =	vsort.dscd.msk.f32 $0xffff, v19, v0  }
0x5f: {  	v11 =	vsel vm3, v20, v16;
	v8 =	vsel vm4, v28, v12;
	v12 =	vsel vm3, v16, v20;
	(xrf0) =	vmax.scan.msk.f32 $0xffff, v31  }
0x60: {  	(xrf1) =	vsort.dscd.msk.f32 $0xffff, v11, v26  }
0x61: {  	v41 =	vld [tilespmem:s14+$0x20];
	v10 =	vsel vm1, v10, v18;
	v16 =	vsel vm5, v22, v32;
	(xrf1) =	vsort.dscd.msk.f32 $0xffff, v12, v21  }
0x62: {  	v7 =	vsel vm1, v15, v7;
	v20 =	vperm.xlane v30, v4;
	v11 =	vld [tilespmem:s14+$0xA0];
	(xrf1) =	vsort.dscd.msk.f32 $0xffff, v29, v16  }
0x63: {  	vm1 =	vgt.f32 v8, v6;
	v19 =	vperm.xlane v23, v4;
	_, v12, _ =	vpop (xrf1);
	(xrf1) =	vsort.dscd.msk.f32 $0xffff, v10, v7  }
0x64: {  	v23 =	vsel vm2, v34, v9;
	v9 =	vsel vm2, v9, v34;
	vm2 =	vgt.f32 v37, v20;
	_, v15, _ =	vpop (xrf1)  }
0x65: {  	v26 =	vperm.xlane v46, v4;
	vm3 =	vgt.f32 v24, v19;
	v7 =	vperm.xlane v40, v4;
	v10, v16, _ =	vpop (xrf1)  }
0x66: {  	v20 =	vsel vm2, v37, v20;
	v19 =	vsel vm3, v24, v19;
	(xrf1) =	vsort.dscd.msk.f32 $0xffff, v41, v2;
	v18, v21, _ =	vpop (xrf1)  }
0x67: {  	[tilespmem:s11+$0xA000] =	vst v47;
	v7 =	vsel vm3, v25, v7;
	vm3 =	vgt.f32 v19, v20;
	v22, _, _ =	vpop (xrf0);
	(xrf1) =	vsort.dscd.msk.f32 $0xffff, v11, v2  }
0x68: {  	v11, v24, _ =	vpop (xrf1);
	v25 =	vsel vm3, v19, v20;
	v19 =	vsel vm3, v20, v19;
	v20 =	vbroadcast v22, $0xF;
	(xrf1) =	vsort.dscd.msk.f32 $0xffff, v27, v14  }
0x69: {  	[tilespmem:s11+$0xA010] =	vst v12;
	v12 =	vsel vm4, v45, v17;
	v53 =	vperm.xlane v10, v4;
	v17, v22, _ =	vpop (xrf1);
	(xrf1) =	vsort.dscd.msk.f32 $0xffff, v36, v9  }
0x6a: {  	s15 =	simm.s32 $0x400;
	[tilespmem:s11+$0xA090] =	vst v15;
	v14 =	vsel vm1, v5, v12;
	v20 =	vsub.f32 v31, v20;
	v9 =	vsel vm2, v38, v26;
	v27, v28, _ =	vpop (xrf1)  }
0x6b: {  	v30 =	vld [tilespmem:s15+$0x30];
	(xrf1) =	vsort.dscd.msk.f32 $0xffff, v13, v23;
	v26 =	vsel vm3, v7, v9;
	v17 =	vperm.xlane v17, v4;
	v13, v23, _ =	vpop (xrf1)  }
0x6c: {  	vm1 =	vmmov vm1;
	v7 =	vsel vm3, v9, v7;
	v15 =	vperm.xlane v27, v4;
	(xrf1) =	vsort.dscd.msk.f32 $0xffff, v25, v26;
	v27, v29, _ =	vpop (xrf1)  }
0x6d: {  	v25 =	vsel vm1, v6, v8;
	v26 =	vperm.xlane v28, v4;
	v23 =	vperm.xlane v23, v4;
	v9, v31, _ =	vpop (xrf1)  }
0x6e: {  	v48 =	vld [tilespmem:s15+$0xB0];
	v13 =	vperm.xlane v13, v4;
	(xrf1) =	vsort.dscd.msk.f32 $0xffff, v19, v7;
	vm2 =	vgt.f32 v9, v17;
	v28, v49, _ =	vpop (xrf1)  }
0x6f: {  	(xrf1) =	vsort.dscd.msk.f32 $0xffff, v25, v14;
	v19 =	vsel vm2, v9, v17;
	v17 =	vsel vm2, v17, v9;
	v9, v51, _ =	vpop (xrf1)  }
0x70: {  	v22 =	vperm.xlane v22, v4;
	(xrf1) =	vsort.dscd.msk.f32 $0xffff, v30, v3;
	vm3 =	vgt.f32 v28, v13;
	v25, v30, _ =	vpop (xrf1)  }
0x71: {  	v16 =	vperm.xlane v16, v4;
	v18 =	vperm.xlane v18, v4;
	v14 =	vld [tilespmem:s15+$0x10];
	v7 =	vsel vm3, v49, v23;
	v23, v52, _ =	vpop (xrf1)  }
0x72: {  	v10 =	vmul.f32 $1.442695020e+00, v20;
	v50 =	vsel vm2, v31, v22;
	v22 =	vsel vm2, v22, v31;
	v31 =	vld [tilespmem:s15+$0x90];
	(xrf0) =	vmax.scan.msk.f32 $0xffff, v23  }
0x73: {  	v21 =	vperm.xlane v21, v4;
	vm2 =	vgt.f32 v27, v15;
	(xrf1) =	vsort.dscd.msk.f32 $0xffff, v48, v3  }
0x74: {  	v20 =	vld [tilespmem:s15+$0x80];
	(erf) = vpow2.f32 v10;
	v54 =	vsel vm2, v26, v29;
	v26 =	vsel vm2, v29, v26;
	v29, v55, _ =	vpop (xrf1)  }
0x75: {  	v5 =	vsel vm1, v12, v5;
	v10 =	vsel vm3, v28, v13;
	(xrf1) =	vsort.dscd.msk.f32 $0xffff, v19, v50;
	v19 =	vld [tilespmem:s15+$0x0];
	v57, v56, _ =	vpop (xrf1)  }
0x76: {  	v25 =	vperm.xlane v25, v4;
	(xrf1) =	vsort.dscd.msk.f32 $0xffff, v14, v1;
	vm5 =	vgt.f32 v57, v18;
	v14, v59, _ =	vpop (xrf1)  }
0x77: {  	(xrf1) =	vsort.dscd.msk.f32 $0xffff, v31, v1;
	v60 =	vsel vm5, v56, v21;
	v31 =	vsel vm5, v57, v18;
	v13, v28, _ =	vpop (xrf1)  }
0x78: {  	v6 =	vsel vm1, v8, v6;
	vm4 =	vgt.f32 v29, v53;
	(xrf1) =	vsort.dscd.msk.f32 $0xffff, v31, v60;
	v61, _, _ =	vpop (xrf0)  }
0x79: {  	vm3 =	vgt.f32 v9, v25;
	(xrf1) =	vsort.dscd.msk.f32 $0xffff, v20, v0;
	v20 =	vperm.xlane v30, v4;
	v30, v62, _ =	vpop (xrf1)  }
0x7a: {  	v58 =	vsel vm4, v53, v29;
	v18 =	vsel vm5, v18, v57;
	v41 =	vbroadcast v61, $0xF;
	(xrf1) =	vsort.dscd.msk.f32 $0xffff, v19, v0;
	v63, v42, _ =	vpop (xrf1)  }
0x7b: {  	v43 =	vld [tilespmem:s15+$0x20];
	v31 =	vsel vm2, v15, v27;
	v15 =	vsel vm2, v27, v15;
	v19 =	vperm.xlane v13, v4;
	(xrf0) =	vmax.scan.msk.f32 $0xffff, v63  }
0x7c: {  	v13 =	vsel vm3, v9, v25;
	(xrf1) =	vsort.dscd.msk.f32 $0xffff, v31, v54;
	v9 =	vsub.f32 v23, v41  }
0x7d: {  	v21 =	vsel vm5, v21, v56;
	v27 =	vperm.xlane v30, v4;
	v30 =	vpop (erf);
	v23 =	vld [tilespmem:s15+$0xA0];
	(xrf1) =	vsort.dscd.msk.f32 $0xffff, v15, v26  }
0x7e: {  	v29 =	vsel vm4, v29, v53;
	v44 =	vsel vm4, v55, v16;
	_, v25, _ =	vpop (xrf1);
	(xrf1) =	vsort.dscd.msk.f32 $0xffff, v18, v21;
	v9 =	vmul.f32 $1.442695020e+00, v9  }
0x7f: {  	v16 =	vsel vm4, v16, v55;
	_, v12, _ =	vpop (xrf1);
	vm4 =	vgt.f32 v11, v19;
	(xrf1) =	vsort.dscd.msk.f32 $0xffff, v6, v5  }
0x80: {  	v8, v31, _ =	vpop (xrf1);
	v6 =	vperm.xlane v28, v4;
	v5 =	vnsel vm0, $0x0, v30;
	(xrf1) =	vsort.dscd.msk.f32 $0xffff, v43, v2;
	(erf) = vpow2.f32 v9  }
0x81: {  	vm1 =	vgt.f32 v13, v10;
	vm2 =	vgt.f32 v14, v27;
	v15 =	vsel vm4, v11, v19;
	v26, v28, _ =	vpop (xrf1);
	(xrf2) =	vadd.scan.msk.f32 $0xffff, v5  }
0x82: {  	[tilespmem:s11+$0xA080] =	vst v52;
	v14 =	vsel vm2, v14, v27;
	v6 =	vsel vm4, v24, v6;
	(xrf1) =	vsort.dscd.msk.f32 $0xffff, v23, v2;
	v18, _, _ =	vpop (xrf0)  }
0x83: {  	[tilespmem:s12+$0xA010] =	vst v25;
	vm4 =	vgt.f32 v15, v14;
	v24 =	vperm.xlane v62, v4;
	(xrf1) =	vsort.dscd.msk.f32 $0xffff, v17, v22;
	v11, v9, _ =	vpop (xrf1)  }
0x84: {  	v19 =	vsel vm4, v15, v14;
	v17 =	vsel vm4, v14, v15;
	v14 =	vbroadcast v18, $0xF;
	(xrf1) =	vsort.dscd.msk.f32 $0xffff, v58, v16;
	v21, v23, _ =	vpop (xrf1)  }
0x85: {  	[tilespmem:s12+$0xA000] =	vst v42;
	v15 =	vsel vm3, v51, v20;
	v16 =	vsel vm2, v59, v24;
	(xrf1) =	vsort.dscd.msk.f32 $0xffff, v29, v44;
	v18, v20, _ =	vpop (xrf1)  }
0x86: {  	s16 =	simm.s32 $0x500;
	[tilespmem:s12+$0xA090] =	vst v12;
	v27 =	vsub.f32 v63, v14;
	v14 =	vperm.xlane v18, v4;
	v18 =	vsel vm4, v6, v16  }
0x87: {  	v12 =	vsel vm1, v7, v15;
	vm1 =	vmmov vm1;
	v24, v25, _ =	vpop (xrf1);
	v6 =	vsel vm4, v16, v6;
	v16 =	vld [tilespmem:s16+$0x30]  }
0x88: {  	v49 =	vsel vm1, v10, v13;
	v22, v29, _ =	vpop (xrf1);
	v48 =	vperm.xlane v24, v4;
	v24 =	vld [tilespmem:s16+$0xB0];
	(xrf1) =	vsort.dscd.msk.f32 $0xffff, v19, v18  }
0x89: {  	v21 =	vperm.xlane v21, v4;
	v25 =	vperm.xlane v25, v4;
	(xrf1) =	vsort.dscd.msk.f32 $0xffff, v17, v6;
	v18 =	vpop (erf)  }
0x8a: {  	v8 =	vperm.xlane v8, v4;
	v58 =	vperm.xlane v28, v4;
	v30, v47, _ =	vpop (xrf1);
	(xrf1) =	vsort.dscd.msk.f32 $0xffff, v49, v12;
	v6 =	vnsel vm0, $0x0, v18  }
0x8b: {  	v28 =	vperm.xlane v26, v4;
	v23 =	vperm.xlane v23, v4;
	vm2 =	vgt.f32 v30, v21;
	v50, v36, _ =	vpop (xrf1);
	(xrf2) =	vadd.scan.msk.f32 $0xffff, v6  }
0x8c: {  	v27 =	vmul.f32 $1.442695020e+00, v27;
	v17 =	vperm.xlane v20, v4;
	v51 =	vsel vm2, v30, v21;
	v53, v19, _ =	vpop (xrf1);
	(xrf1) =	vsort.dscd.msk.f32 $0xffff, v16, v3  }
0x8d: {  	v12 =	vld [tilespmem:s16+$0x10];
	v52 =	vsel vm2, v47, v23;
	vm3 =	vgt.f32 v50, v48;
	v55, v54, _ =	vpop (xrf1);
	(xrf1) =	vsort.dscd.msk.f32 $0xffff, v24, v3  }
0x8e: {  	(erf) = vpow2.f32 v27;
	v49 =	vperm.xlane v31, v4;
	v16 =	vsel vm3, v36, v25;
	v36, v25, _ =	vpop (xrf1);
	(xrf1) =	vsort.dscd.msk.f32 $0xffff, v51, v52  }
0x8f: {  	v60, _, _ =	vpop (xrf2);
	v18 =	vsel vm2, v21, v30;
	v20 =	vsel vm2, v23, v47;
	vm2 =	vgt.f32 v22, v14;
	(xrf0) =	vmax.scan.msk.f32 $0xffff, v36  }
0x90: {  	v57 =	vld [tilespmem:s16+$0x90];
	v34 =	vsel vm2, v17, v29;
	v30 =	vsel vm2, v29, v17;
	v47 =	vperm.xlane v55, v4;
	v56, v45, _ =	vpop (xrf1)  }
0x91: {  	v17 =	vsel vm3, v50, v48;
	v41 =	vsel vm2, v14, v22;
	v29 =	vperm.xlane v54, v4;
	v59, v46, _ =	vpop (xrf1)  }
0x92: {  	v48 =	vld [tilespmem:s16+$0x80];
	vm4 =	vgt.f32 v56, v8;
	vm3 =	vgt.f32 v53, v47;
	(xrf1) =	vsort.dscd.msk.f32 $0xffff, v12, v1;
	v35, v26, _ =	vpop (xrf1)  }
0x93: {  	v24 =	vsel vm4, v8, v56;
	v12 =	vld [tilespmem:s16+$0x0];
	v27 =	vsel vm4, v56, v8;
	vm5 =	vgt.f32 v59, v28;
	v61, v39, _ =	vpop (xrf1)  }
0x94: {  	v21 =	vld [tilespmem:s16+$0x20];
	v37 =	vsel vm4, v49, v45;
	v31 =	vsel vm5, v46, v58;
	v40 =	vsel vm5, v28, v59;
	v8, v32, _ =	vpop (xrf1)  }
0x95: {  	v23 =	vld [tilespmem:s16+$0xA0];
	[tilespmem:s12+$0xA080] =	vst v25;
	v25 =	vsel vm5, v59, v28;
	v28 =	vsel vm4, v45, v49;
	(xrf1) =	vsort.dscd.msk.f32 $0xffff, v57, v1;
	v63, _, _ =	vpop (xrf0)  }
0x96: {  	v50 =	vbroadcast v60, $0xF;
	v43 =	vsel vm5, v58, v46;
	(xrf1) =	vsort.dscd.msk.f32 $0xffff, v25, v31;
	v42 =	vperm.xlane v8, v4;
	v62, _, _ =	vpop (xrf2)  }
0x97: {  	v25 =	vsel vm3, v53, v47;
	(xrf1) =	vsort.dscd.msk.f32 $0xffff, v48, v0;
	v44 =	vbroadcast v63, $0xF;
	v33, v8, _ =	vpop (xrf1);
	v31 =	vbroadcast v62, $0xF  }
0x98: {  	s17 =	simm.s32 $0x1800;
	(erf) = vrcp.f32 v50;
	v38 =	vperm.xlane v61, v4;
	vm4 =	vgt.f32 v25, v17;
	(xrf1) =	vsort.dscd.msk.f32 $0xffff, v12, v0;
	_, v12, _ =	vpop (xrf1)  }
.LBB2_2:
0x99: {  	p0 =	sne.s32 s17, $0x13C00;
	v14 =	vsel vm2, v22, v14;
	(xrf0) =	vmax.scan.msk.f32 $0xffff, v33;
	v22 =	vsub.f32 v36, v44;
	v36 =	vpop (erf);
	(erf) = vrcp.f32 v31;
	s18 =	smov.u32 s17;
	s17 =	sadd.s32 $0x400, s17  }
0x9a: {  	vm2 =	vgt.f32 v35, v42;
	v7 =	vsel vm1, v15, v7;
	(xrf1) =	vsort.dscd.msk.f32 $0xffff, v41, v34;
	_, v34, _ =	vpop (xrf1);
	v36 =	vnsel vm0, $0x0, v36  }
0x9b: {  	v15 =	vperm.xlane v39, v4;
	vm5 =	vgt.f32 v11, v38;
	v10 =	vsel vm1, v13, v10;
	v41, v31, _ =	vpop (xrf1);
	[tilespmem:s13+$0xA010] =	vst v12  }
0x9c: {  	v13 =	vsel vm5, v11, v38;
	v22 =	vmul.f32 $1.442695020e+00, v22;
	v12, v39, _ =	vpop (xrf1);
	(xrf1) =	vsort.dscd.msk.f32 $0xffff, v14, v30;
	v14 =	vsel vm2, v35, v42  }
0x9d: {  	v30 =	vsel vm5, v9, v15;
	(xrf1) =	vsort.dscd.msk.f32 $0xffff, v40, v43;
	v11, v9, _ =	vpop (xrf1);
	vm5 =	vgt.f32 v13, v14;
	[tilespmem:s13+$0xA000] =	vst v8  }
0x9e: {  	v8 =	vsel vm5, v13, v14;
	v35 =	vsel vm5, v14, v13;
	(xrf1) =	vsort.dscd.msk.f32 $0xffff, v10, v7;
	(erf) = vpow2.f32 v22  }
0x9f: {  	v15 =	vsel vm3, v19, v29;
	v7 =	vmov v16;
	(xrf1) =	vsort.dscd.msk.f32 $0xffff, v21, v2;
	[tilespmem:s13+$0xA090] =	vst v34;
	v10, _, _ =	vpop (xrf0)  }
0xa0: {  	v29 =	vsel vm4, v7, v15;
	v16, v19, _ =	vpop (xrf1);
	(xrf1) =	vsort.dscd.msk.f32 $0xffff, v23, v2;
	v22 =	vbroadcast v10, $0xF;
	v10 =	vmov v17  }
0xa1: {  	vm1 =	vmmov vm4;
	v13 =	vmov v25;
	v17 =	vperm.xlane v32, v4;
	v21 =	vpop (erf)  }
0xa2: {  	(xrf1) =	vsort.dscd.msk.f32 $0xffff, v18, v20;
	v25 =	vsub.f32 v33, v22;
	v18 =	vmul.f32 v21, v5;
	v14 =	vpop (erf);
	v5 =	vmov v36  }
0xa3: {  	s18 =	sshra.s32 s18, $0x2;
	v17 =	vsel vm2, v26, v17;
	v20, v23, _ =	vpop (xrf1);
	(xrf1) =	vsort.dscd.msk.f32 $0xffff, v24, v37;
	v6 =	vmul.f32 v14, v6  }
0xa4: {  	v26 =	vld [tilespmem:s18+$0x10];
	v14 =	vperm.xlane v20, v4;
	(xrf1) =	vsort.dscd.msk.f32 $0xffff, v27, v28;
	v20, v24, _ =	vpop (xrf1);
	v27 =	vsel vm5, v30, v17;
	[tilespmem:s11+$0x5000] =	vst v18  }
0xa5: {  	v17 =	vsel vm5, v17, v30;
	v21 =	vld [tilespmem:s18+$0x20];
	v22, v28, _ =	vpop (xrf1);
	v24 =	vperm.xlane v24, v4;
	(xrf2) =	vadd.scan.msk.f32 $0xffff, v5;
	[tilespmem:s11+$0x5080] =	vst v6;
	s11 =	smov.u32 s12;
	s12 =	smov.u32 s13;
	s13 =	smov.u32 s14  }
0xa6: {  	v16 =	vperm.xlane v16, v4;
	v33 =	vperm.xlane v20, v4;
	s14 =	smov.u32 s15;
	s15 =	smov.u32 s16;
	s16 =	smov.u32 s18;
	v30 =	vld [tilespmem:s18+$0x30];
	v18, v32, _ =	vpop (xrf1)  }
0xa7: {  	v40 =	vperm.xlane v19, v4;
	v36 =	vsel vm1, v10, v13;
	v34 =	vld [tilespmem:s16+$0xB0];
	(xrf1) =	vsort.dscd.msk.f32 $0xffff, v8, v27;
	v6 =	vpop (erf)  }
0xa8: {  	vm2 =	vgt.f32 v18, v16;
	v27 =	vperm.xlane v23, v4;
	v8 =	vld [tilespmem:s16+$0x90];
	v37, v38, _ =	vpop (xrf1);
	(xrf1) =	vsort.dscd.msk.f32 $0xffff, v35, v17;
	v6 =	vnsel vm0, $0x0, v6  }
0xa9: {  	v17 =	vsel vm2, v18, v16;
	v35 =	vsel vm2, v32, v40;
	v18 =	vsel vm2, v16, v18;
	v23 =	vld [tilespmem:s16+$0xA0];
	(xrf2) =	vadd.scan.msk.f32 $0xffff, v6  }
0xaa: {  	v20 =	vsel vm2, v40, v32;
	vm3 =	vgt.f32 v37, v33;
	v42 =	vld [tilespmem:s16+$0x80];
	v43, v19, _ =	vpop (xrf1);
	(xrf1) =	vsort.dscd.msk.f32 $0xffff, v36, v29  }
0xab: {  	vm2 =	vgt.f32 v22, v14;
	v16 =	vsel vm3, v38, v24;
	v45 =	vld [tilespmem:s16+$0x0];
	(xrf1) =	vsort.dscd.msk.f32 $0xffff, v30, v3;
	v29, v32, _ =	vpop (xrf1)  }
0xac: {  	v38 =	vperm.xlane v41, v4;
	v24 =	vmul.f32 $1.442695020e+00, v25;
	(xrf1) =	vsort.dscd.msk.f32 $0xffff, v34, v3;
	v34 =	vsel vm2, v27, v28;
	v36, v25, _ =	vpop (xrf1)  }
0xad: {  	v44 =	vperm.xlane v39, v4;
	v30 =	vsel vm2, v28, v27;
	v27, v46, _ =	vpop (xrf1);
	(xrf1) =	vsort.dscd.msk.f32 $0xffff, v17, v35;
	[tilespmem:s12+$0xA080] =	vst v25  }
0xae: {  	v12 =	vperm.xlane v12, v4;
	vm4 =	vgt.f32 v27, v38;
	v25, v47, _ =	vpop (xrf1);
	(erf) = vpow2.f32 v24;
	(xrf0) =	vmax.scan.msk.f32 $0xffff, v36  }
0xaf: {  	v48 =	vperm.xlane v29, v4;
	v17 =	vsel vm3, v37, v33;
	v24 =	vsel vm4, v38, v27;
	v28, _, _ =	vpop (xrf2)  }
0xb0: {  	v41 =	vsel vm2, v14, v22;
	vm5 =	vgt.f32 v25, v12;
	(xrf1) =	vsort.dscd.msk.f32 $0xffff, v26, v1;
	v35, v26, _ =	vpop (xrf1);
	v49 =	vbroadcast v28, $0xF  }
0xb1: {  	v29 =	vperm.xlane v32, v4;
	v37 =	vperm.xlane v31, v4;
	v31 =	vsel vm5, v47, v44;
	v28, v39, _ =	vpop (xrf1)  }
.Ltmp0:
0xb2: {  	v27 =	vsel vm4, v27, v38;
	v40 =	vsel vm5, v12, v25;
	v38 =	vperm.xlane v28, v4;
	v33, v32, _ =	vpop (xrf1);
	(pc) =	sbr.rel @p0 .LBB2_2-.Ltmp0, $4  }
0xb3: {  	vm3 =	vgt.f32 v43, v48;
	v50 =	vsel vm5, v25, v12;
	(xrf1) =	vsort.dscd.msk.f32 $0xffff, v8, v1;
	v12, _, _ =	vpop (xrf2)  }
0xb4: {  	v25 =	vsel vm3, v43, v48;
	v28 =	vsel vm4, v46, v37;
	(xrf1) =	vsort.dscd.msk.f32 $0xffff, v50, v31;
	v48, _, _ =	vpop (xrf0);
	v31 =	vbroadcast v12, $0xF  }
0xb5: {  	v43 =	vsel vm5, v44, v47;
	(xrf1) =	vsort.dscd.msk.f32 $0xffff, v42, v0;
	v42 =	vperm.xlane v33, v4;
	v33, v8, _ =	vpop (xrf1);
	v44 =	vbroadcast v48, $0xF  }
0xb6: {  	v37 =	vsel vm4, v37, v46;
	vm4 =	vgt.f32 v25, v17;
	(xrf1) =	vsort.dscd.msk.f32 $0xffff, v45, v0;
	_, v12, _ =	vpop (xrf1);
	(erf) = vrcp.f32 v49  }
0xb7: {  	(xrf0) =	vmax.scan.msk.f32 $0xffff, v33;
	(erf) = vrcp.f32 v31;
	v22 =	vsel vm2, v22, v14  }
0xb8: {  	v56 =	vsub.f32 v36, v44;
	v57 =	vpop (erf);
	(xrf1) =	vsort.dscd.msk.f32 $0xffff, v41, v34  }
0xb9: {  	_, v14, _ =	vpop (xrf1);
	(xrf1) =	vsort.dscd.msk.f32 $0xffff, v22, v30  }
0xba: {  	v7 =	vsel vm1, v15, v7;
	v10 =	vsel vm1, v13, v10;
	v58 =	vmul.f32 $1.442695020e+00, v56;
	v22, v34, _ =	vpop (xrf1);
	(xrf1) =	vsort.dscd.msk.f32 $0xffff, v40, v43  }
0xbb: {  	v15, v31, _ =	vpop (xrf1);
	(xrf1) =	vsort.dscd.msk.f32 $0xffff, v10, v7  }
0xbc: {  	(erf) = vpow2.f32 v58;
	v40, v30, _ =	vpop (xrf1)  }
0xbd: {  	v59, _, _ =	vpop (xrf0)  }
0xbe: {  	(xrf1) =	vsort.dscd.msk.f32 $0xffff, v21, v2;
	v61, v60, _ =	vpop (xrf1)  }
0xbf: {  	(xrf1) =	vsort.dscd.msk.f32 $0xffff, v23, v2;
	v13 =	vpop (erf)  }
0xc0: {  	v7 =	vnsel vm0, $0x0, v57;
	v10 =	vpop (erf)  }
0xc1: {  	(xrf2) =	vadd.scan.msk.f32 $0xffff, v7;
	v62, v63, _ =	vpop (xrf1)  }
0xc2: {  	vm1 =	vgt.f32 v35, v42;
	v45, v46, _ =	vpop (xrf1)  }
0xc3: {  	v50 =	vperm.xlane v39, v4;
	vm2 =	vgt.f32 v11, v38;
	v32 =	vperm.xlane v32, v4;
	v47, v48, _ =	vpop (xrf1)  }
0xc4: {  	v51 =	vsel vm2, v11, v38;
	v35 =	vsel vm1, v35, v42;
	(xrf1) =	vsort.dscd.msk.f32 $0xffff, v18, v20;
	v20, v39, _ =	vpop (xrf1)  }
0xc5: {  	v19 =	vsel vm3, v19, v29;
	vm5 =	vgt.f32 v51, v35;
	v52 =	vpop (erf)  }
0xc6: {  	v36 =	vsel vm2, v9, v50;
	v26 =	vsel vm1, v26, v32;
	(xrf1) =	vsort.dscd.msk.f32 $0xffff, v24, v37;
	v24, v37, _ =	vpop (xrf1);
	v11 =	vnsel vm0, $0x0, v52  }
0xc7: {  	v56 =	vsel vm4, v16, v19;
	v53 =	vsel vm5, v51, v35;
	v54 =	vbroadcast v59, $0xF;
	(xrf2) =	vadd.scan.msk.f32 $0xffff, v11;
	v32, v38, _ =	vpop (xrf1)  }
0xc8: {  	v55 =	vsel vm5, v36, v26;
	v26 =	vsel vm5, v26, v36;
	(xrf1) =	vsort.dscd.msk.f32 $0xffff, v27, v28;
	v28, v41, _ =	vpop (xrf1)  }
0xc9: {  	v15 =	vperm.xlane v15, v4;
	v31 =	vperm.xlane v31, v4;
	v57 =	vsub.f32 v33, v54;
	v27, v9, _ =	vpop (xrf1)  }
0xca: {  	v18 =	vsel vm5, v35, v51;
	v29 =	vperm.xlane v61, v4;
	v35 =	vperm.xlane v60, v4;
	(xrf0) =	vmax.scan.msk.f32 $0xffff, v27  }
0xcb: {  	vm2 =	vmmov vm4;
	v58 =	vperm.xlane v62, v4;
	v33 =	vmul.f32 $1.442695020e+00, v57;
	v62, _, _ =	vpop (xrf2);
	(xrf1) =	vsort.dscd.msk.f32 $0xffff, v53, v55  }
0xcc: {  	v59 =	vsel vm2, v17, v25;
	vm1 =	vgt.f32 v20, v29;
	v43 =	vbroadcast v62, $0xF;
	(xrf1) =	vsort.dscd.msk.f32 $0xffff, v18, v26;
	v21, v42, _ =	vpop (xrf1)  }
0xcd: {  	(erf) = vpow2.f32 v33;
	v60 =	vsel vm1, v20, v29;
	v61 =	vsel vm1, v39, v35;
	(xrf1) =	vsort.dscd.msk.f32 $0xffff, v59, v56;
	v26, v36, _ =	vpop (xrf1)  }
0xce: {  	v23 =	vperm.xlane v63, v4;
	(erf) = vrcp.f32 v43;
	(xrf1) =	vsort.dscd.msk.f32 $0xffff, v60, v61;
	vm15 =	vgt.f32 v26, v15  }
0xcf: {  	vm3 =	vgt.f32 v47, v58;
	v63 =	vsel vm15, v36, v31;
	v52 =	vsel vm15, v26, v15  }
0xd0: {  	v53 =	vsel vm3, v23, v48;
	v55 =	vsel vm3, v58, v47;
	(xrf1) =	vsort.dscd.msk.f32 $0xffff, v52, v63;
	v49, _, _ =	vpop (xrf0)  }
0xd1: {  	v23 =	vsel vm3, v48, v23;
	v18 =	vsel vm3, v47, v58;
	v54, _, _ =	vpop (xrf2);
	(xrf1) =	vsort.dscd.msk.f32 $0xffff, v55, v53  }
0xd2: {  	v49 =	vbroadcast v49, $0xF;
	v44 =	vbroadcast v54, $0xF;
	(xrf1) =	vsort.dscd.msk.f32 $0xffff, v18, v23  }
0xd3: {  	v57 =	vsel vm2, v19, v16;
	v15 =	vsel vm15, v15, v26;
	v56 =	vsel vm15, v31, v36  }
0xd4: {  	v58 =	vsel vm2, v25, v17;
	v23, v31, _ =	vpop (xrf1);
	(xrf1) =	vsort.dscd.msk.f32 $0xffff, v15, v56;
	v27 =	vsub.f32 v27, v49;
	(erf) = vrcp.f32 v44  }
0xd5: {  	v60, v61, _ =	vpop (xrf1);
	(xrf1) =	vsort.dscd.msk.f32 $0xffff, v58, v57  }
0xd6: {  	v52 =	vpop (erf);
	v59 =	vmul.f32 $1.442695020e+00, v27  }
0xd7: {  	v18 =	vpop (erf)  }
0xd8: {  	v63, v62, _ =	vpop (xrf1);
	(erf) = vpow2.f32 v59  }
0xd9: {  	v36, v15, _ =	vpop (xrf1)  }
0xda: {  	_, v17, _ =	vpop (xrf1)  }
0xdb: {  	_, v16, _ =	vpop (xrf1)  }
0xdc: {  	v22 =	vperm.xlane v22, v4;
	v34 =	vperm.xlane v34, v4;
	v44, v47, _ =	vpop (xrf1)  }
0xdd: {  	v45 =	vperm.xlane v45, v4;
	v20 =	vsel vm1, v29, v20;
	v53 =	vsel vm1, v35, v39;
	v19 =	vpop (erf)  }
0xde: {  	vm2 =	vgt.f32 v21, v22;
	(xrf1) =	vsort.dscd.msk.f32 $0xffff, v20, v53;
	v29, v35, _ =	vpop (xrf1)  }
0xdf: {  	vm1 =	vgt.f32 v24, v45;
	v55 =	vsel vm2, v34, v42;
	v54 =	vsel vm2, v22, v21;
	(xrf0) =	vmax.scan.msk.f32 $0xffff, v36;
	v39, v43, _ =	vpop (xrf1)  }
0xe0: {  	v25 =	vperm.xlane v60, v4;
	v57 =	vsel vm2, v42, v34;
	v20 =	vnsel vm0, $0x0, v52;
	(xrf1) =	vsort.dscd.msk.f32 $0xffff, v54, v55;
	v34, v42, _ =	vpop (xrf1)  }
0xe1: {  	v24 =	vsel vm1, v24, v45;
	v21 =	vsel vm2, v21, v22;
	v26 =	vperm.xlane v61, v4;
	(xrf2) =	vadd.scan.msk.f32 $0xffff, v20;
	v56 =	vpop (erf)  }
0xe2: {  	v27 =	vperm.xlane v63, v4;
	vm2 =	vgt.f32 v40, v25;
	(xrf1) =	vsort.dscd.msk.f32 $0xffff, v21, v57;
	v45, v48, _ =	vpop (xrf1);
	v21 =	vnsel vm0, $0x0, v56  }
0xe3: {  	v28 =	vperm.xlane v28, v4;
	v33 =	vperm.xlane v62, v4;
	v25 =	vsel vm2, v40, v25;
	v58, v22, _ =	vpop (xrf1);
	(xrf2) =	vadd.scan.msk.f32 $0xffff, v21  }
0xe4: {  	v26 =	vsel vm2, v30, v26;
	vm3 =	vgt.f32 v23, v27;
	v59 =	vperm.xlane v46, v4;
	(xrf0) =	vmax.scan.msk.f32 $0xffff, v58  }
0xe5: {  	v23 =	vsel vm3, v23, v27;
	v60 =	vsel vm3, v31, v33;
	vm3 =	vgt.f32 v32, v28;
	v63, _, _ =	vpop (xrf0)  }
0xe6: {  	v33 =	vperm.xlane v41, v4;
	vm2 =	vgt.f32 v25, v23;
	v30 =	vbroadcast v63, $0xF  }
0xe7: {  	v28 =	vsel vm3, v32, v28;
	v61 =	vsel vm2, v25, v23;
	v62 =	vsel vm2, v26, v60  }
0xe8: {  	v41 =	vsel vm1, v37, v59;
	(xrf1) =	vsort.dscd.msk.f32 $0xffff, v61, v62;
	v46 =	vsub.f32 v36, v30  }
0xe9: {  	v23 =	vsel vm2, v23, v25;
	v26 =	vsel vm2, v60, v26;
	vm1 =	vgt.f32 v28, v24  }
0xea: {  	v25 =	vsel vm3, v38, v33;
	vm2 =	vmmov vm1;
	(xrf1) =	vsort.dscd.msk.f32 $0xffff, v23, v26;
	v26 =	vmul.f32 $1.442695020e+00, v46;
	v49, _, _ =	vpop (xrf0)  }
0xeb: {  	v50 =	vsel vm1, v41, v25;
	v51 =	vsel vm2, v24, v28;
	v52, _, _ =	vpop (xrf2);
	v27 =	vbroadcast v49, $0xF  }
0xec: {  	v24 =	vsel vm2, v28, v24;
	v53 =	vbroadcast v52, $0xF;
	(erf) = vpow2.f32 v26  }
0xed: {  	v23 =	vsel vm2, v25, v41;
	(xrf1) =	vsort.dscd.msk.f32 $0xffff, v51, v50;
	v27 =	vsub.f32 v58, v27;
	v54, _, _ =	vpop (xrf2)  }
0xee: {  	(xrf1) =	vsort.dscd.msk.f32 $0xffff, v24, v23;
	(erf) = vrcp.f32 v53;
	v55 =	vbroadcast v54, $0xF  }
0xef: {  	v56 =	vmul.f32 $1.442695020e+00, v27  }
0xf0: {  	(erf) = vrcp.f32 v55  }
0xf1: {  	(erf) = vpow2.f32 v56  }
0xf2: {  	v58, v57, _ =	vpop (xrf1)  }
0xf3: {  	v60, v59, _ =	vpop (xrf1)  }
0xf4: {  	v62, v61, _ =	vpop (xrf1)  }
0xf5: {  	v46 =	vpop (erf)  }
0xf6: {  	v63, v31, _ =	vpop (xrf1)  }
0xf7: {  	v29 =	vperm.xlane v29, v4;
	v36 =	vpop (erf)  }
0xf8: {  	_, v32, _ =	vpop (xrf1)  }
0xf9: {  	vm1 =	vgt.f32 v39, v29;
	v37 =	vpop (erf)  }
0xfa: {  	v25 =	vperm.xlane v60, v4;
	v33 =	vnsel vm0, $0x0, v46;
	v27 =	vperm.xlane v62, v4;
	(xrf0) =	vmax.scan.msk.f32 $0xffff, v63;
	v49 =	vpop (erf)  }
0xfb: {  	v29 =	vsel vm1, v39, v29;
	v26 =	vperm.xlane v59, v4;
	(xrf2) =	vadd.scan.msk.f32 $0xffff, v33;
	_, v39, _ =	vpop (xrf1);
	v38 =	vnsel vm0, $0x0, v49  }
0xfc: {  	v28 =	vperm.xlane v61, v4;
	vm2 =	vgt.f32 v44, v25;
	vm3 =	vgt.f32 v58, v27;
	v50, v41, _ =	vpop (xrf1);
	(xrf2) =	vadd.scan.msk.f32 $0xffff, v38  }
0xfd: {  	v51 =	vperm.xlane v35, v4;
	v25 =	vsel vm2, v44, v25;
	v23 =	vsel vm3, v58, v27;
	(xrf0) =	vmax.scan.msk.f32 $0xffff, v50  }
0xfe: {  	v26 =	vsel vm2, v47, v26;
	v24 =	vsel vm3, v57, v28;
	vm2 =	vgt.f32 v25, v23  }
0xff: {  	v52 =	vperm.xlane v45, v4;
	v53 =	vsel vm2, v25, v23;
	v54 =	vsel vm2, v26, v24  }
0x100: {  	v23 =	vsel vm2, v23, v25;
	v24 =	vsel vm2, v24, v26;
	(xrf1) =	vsort.dscd.msk.f32 $0xffff, v53, v54;
	v55, _, _ =	vpop (xrf0)  }
0x101: {  	v56 =	vperm.xlane v48, v4;
	vm3 =	vgt.f32 v34, v52;
	(xrf1) =	vsort.dscd.msk.f32 $0xffff, v23, v24;
	v26 =	vbroadcast v55, $0xF  }
0x102: {  	v58 =	vsel vm1, v43, v51;
	v57 =	vsel vm3, v34, v52  }
0x103: {  	v59 =	vsel vm3, v42, v56;
	vm1 =	vgt.f32 v57, v29;
	v60 =	vsub.f32 v63, v26;
	v61, _, _ =	vpop (xrf0)  }
0x104: {  	vm2 =	vmmov vm1;
	v27 =	vsel vm1, v58, v59;
	v26 =	vbroadcast v61, $0xF  }
0x105: {  	v62 =	vsel vm2, v29, v57;
	v23 =	vsel vm2, v59, v58;
	v63, _, _ =	vpop (xrf2);
	v25 =	vmul.f32 $1.442695020e+00, v60  }
0x106: {  	v40 =	vsel vm2, v57, v29;
	(xrf1) =	vsort.dscd.msk.f32 $0xffff, v62, v27;
	v34 =	vbroadcast v63, $0xF;
	v26 =	vsub.f32 v50, v26;
	v35, _, _ =	vpop (xrf2)  }
0x107: {  	(xrf1) =	vsort.dscd.msk.f32 $0xffff, v40, v23;
	(erf) = vpow2.f32 v25;
	v42 =	vbroadcast v35, $0xF  }
0x108: {  	(erf) = vrcp.f32 v34;
	v43 =	vmul.f32 $1.442695020e+00, v26  }
0x109: {  	(erf) = vrcp.f32 v42  }
0x10a: {  	(erf) = vpow2.f32 v43;
	_ =	sdelay $0x3  }
0x10b: {  	v44, v24, _ =	vpop (xrf1)  }
0x10c: {  	_, v45, _ =	vpop (xrf1)  }
0x10d: {  	v46 =	vpop (erf)  }
0x10e: {  	v27 =	vpop (erf)  }
0x10f: {  	v47 =	vpop (erf)  }
0x110: {  	(xrf0) =	vmax.scan.msk.f32 $0xffff, v44;
	v26 =	vnsel vm0, $0x0, v46;
	v48 =	vpop (erf)  }
0x111: {  	_, v49, _ =	vpop (xrf1);
	(xrf2) =	vadd.scan.msk.f32 $0xffff, v26;
	v29 =	vnsel vm0, $0x0, v48  }
0x112: {  	v51, v50, _ =	vpop (xrf1);
	(xrf2) =	vadd.scan.msk.f32 $0xffff, v29  }
0x113: {  	(xrf0) =	vmax.scan.msk.f32 $0xffff, v51;
	_ =	sdelay $0x2  }
0x114: {  	v52, _, _ =	vpop (xrf0)  }
0x115: {  	v40 =	vbroadcast v52, $0xF;
	_ =	sdelay $0x1  }
0x116: {  	v23 =	vsub.f32 v44, v40;
	v53, _, _ =	vpop (xrf0)  }
0x117: {  	v40 =	vbroadcast v53, $0xF  }
0x118: {  	v23 =	vmul.f32 $1.442695020e+00, v23;
	v54, _, _ =	vpop (xrf2)  }
0x119: {  	v34 =	vsub.f32 v51, v40;
	v42 =	vbroadcast v54, $0xF;
	v55, _, _ =	vpop (xrf2)  }
0x11a: {  	(erf) = vpow2.f32 v23;
	v56 =	vbroadcast v55, $0xF  }
0x11b: {  	v34 =	vmul.f32 $1.442695020e+00, v34;
	(erf) = vrcp.f32 v42  }
0x11c: {  	(erf) = vrcp.f32 v56  }
0x11d: {  	(erf) = vpow2.f32 v34;
	_ =	sdelay $0x5  }
0x11e: {  	v57 =	vpop (erf)  }
0x11f: {  	v58 =	vpop (erf)  }
0x120: {  	v59 =	vpop (erf)  }
0x121: {  	[tilespmem:s13+$0xA010] =	vst v12;
	v60 =	vnsel vm0, $0x0, v57;
	v61 =	vpop (erf)  }
0x122: {  	[tilespmem:s13+$0xA000] =	vst v8;
	v5 =	vmul.f32 v13, v5;
	(xrf2) =	vadd.scan.msk.f32 $0xffff, v60;
	v62 =	vnsel vm0, $0x0, v61  }
0x123: {  	[tilespmem:s13+$0xA090] =	vst v14;
	v6 =	vmul.f32 v10, v6;
	(xrf2) =	vadd.scan.msk.f32 $0xffff, v62  }
0x124: {  	[tilespmem:s11+$0x5000] =	vst v5  }
0x125: {  	[tilespmem:s11+$0x5080] =	vst v6  }
0x126: {  	[tilespmem:s13+$0xA080] =	vst v9  }
0x127: {  	[tilespmem:s14+$0xA000] =	vst v15  }
0x128: {  	v5 =	vmul.f32 v18, v7;
	[tilespmem:s14+$0xA010] =	vst v17  }
0x129: {  	[tilespmem:s14+$0xA090] =	vst v16;
	v6 =	vmul.f32 v19, v11  }
0x12a: {  	[tilespmem:s12+$0x5000] =	vst v5  }
0x12b: {  	[tilespmem:s12+$0x5080] =	vst v6  }
0x12c: {  	[tilespmem:s14+$0xA080] =	vst v22;
	v5, _, _ =	vpop (xrf2)  }
0x12d: {  	[tilespmem:s15+$0xA000] =	vst v31;
	v5 =	vbroadcast v5, $0xF;
	v6, _, _ =	vpop (xrf2)  }
0x12e: {  	v7 =	vmul.f32 v36, v20;
	[tilespmem:s15+$0xA010] =	vst v32;
	v6 =	vbroadcast v6, $0xF  }
0x12f: {  	[tilespmem:s15+$0xA090] =	vst v39;
	v63 =	vmul.f32 v37, v21;
	(erf) = vrcp.f32 v5  }
0x130: {  	[tilespmem:s13+$0x5000] =	vst v7;
	(erf) = vrcp.f32 v6  }
0x131: {  	[tilespmem:s13+$0x5080] =	vst v63  }
0x132: {  	[tilespmem:s15+$0xA080] =	vst v41  }
0x133: {  	[tilespmem:s16+$0xA000] =	vst v24  }
0x134: {  	[tilespmem:s16+$0xA010] =	vst v45;
	v5 =	vmul.f32 v27, v33  }
0x135: {  	[tilespmem:s16+$0xA090] =	vst v49;
	v6 =	vmul.f32 v47, v38  }
0x136: {  	[tilespmem:s14+$0x5000] =	vst v5  }
0x137: {  	v5 =	vmul.f32 v58, v26;
	[tilespmem:s14+$0x5080] =	vst v6  }
0x138: {  	v7 =	vpop (erf);
	v6 =	vmul.f32 v59, v29;
	[tilespmem:s16+$0xA080] =	vst v50  }
0x139: {  	[tilespmem:s15+$0x5000] =	vst v5;
	v5 =	vmul.f32 v7, v60;
	v7 =	vpop (erf)  }
0x13a: {  	[tilespmem:s15+$0x5080] =	vst v6;
	v6 =	vmul.f32 v7, v62  }
0x13b: {  	[tilespmem:s16+$0x5000] =	vst v5  }
0x13c: {  	[tilespmem:s16+$0x5080] =	vst v6  }
0x13d: {  	[hbm4b:s4+s2] =	stream.linear.scatter [tilespmem:s8], [sflag:$0x1], $0x5000, $0x38;
	[tilespmem:$0xF000] =	vst v63  }
0x13e: {  	s10 =	sadd.s32 $0x1, s10;
	_ =	swait.ge [sflag:s7], $0x5000  }
0x13f: {  	p0 =	sne.s32 s10, s6;
	[sflag:s7] =	ssyncset.done $0x0  }
.Ltmp1:
0x140: {  	[sflag:s7] =	ssyncadd.s32 $0xFFFFB000;
	(pc) =	sbr.rel @p0 .LBB2_1-.Ltmp1, $4  }
0x141: {  	[hbm4b:s5+s2] =	stream.linear.scatter [tilespmem:s9], [sflag:$0x1], $0x5000, $0x38;
	[tilespmem:$0xF000] =	vst v63  }
0x142: {  	_ =	swait.ge [sflag:s7], $0x5000  }
0x143: {  	[sflag:s7] =	ssyncset.done $0x0  }
0x144: {  	[sflag:s7] =	ssyncadd.s32 $0xFFFFB000  }
0x145: {  	_ =	sfence.sel $0x180000  }
0x146: {  	[bflag:$0x0] =	sbarrier.arrive $0xFFFF  }
0x147: {  	p0 =	sne.s32 s0, $0x0;
	_ =	strace $0x9000004A  }
0x148: {  	s0 =	sadd.s32 @!p0 $0x100000, s1;
	[bflag:$0x2] =	sbarrier.arrive $0xFFFF  }
0x149: {  	[sflag:s0] =	ssyncadd.tile.s32 @!p0 $0x1;
	_ =	shalt  }
.Lfunc_end2:
_tile_overlayer_lowered:
.L_overlay_start_2:
0x14a: {  	(tag) =	ssettag $0x2  }
0x14b: {  	s0 =	rddreg [dreg:$0x0];
	s2 =	stileid.u32  }
0x14c: {  	s1 =	rddreg [dreg:$0x1];
	p0 =	sne.s32 s2, $0x0  }
0x14d: {  	s3 =	rddreg [dreg:$0x2];
	[bflag:$0x3] =	sbarrier.arrive $0xFFFF;
	s2 =	simm.s32 @!p0 $0x1C01  }
0x14e: {  	[timem:s3], [sflag:s2] =	dma.local @!p0 [hbm:s0], s1  }
0x14f: {  	s0 =	simm.s32 @!p0 $0x1  }
0x150: {  	_ =	swait.ge @!p0 [sflag:s0], s1  }
0x151: {  	s1 =	ssub.s32 @!p0 $0x0, s1;
	[sflag:s0] =	ssyncset.done @!p0 $0x0  }
0x152: {  	[sflag:s0] =	ssyncadd.s32 @!p0 s1  }
0x153: {  	[bflag:$0x3] =	sbarrier.arrive $0xFFFF  }
0x154: {  	_ =	shalt  }

</sc_bundles>
